<compile_context>
chip_gen: v7x
topology: tpu7x:2x2x1
jax: 0.10.2.dev20260603
libtpu: 0.0.44.dev20260713+nightly
codegen_flags: <defaults>
</compile_context>

<pallas_src>
import jax
import jax.numpy as jnp
from jax import lax
from jax.experimental import pallas as pl
from jax.experimental.pallas import tpu as pltpu
from jax.experimental.pallas import tpu_sc as plsc

T = 2048
E = 8
H = 768
I = 1024
K = 2
P = T * K
BLOCK = 256
NBLK = P // BLOCK + E
ROWS = NBLK * BLOCK
LOG2_BLOCK = 8

NTILES = 16
TPT = T // NTILES
ZCH = ROWS // NTILES
NW = 32
RPW = ROWS // NW
GCH = 64
TPW = T // NW

def _routing_body(gt_hbm, tok_hbm, wsort_hbm, pos_hbm, incl_hbm, cnts_hbm,
                  g_v, e0_v, e1_v, w0_v, w1_v, p0_v, p1_v, tok_v,
                  cnt_v, allcnt_v, base_v, incl_v, zi_v, zf_v,
                  sem, sem2, sem3, sem4, sem5, sem6):
    c = lax.axis_index("c")

    @pl.when(c == 0)
    def _():
        w = lax.axis_index("s")
        base = w * TPT
        lane = lax.iota(jnp.int32, 16)
        ones16 = jnp.ones((16,), jnp.int32)

        pltpu.sync_copy(gt_hbm, g_v)
        cnt_v[...] = jnp.zeros((16,), jnp.int32)

        def pass_a(j, carry):
            g = [g_v[e, pl.ds(base + j * 16, 16)] for e in range(E)]
            m1 = g[0]
            i1 = jnp.zeros((16,), jnp.int32)
            for e in range(1, E):
                gt = g[e] > m1
                m1 = jnp.where(gt, g[e], m1)
                i1 = jnp.where(gt, e, i1)
            m2 = jnp.full((16,), -jnp.inf, jnp.float32)
            i2 = jnp.zeros((16,), jnp.int32)
            for e in range(E):
                gt = (i1 != e) & (g[e] > m2)
                m2 = jnp.where(gt, g[e], m2)
                i2 = jnp.where(gt, e, i2)
            wt1 = 1.0 / (1.0 + jnp.exp(m2 - m1))
            sl = pl.ds(j * 16, 16)
            e0_v[sl] = i1
            e1_v[sl] = i2
            w0_v[sl] = wt1
            w1_v[sl] = 1.0 - wt1
            tok_v[sl] = base + j * 16 + lane
            plsc.addupdate_scatter(cnt_v, [i1], ones16)
            plsc.addupdate_scatter(cnt_v, [i2], ones16)
            return carry

        lax.fori_loop(0, TPT // 16, pass_a, 0)

        cpub = pltpu.async_copy(cnt_v, cnts_hbm.at[pl.ds(w * 16, 16)], sem5)

        def zinit(j, carry):
            sl = pl.ds(j * 16, 16)
            zi_v[sl] = (w * ZCH + j * 16 + lane) & (T - 1)
            zf_v[sl] = jnp.zeros((16,), jnp.float32)
            return carry

        lax.fori_loop(0, ZCH // 16, zinit, 0)
        z1 = pltpu.async_copy(zi_v, tok_hbm.at[pl.ds(w * ZCH, ZCH)], sem)
        z2 = pltpu.async_copy(zf_v, wsort_hbm.at[pl.ds(w * ZCH, ZCH)], sem2)
        z1.wait()
        z2.wait()
        cpub.wait()

    plsc.subcore_barrier()

    @pl.when(c == 0)
    def _():
        w = lax.axis_index("s")
        base = w * TPT
        lane = lax.iota(jnp.int32, 16)
        wv = jnp.broadcast_to(w, (16,)).astype(jnp.int32)
        ones16 = jnp.ones((16,), jnp.int32)

        pltpu.sync_copy(cnts_hbm, allcnt_v)
        totals = jnp.zeros((16,), jnp.int32)
        myprefix = jnp.zeros((16,), jnp.int32)
        for r in range(NTILES):
            row = allcnt_v[pl.ds(r * 16, 16)]
            totals = totals + row
            rv = jnp.full((16,), r, jnp.int32)
            myprefix = myprefix + jnp.where(rv < wv, row, 0)
        padded = ((totals + (BLOCK - 1)) >> LOG2_BLOCK) << LOG2_BLOCK
        incl = plsc.cumsum(padded)
        incl_v[...] = incl
        base_v[...] = (incl - padded) + myprefix

        def mk_pass_b(ev_ref, pv_ref):
            def pass_b(j, carry):
                sl = pl.ds(j * 16, 16)
                ev = ev_ref[sl]
                rank = jnp.zeros((16,), jnp.int32)
                for e in range(E):
                    m = ev == e
                    cs = plsc.cumsum(m.astype(jnp.int32))
                    rank = jnp.where(m, cs - 1, rank)
                pv_ref[sl] = plsc.load_gather(base_v, [ev]) + rank
                plsc.addupdate_scatter(base_v, [ev], ones16)
                return carry
            return pass_b

        lax.fori_loop(0, TPT // 16, mk_pass_b(e0_v, p0_v), 0)
        lax.fori_loop(0, TPT // 16, mk_pass_b(e1_v, p1_v), 0)

        c1 = pltpu.async_copy(tok_v, tok_hbm.at[p0_v], sem)
        c2 = pltpu.async_copy(tok_v, tok_hbm.at[p1_v], sem2)
        c3 = pltpu.async_copy(w0_v, wsort_hbm.at[p0_v], sem3)
        c4 = pltpu.async_copy(w1_v, wsort_hbm.at[p1_v], sem4)
        c5 = pltpu.async_copy(p0_v, pos_hbm.at[0, pl.ds(base, TPT)], sem5)
        c6 = pltpu.async_copy(p1_v, pos_hbm.at[1, pl.ds(base, TPT)], sem6)
        c1.wait()
        c2.wait()
        c3.wait()
        c4.wait()
        c5.wait()
        c6.wait()

        @pl.when(w == 0)
        def _():
            pltpu.sync_copy(incl_v, incl_hbm)


def _routing(gt):
    mesh = plsc.VectorSubcoreMesh(core_axis_name="c", subcore_axis_name="s")
    f = pl.kernel(
        _routing_body,
        out_type=(
            jax.ShapeDtypeStruct((ROWS,), jnp.int32),
            jax.ShapeDtypeStruct((ROWS,), jnp.float32),
            jax.ShapeDtypeStruct((K, T), jnp.int32),
            jax.ShapeDtypeStruct((16,), jnp.int32),
            jax.ShapeDtypeStruct((NTILES * 16,), jnp.int32),
        ),
        mesh=mesh,
        scratch_types=[
            pltpu.VMEM((E, T), jnp.float32),
            pltpu.VMEM((TPT,), jnp.int32),
            pltpu.VMEM((TPT,), jnp.int32),
            pltpu.VMEM((TPT,), jnp.float32),
            pltpu.VMEM((TPT,), jnp.float32),
            pltpu.VMEM((TPT,), jnp.int32),
            pltpu.VMEM((TPT,), jnp.int32),
            pltpu.VMEM((TPT,), jnp.int32),
            pltpu.VMEM((16,), jnp.int32),
            pltpu.VMEM((NTILES * 16,), jnp.int32),
            pltpu.VMEM((16,), jnp.int32),
            pltpu.VMEM((16,), jnp.int32),
            pltpu.VMEM((ZCH,), jnp.int32),
            pltpu.VMEM((ZCH,), jnp.float32),
            pltpu.SemaphoreType.DMA,
            pltpu.SemaphoreType.DMA,
            pltpu.SemaphoreType.DMA,
            pltpu.SemaphoreType.DMA,
            pltpu.SemaphoreType.DMA,
            pltpu.SemaphoreType.DMA,
        ],
        compiler_params=pltpu.CompilerParams(needs_layout_passes=False),
    )
    return f(gt)[:4]


def _gather_body(hs_hbm, tok_hbm, xs_hbm, idx_v, rows_a, rows_b,
                 sem_a, sem_b, sem_wa, sem_wb):
    wid = lax.axis_index("s") * 2 + lax.axis_index("c")
    base = wid * RPW
    pltpu.sync_copy(tok_hbm.at[pl.ds(base, RPW)], idx_v)
    g0 = pltpu.async_copy(hs_hbm.at[idx_v.at[pl.ds(0, GCH)]], rows_a, sem_a)
    g1 = pltpu.async_copy(hs_hbm.at[idx_v.at[pl.ds(GCH, GCH)]], rows_b, sem_b)
    g0.wait()
    w0 = pltpu.async_copy(rows_a, xs_hbm.at[pl.ds(base, GCH)], sem_wa)
    g1.wait()
    w1 = pltpu.async_copy(rows_b, xs_hbm.at[pl.ds(base + GCH, GCH)], sem_wb)
    w0.wait()
    g2 = pltpu.async_copy(hs_hbm.at[idx_v.at[pl.ds(2 * GCH, GCH)]], rows_a, sem_a)
    g2.wait()
    w2 = pltpu.async_copy(rows_a, xs_hbm.at[pl.ds(base + 2 * GCH, GCH)], sem_wa)
    w1.wait()
    w2.wait()


def _gather(hs, tok_sorted):
    mesh = plsc.VectorSubcoreMesh(core_axis_name="c", subcore_axis_name="s")
    f = pl.kernel(
        _gather_body,
        out_type=jax.ShapeDtypeStruct((ROWS, H), jnp.float32),
        mesh=mesh,
        scratch_types=[
            pltpu.VMEM((RPW,), jnp.int32),
            pltpu.VMEM((GCH, H), jnp.float32),
            pltpu.VMEM((GCH, H), jnp.float32),
            pltpu.SemaphoreType.DMA,
            pltpu.SemaphoreType.DMA,
            pltpu.SemaphoreType.DMA,
            pltpu.SemaphoreType.DMA,
        ],
        compiler_params=pltpu.CompilerParams(needs_layout_passes=False),
    )
    return f(hs, tok_sorted)


def _gmm_body(incl_ref, x_ref, w1_ref, w2_ref, ws_ref, o_ref, w1b_v, w2b_v):
    b = pl.program_id(0)
    tb = incl_ref[E - 1] >> LOG2_BLOCK

    @pl.when(b < tb)
    def _():
        eb = _exp_of(b, incl_ref)
        ebp = _exp_of(b - 1, incl_ref)

        @pl.when((b == 0) | (eb != ebp))
        def _():
            w1b_v[...] = w1_ref[0].astype(jnp.bfloat16)
            w2b_v[...] = w2_ref[0].astype(jnp.bfloat16)

        xb = x_ref[...].astype(jnp.bfloat16)
        h = lax.dot_general(xb, w1b_v[...], (((1,), (1,)), ((), ())),
                            preferred_element_type=jnp.float32)
        x1 = h[:, :I]
        x2 = h[:, I:]
        act = (x1 * lax.logistic(x1) * x2).astype(jnp.bfloat16)
        o = lax.dot_general(act, w2b_v[...], (((1,), (1,)), ((), ())),
                            preferred_element_type=jnp.float32)
        o_ref[...] = o * ws_ref[...]


def _clamp_blk(b, r):
    tb = r[E - 1] >> LOG2_BLOCK
    return jnp.where(b < tb, b, tb - 1)


def _exp_of(b, r):
    bc = _clamp_blk(b, r) * BLOCK
    e = jnp.int32(0)
    for i in range(E):
        e = e + (bc >= r[i]).astype(jnp.int32)
    return e


def _gmm(x_sorted, w1, w2, w_sorted, incl16):
    grid_spec = pltpu.PrefetchScalarGridSpec(
        num_scalar_prefetch=1,
        grid=(NBLK,),
        in_specs=[
            pl.BlockSpec((BLOCK, H), lambda b, r: (_clamp_blk(b, r), 0)),
            pl.BlockSpec((1, 2 * I, H), lambda b, r: (_exp_of(b, r), 0, 0)),
            pl.BlockSpec((1, H, I), lambda b, r: (_exp_of(b, r), 0, 0)),
            pl.BlockSpec((BLOCK, 1), lambda b, r: (_clamp_blk(b, r), 0)),
        ],
        out_specs=pl.BlockSpec((BLOCK, H), lambda b, r: (b, 0)),
        scratch_shapes=[
            pltpu.VMEM((2 * I, H), jnp.bfloat16),
            pltpu.VMEM((H, I), jnp.bfloat16),
        ],
    )
    return pl.pallas_call(
        _gmm_body,
        grid_spec=grid_spec,
        out_shape=jax.ShapeDtypeStruct((ROWS, H), jnp.float32),
    )(incl16, x_sorted, w1, w2, w_sorted.reshape(ROWS, 1))


def _combine_body(os_hbm, pos_hbm, out_hbm, idx_v, a_v, b_v, sem):
    wid = lax.axis_index("s") * 2 + lax.axis_index("c")
    t0 = wid * TPW
    pltpu.sync_copy(pos_hbm.at[0, pl.ds(t0, TPW)], idx_v)
    pltpu.async_copy(os_hbm.at[idx_v], a_v, sem).wait()
    pltpu.sync_copy(pos_hbm.at[1, pl.ds(t0, TPW)], idx_v)
    pltpu.async_copy(os_hbm.at[idx_v], b_v, sem).wait()

    def body(i, carry):
        for ch in range(H // 16):
            sl = pl.ds(ch * 16, 16)
            a_v[i, sl] = a_v[i, sl] + b_v[i, sl]
        return carry

    lax.fori_loop(0, TPW, body, 0)
    pltpu.sync_copy(a_v, out_hbm.at[pl.ds(t0, TPW)])


def _combine(out_sorted, pos):
    mesh = plsc.VectorSubcoreMesh(core_axis_name="c", subcore_axis_name="s")
    f = pl.kernel(
        _combine_body,
        out_type=jax.ShapeDtypeStruct((T, H), jnp.float32),
        mesh=mesh,
        scratch_types=[
            pltpu.VMEM((TPW,), jnp.int32),
            pltpu.VMEM((TPW, H), jnp.float32),
            pltpu.VMEM((TPW, H), jnp.float32),
            pltpu.SemaphoreType.DMA,
        ],
        compiler_params=pltpu.CompilerParams(needs_layout_passes=False),
    )
    return f(out_sorted, pos)


def kernel(hidden_states, w1, w2, gating_output):
    orig_shape = hidden_states.shape
    hs = hidden_states.reshape(T, H)
    gt = gating_output.reshape(T, E).T
    tok_sorted, w_sorted, pos, incl16 = _routing(gt)
    x_sorted = _gather(hs, tok_sorted)
    out_sorted = _gmm(x_sorted, w1, w2, w_sorted, incl16)
    out = _combine(out_sorted, pos)
    return out.reshape(orig_shape)

# --- scband reference (transcript-rebuilt; emitter-appended) ---
"""Pipeline reference for scband-jax-fused-mo-e-59279138619866 (READ-ONLY COPY).

The authoritative reference and input builder live on the scoring server;
editing this copy changes nothing except your own understanding.
"""

import jax, jax.numpy as jnp
import numpy as np

NUM_EXPERTS = 8
TOPK = 2
HIDDEN = 768
INTER = 1024
RENORMALIZE = True
NUM_TOKENS = 2048


def setup_inputs(seed: int = 0) -> dict:
    key = jax.random.key(seed)
    k1, k2, k3, k4 = jax.random.split(key, 4)
    hidden_states = jax.random.normal(k1, (NUM_TOKENS, HIDDEN), dtype=jnp.float32)
    gating_output = jax.random.normal(k2, (NUM_TOKENS, NUM_EXPERTS), dtype=jnp.float32)
    # learned expert weights, megablox layout:
    #   w1: [num_experts, intermediate_size * 2, hidden_size]
    #   w2: [num_experts, hidden_size, intermediate_size]
    w1 = jax.random.normal(k3, (NUM_EXPERTS, 2 * INTER, HIDDEN), dtype=jnp.float32) * 0.02
    w2 = jax.random.normal(k4, (NUM_EXPERTS, HIDDEN, INTER), dtype=jnp.float32) * 0.02
    return {"hidden_states": hidden_states, "w1": w1, "w2": w2, "gating_output": gating_output}


def _fused_moe(hidden_states, w1, w2, gating_output):
    orig_shape = hidden_states.shape
    hidden_size = hidden_states.shape[-1]
    num_tokens = hidden_states.size // hidden_size
    dtype = hidden_states.dtype
    hs = hidden_states.reshape(num_tokens, hidden_size)
    go = gating_output.reshape(num_tokens, NUM_EXPERTS)

    # router: softmax -> top-k -> (optional) renormalize, same as the kernel
    probs = jax.nn.softmax(go.astype(jnp.float32), axis=-1)
    topk_weights, topk_indices = jax.lax.top_k(probs, TOPK)
    if RENORMALIZE:
        topk_weights = topk_weights / topk_weights.sum(axis=-1, keepdims=True)

    # build combine matrix [T, E] via scatter-add (SparseCore-mapped op).
    # combine[t, e] = sum_k topk_weights[t, k] * 1[topk_indices[t, k] == e]
    combine = jnp.zeros((num_tokens, NUM_EXPERTS), dtype=jnp.float32)
    combine = combine.at[jnp.arange(num_tokens)[:, None], topk_indices].add(topk_weights)

    # dense-equivalent of the megablox grouped matmul (gmm, transpose_rhs=True):
    # every token through every expert, then weighted-combined by the routing
    # matrix; produces bitwise-equivalent math to dispatch->gmm->gather since
    # the expert MLP is applied per-token.
    h = jnp.einsum('td,efd->etf', hs, w1)  # [E, T, 2*INTER]
    x1 = h[..., :INTER]
    x2 = h[..., INTER:]
    act = jax.nn.silu(x1) * x2  # gated SiLU, [E, T, INTER]
    out_e = jnp.einsum('etf,edf->etd', act, w2)  # gmm with w2, transpose_rhs=True
    out = jnp.einsum('etd,te->td', out_e, combine).astype(dtype)
    return out.reshape(orig_shape)


def reference(hidden_states, w1, w2, gating_output):
    return _fused_moe(hidden_states, w1, w2, gating_output)

if __name__ == "__main__":
    import jax
    _d = setup_inputs()
    print(jax.jit(kernel)(*tuple(_d.values())))

</pallas_src>

<mosaic_0001>
#map = affine_map<(d0, d1) -> (0, 0)>
#map1 = affine_map<(d0, d1) -> (0)>
module attributes {stable_mosaic.version = 14 : i64} {
  func.func @_routing_body(%arg0: i32, %arg1: i32, %arg2: memref<8x2048xf32, #tpu.memory_space<hbm>>, %arg3: memref<6144xi32, #tpu.memory_space<hbm>>, %arg4: memref<6144xf32, #tpu.memory_space<hbm>>, %arg5: memref<2x2048xi32, #tpu.memory_space<hbm>>, %arg6: memref<16xi32, #tpu.memory_space<hbm>>, %arg7: memref<256xi32, #tpu.memory_space<hbm>>, %arg8: memref<8x2048xf32, #tpu.memory_space<vmem>>, %arg9: memref<128xi32, #tpu.memory_space<vmem>>, %arg10: memref<128xi32, #tpu.memory_space<vmem>>, %arg11: memref<128xf32, #tpu.memory_space<vmem>>, %arg12: memref<128xf32, #tpu.memory_space<vmem>>, %arg13: memref<128xi32, #tpu.memory_space<vmem>>, %arg14: memref<128xi32, #tpu.memory_space<vmem>>, %arg15: memref<128xi32, #tpu.memory_space<vmem>>, %arg16: memref<16xi32, #tpu.memory_space<vmem>>, %arg17: memref<256xi32, #tpu.memory_space<vmem>>, %arg18: memref<16xi32, #tpu.memory_space<vmem>>, %arg19: memref<16xi32, #tpu.memory_space<vmem>>, %arg20: memref<384xi32, #tpu.memory_space<vmem>>, %arg21: memref<384xf32, #tpu.memory_space<vmem>>, %arg22: memref<!tpu.dma_semaphore, #tpu.memory_space<semaphore_mem>>, %arg23: memref<!tpu.dma_semaphore, #tpu.memory_space<semaphore_mem>>, %arg24: memref<!tpu.dma_semaphore, #tpu.memory_space<semaphore_mem>>, %arg25: memref<!tpu.dma_semaphore, #tpu.memory_space<semaphore_mem>>, %arg26: memref<!tpu.dma_semaphore, #tpu.memory_space<semaphore_mem>>, %arg27: memref<!tpu.dma_semaphore, #tpu.memory_space<semaphore_mem>>) attributes {dimension_semantics = [#tpu.dimension_semantics<core_parallel>, #tpu.dimension_semantics<subcore_parallel>], iteration_bounds = array<i64: 2, 16>, scalar_prefetch = 0 : i64, scratch_operands = 20 : i64, tpu.core_type = #tpu.core_type<sc_vector_subcore>, window_params = [{transform_indices = #map}, {transform_indices = #map1}, {transform_indices = #map1}, {transform_indices = #map}, {transform_indices = #map1}, {transform_indices = #map1}]} {
    %eq3A = arith.constant 0 : i32
    %eq3A_0 = arith.cmpi eq, %arg0, %eq3A : i32
    %convert_element_type3A = arith.extui %eq3A_0 : i1 to i32
    %cond3A = arith.constant 0 : i32
    %cond3A_1 = arith.cmpi ne, %convert_element_type3A, %cond3A : i32
    scf.if %cond3A_1 {
      %mul3A = arith.constant 128 : i32
      %mul3A_7 = arith.muli %arg1, %mul3A : i32
      %iota3A = tpu.iota {dimensions = array<i32: 0>} : vector<16xi32>
      %broadcast_in_dim3A = arith.constant 1 : i32
      %broadcast_in_dim3A_8 = vector.broadcast %broadcast_in_dim3A : i32 to vector<16xi32>
      "tpu.region"() ({
        %run_scoped3A = tpu.sem_alloc : memref<!tpu.dma_semaphore, #tpu.memory_space<semaphore_mem>>
        tpu.enqueue_dma source(%arg2 : memref<8x2048xf32, #tpu.memory_space<hbm>>) target(%arg8 : memref<8x2048xf32, #tpu.memory_space<vmem>>) target_semaphore(%run_scoped3A : memref<!tpu.dma_semaphore, #tpu.memory_space<semaphore_mem>>)
        tpu.wait_dma2 semaphore(%run_scoped3A : memref<!tpu.dma_semaphore, #tpu.memory_space<semaphore_mem>>) src(%arg2 : memref<8x2048xf32, #tpu.memory_space<hbm>>) dst(%arg8 : memref<8x2048xf32, #tpu.memory_space<vmem>>)
        tpu.yield
      }) : () -> ()
      %broadcast_in_dim3A_9 = arith.constant 0 : i32
      %broadcast_in_dim3A_10 = vector.broadcast %broadcast_in_dim3A_9 : i32 to vector<16xi32>
      %swap3A = arith.constant 0 : index
      %swap3A_11 = tpu.vector_load %arg16[%swap3A] {strides = array<i32>} : memref<16xi32, #tpu.memory_space<vmem>>, vector<16xi32>,
      tpu.vector_store %arg16[%swap3A], %broadcast_in_dim3A_10 {strides = array<i32>} : memref<16xi32, #tpu.memory_space<vmem>>, vector<16xi32>,
      %scan3A = arith.constant 0 : i32
      %scan3A_12 = arith.constant 0 : i32
      %scan3A_13 = arith.constant 8 : i32
      %scan3A_14 = arith.addi %scan3A_12, %scan3A_13 : i32
      %scan3A_15 = arith.constant 1 : i32
      scf.for %scan3A_39 = %scan3A_12 to %scan3A_14 step %scan3A_15  : i32 {
        %mul3A_40 = arith.constant 16 : i32
        %mul3A_41 = arith.muli %scan3A_39, %mul3A_40 : i32
        %add3A = arith.addi %mul3A_7, %mul3A_41 : i32
        %get3A = arith.constant 0 : i32
        %get3A_42 = arith.index_cast %get3A : i32 to index
        %get3A_43 = arith.index_cast %add3A : i32 to index
        %get3A_44 = tpu.vector_load %arg8[%get3A_42, %get3A_43] {strides = array<i32>} : memref<8x2048xf32, #tpu.memory_space<vmem>>, vector<16xf32>,
        %mul3A_45 = arith.constant 16 : i32
        %mul3A_46 = arith.muli %scan3A_39, %mul3A_45 : i32
        %add3A_47 = arith.addi %mul3A_7, %mul3A_46 : i32
        %get3A_48 = arith.constant 1 : i32
        %get3A_49 = arith.index_cast %get3A_48 : i32 to index
        %get3A_50 = arith.index_cast %add3A_47 : i32 to index
        %get3A_51 = tpu.vector_load %arg8[%get3A_49, %get3A_50] {strides = array<i32>} : memref<8x2048xf32, #tpu.memory_space<vmem>>, vector<16xf32>,
        %mul3A_52 = arith.constant 16 : i32
        %mul3A_53 = arith.muli %scan3A_39, %mul3A_52 : i32
        %add3A_54 = arith.addi %mul3A_7, %mul3A_53 : i32
        %get3A_55 = arith.constant 2 : i32
        %get3A_56 = arith.index_cast %get3A_55 : i32 to index
        %get3A_57 = arith.index_cast %add3A_54 : i32 to index
        %get3A_58 = tpu.vector_load %arg8[%get3A_56, %get3A_57] {strides = array<i32>} : memref<8x2048xf32, #tpu.memory_space<vmem>>, vector<16xf32>,
        %mul3A_59 = arith.constant 16 : i32
        %mul3A_60 = arith.muli %scan3A_39, %mul3A_59 : i32
        %add3A_61 = arith.addi %mul3A_7, %mul3A_60 : i32
        %get3A_62 = arith.constant 3 : i32
        %get3A_63 = arith.index_cast %get3A_62 : i32 to index
        %get3A_64 = arith.index_cast %add3A_61 : i32 to index
        %get3A_65 = tpu.vector_load %arg8[%get3A_63, %get3A_64] {strides = array<i32>} : memref<8x2048xf32, #tpu.memory_space<vmem>>, vector<16xf32>,
        %mul3A_66 = arith.constant 16 : i32
        %mul3A_67 = arith.muli %scan3A_39, %mul3A_66 : i32
        %add3A_68 = arith.addi %mul3A_7, %mul3A_67 : i32
        %get3A_69 = arith.constant 4 : i32
        %get3A_70 = arith.index_cast %get3A_69 : i32 to index
        %get3A_71 = arith.index_cast %add3A_68 : i32 to index
        %get3A_72 = tpu.vector_load %arg8[%get3A_70, %get3A_71] {strides = array<i32>} : memref<8x2048xf32, #tpu.memory_space<vmem>>, vector<16xf32>,
        %mul3A_73 = arith.constant 16 : i32
        %mul3A_74 = arith.muli %scan3A_39, %mul3A_73 : i32
        %add3A_75 = arith.addi %mul3A_7, %mul3A_74 : i32
        %get3A_76 = arith.constant 5 : i32
        %get3A_77 = arith.index_cast %get3A_76 : i32 to index
        %get3A_78 = arith.index_cast %add3A_75 : i32 to index
        %get3A_79 = tpu.vector_load %arg8[%get3A_77, %get3A_78] {strides = array<i32>} : memref<8x2048xf32, #tpu.memory_space<vmem>>, vector<16xf32>,
        %mul3A_80 = arith.constant 16 : i32
        %mul3A_81 = arith.muli %scan3A_39, %mul3A_80 : i32
        %add3A_82 = arith.addi %mul3A_7, %mul3A_81 : i32
        %get3A_83 = arith.constant 6 : i32
        %get3A_84 = arith.index_cast %get3A_83 : i32 to index
        %get3A_85 = arith.index_cast %add3A_82 : i32 to index
        %get3A_86 = tpu.vector_load %arg8[%get3A_84, %get3A_85] {strides = array<i32>} : memref<8x2048xf32, #tpu.memory_space<vmem>>, vector<16xf32>,
        %mul3A_87 = arith.constant 16 : i32
        %mul3A_88 = arith.muli %scan3A_39, %mul3A_87 : i32
        %add3A_89 = arith.addi %mul3A_7, %mul3A_88 : i32
        %get3A_90 = arith.constant 7 : i32
        %get3A_91 = arith.index_cast %get3A_90 : i32 to index
        %get3A_92 = arith.index_cast %add3A_89 : i32 to index
        %get3A_93 = tpu.vector_load %arg8[%get3A_91, %get3A_92] {strides = array<i32>} : memref<8x2048xf32, #tpu.memory_space<vmem>>, vector<16xf32>,
        %broadcast_in_dim3A_94 = arith.constant 0 : i32
        %broadcast_in_dim3A_95 = vector.broadcast %broadcast_in_dim3A_94 : i32 to vector<16xi32>
        %gt3A = arith.cmpf ogt, %get3A_51, %get3A_44 : vector<16xf32>
        %select_n3A = arith.select %gt3A, %get3A_51, %get3A_44 : vector<16xi1>, vector<16xf32>
        %jit3A = arith.constant 1 : i32
        %broadcast_in_dim3A_96 = vector.broadcast %jit3A : i32 to vector<16xi32>
        %select_n3A_97 = arith.select %gt3A, %broadcast_in_dim3A_96, %broadcast_in_dim3A_95 : vector<16xi1>, vector<16xi32>
        %gt3A_98 = arith.cmpf ogt, %get3A_58, %select_n3A : vector<16xf32>
        %select_n3A_99 = arith.select %gt3A_98, %get3A_58, %select_n3A : vector<16xi1>, vector<16xf32>
        %jit3A_100 = arith.constant 2 : i32
        %broadcast_in_dim3A_101 = vector.broadcast %jit3A_100 : i32 to vector<16xi32>
        %select_n3A_102 = arith.select %gt3A_98, %broadcast_in_dim3A_101, %select_n3A_97 : vector<16xi1>, vector<16xi32>
        %gt3A_103 = arith.cmpf ogt, %get3A_65, %select_n3A_99 : vector<16xf32>
        %select_n3A_104 = arith.select %gt3A_103, %get3A_65, %select_n3A_99 : vector<16xi1>, vector<16xf32>
        %jit3A_105 = arith.constant 3 : i32
        %broadcast_in_dim3A_106 = vector.broadcast %jit3A_105 : i32 to vector<16xi32>
        %select_n3A_107 = arith.select %gt3A_103, %broadcast_in_dim3A_106, %select_n3A_102 : vector<16xi1>, vector<16xi32>
        %gt3A_108 = arith.cmpf ogt, %get3A_72, %select_n3A_104 : vector<16xf32>
        %select_n3A_109 = arith.select %gt3A_108, %get3A_72, %select_n3A_104 : vector<16xi1>, vector<16xf32>
        %jit3A_110 = arith.constant 4 : i32
        %broadcast_in_dim3A_111 = vector.broadcast %jit3A_110 : i32 to vector<16xi32>
        %select_n3A_112 = arith.select %gt3A_108, %broadcast_in_dim3A_111, %select_n3A_107 : vector<16xi1>, vector<16xi32>
        %gt3A_113 = arith.cmpf ogt, %get3A_79, %select_n3A_109 : vector<16xf32>
        %select_n3A_114 = arith.select %gt3A_113, %get3A_79, %select_n3A_109 : vector<16xi1>, vector<16xf32>
        %jit3A_115 = arith.constant 5 : i32
        %broadcast_in_dim3A_116 = vector.broadcast %jit3A_115 : i32 to vector<16xi32>
        %select_n3A_117 = arith.select %gt3A_113, %broadcast_in_dim3A_116, %select_n3A_112 : vector<16xi1>, vector<16xi32>
        %gt3A_118 = arith.cmpf ogt, %get3A_86, %select_n3A_114 : vector<16xf32>
        %select_n3A_119 = arith.select %gt3A_118, %get3A_86, %select_n3A_114 : vector<16xi1>, vector<16xf32>
        %jit3A_120 = arith.constant 6 : i32
        %broadcast_in_dim3A_121 = vector.broadcast %jit3A_120 : i32 to vector<16xi32>
        %select_n3A_122 = arith.select %gt3A_118, %broadcast_in_dim3A_121, %select_n3A_117 : vector<16xi1>, vector<16xi32>
        %gt3A_123 = arith.cmpf ogt, %get3A_93, %select_n3A_119 : vector<16xf32>
        %select_n3A_124 = arith.select %gt3A_123, %get3A_93, %select_n3A_119 : vector<16xi1>, vector<16xf32>
        %jit3A_125 = arith.constant 7 : i32
        %broadcast_in_dim3A_126 = vector.broadcast %jit3A_125 : i32 to vector<16xi32>
        %select_n3A_127 = arith.select %gt3A_123, %broadcast_in_dim3A_126, %select_n3A_122 : vector<16xi1>, vector<16xi32>
        %broadcast_in_dim3A_128 = arith.constant 0xFF800000 : f32
        %broadcast_in_dim3A_129 = vector.broadcast %broadcast_in_dim3A_128 : f32 to vector<16xf32>
        %broadcast_in_dim3A_130 = arith.constant 0 : i32
        %broadcast_in_dim3A_131 = vector.broadcast %broadcast_in_dim3A_130 : i32 to vector<16xi32>
        %ne3A = arith.constant 0 : i32
        %ne3A_132 = vector.broadcast %ne3A : i32 to vector<16xi32>
        %ne3A_133 = arith.cmpi ne, %select_n3A_127, %ne3A_132 : vector<16xi32>
        %gt3A_134 = arith.cmpf ogt, %get3A_44, %broadcast_in_dim3A_129 : vector<16xf32>
        %and3A = arith.andi %ne3A_133, %gt3A_134 : vector<16xi1>
        %select_n3A_135 = arith.select %and3A, %get3A_44, %broadcast_in_dim3A_129 : vector<16xi1>, vector<16xf32>
        %jit3A_136 = arith.constant 0 : i32
        %broadcast_in_dim3A_137 = vector.broadcast %jit3A_136 : i32 to vector<16xi32>
        %select_n3A_138 = arith.select %and3A, %broadcast_in_dim3A_137, %broadcast_in_dim3A_131 : vector<16xi1>, vector<16xi32>
        %ne3A_139 = arith.constant 1 : i32
        %ne3A_140 = vector.broadcast %ne3A_139 : i32 to vector<16xi32>
        %ne3A_141 = arith.cmpi ne, %select_n3A_127, %ne3A_140 : vector<16xi32>
        %gt3A_142 = arith.cmpf ogt, %get3A_51, %select_n3A_135 : vector<16xf32>
        %and3A_143 = arith.andi %ne3A_141, %gt3A_142 : vector<16xi1>
        %select_n3A_144 = arith.select %and3A_143, %get3A_51, %select_n3A_135 : vector<16xi1>, vector<16xf32>
        %jit3A_145 = arith.constant 1 : i32
        %broadcast_in_dim3A_146 = vector.broadcast %jit3A_145 : i32 to vector<16xi32>
        %select_n3A_147 = arith.select %and3A_143, %broadcast_in_dim3A_146, %select_n3A_138 : vector<16xi1>, vector<16xi32>
        %ne3A_148 = arith.constant 2 : i32
        %ne3A_149 = vector.broadcast %ne3A_148 : i32 to vector<16xi32>
        %ne3A_150 = arith.cmpi ne, %select_n3A_127, %ne3A_149 : vector<16xi32>
        %gt3A_151 = arith.cmpf ogt, %get3A_58, %select_n3A_144 : vector<16xf32>
        %and3A_152 = arith.andi %ne3A_150, %gt3A_151 : vector<16xi1>
        %select_n3A_153 = arith.select %and3A_152, %get3A_58, %select_n3A_144 : vector<16xi1>, vector<16xf32>
        %jit3A_154 = arith.constant 2 : i32
        %broadcast_in_dim3A_155 = vector.broadcast %jit3A_154 : i32 to vector<16xi32>
        %select_n3A_156 = arith.select %and3A_152, %broadcast_in_dim3A_155, %select_n3A_147 : vector<16xi1>, vector<16xi32>
        %ne3A_157 = arith.constant 3 : i32
        %ne3A_158 = vector.broadcast %ne3A_157 : i32 to vector<16xi32>
        %ne3A_159 = arith.cmpi ne, %select_n3A_127, %ne3A_158 : vector<16xi32>
        %gt3A_160 = arith.cmpf ogt, %get3A_65, %select_n3A_153 : vector<16xf32>
        %and3A_161 = arith.andi %ne3A_159, %gt3A_160 : vector<16xi1>
        %select_n3A_162 = arith.select %and3A_161, %get3A_65, %select_n3A_153 : vector<16xi1>, vector<16xf32>
        %jit3A_163 = arith.constant 3 : i32
        %broadcast_in_dim3A_164 = vector.broadcast %jit3A_163 : i32 to vector<16xi32>
        %select_n3A_165 = arith.select %and3A_161, %broadcast_in_dim3A_164, %select_n3A_156 : vector<16xi1>, vector<16xi32>
        %ne3A_166 = arith.constant 4 : i32
        %ne3A_167 = vector.broadcast %ne3A_166 : i32 to vector<16xi32>
        %ne3A_168 = arith.cmpi ne, %select_n3A_127, %ne3A_167 : vector<16xi32>
        %gt3A_169 = arith.cmpf ogt, %get3A_72, %select_n3A_162 : vector<16xf32>
        %and3A_170 = arith.andi %ne3A_168, %gt3A_169 : vector<16xi1>
        %select_n3A_171 = arith.select %and3A_170, %get3A_72, %select_n3A_162 : vector<16xi1>, vector<16xf32>
        %jit3A_172 = arith.constant 4 : i32
        %broadcast_in_dim3A_173 = vector.broadcast %jit3A_172 : i32 to vector<16xi32>
        %select_n3A_174 = arith.select %and3A_170, %broadcast_in_dim3A_173, %select_n3A_165 : vector<16xi1>, vector<16xi32>
        %ne3A_175 = arith.constant 5 : i32
        %ne3A_176 = vector.broadcast %ne3A_175 : i32 to vector<16xi32>
        %ne3A_177 = arith.cmpi ne, %select_n3A_127, %ne3A_176 : vector<16xi32>
        %gt3A_178 = arith.cmpf ogt, %get3A_79, %select_n3A_171 : vector<16xf32>
        %and3A_179 = arith.andi %ne3A_177, %gt3A_178 : vector<16xi1>
        %select_n3A_180 = arith.select %and3A_179, %get3A_79, %select_n3A_171 : vector<16xi1>, vector<16xf32>
        %jit3A_181 = arith.constant 5 : i32
        %broadcast_in_dim3A_182 = vector.broadcast %jit3A_181 : i32 to vector<16xi32>
        %select_n3A_183 = arith.select %and3A_179, %broadcast_in_dim3A_182, %select_n3A_174 : vector<16xi1>, vector<16xi32>
        %ne3A_184 = arith.constant 6 : i32
        %ne3A_185 = vector.broadcast %ne3A_184 : i32 to vector<16xi32>
        %ne3A_186 = arith.cmpi ne, %select_n3A_127, %ne3A_185 : vector<16xi32>
        %gt3A_187 = arith.cmpf ogt, %get3A_86, %select_n3A_180 : vector<16xf32>
        %and3A_188 = arith.andi %ne3A_186, %gt3A_187 : vector<16xi1>
        %select_n3A_189 = arith.select %and3A_188, %get3A_86, %select_n3A_180 : vector<16xi1>, vector<16xf32>
        %jit3A_190 = arith.constant 6 : i32
        %broadcast_in_dim3A_191 = vector.broadcast %jit3A_190 : i32 to vector<16xi32>
        %select_n3A_192 = arith.select %and3A_188, %broadcast_in_dim3A_191, %select_n3A_183 : vector<16xi1>, vector<16xi32>
        %ne3A_193 = arith.constant 7 : i32
        %ne3A_194 = vector.broadcast %ne3A_193 : i32 to vector<16xi32>
        %ne3A_195 = arith.cmpi ne, %select_n3A_127, %ne3A_194 : vector<16xi32>
        %gt3A_196 = arith.cmpf ogt, %get3A_93, %select_n3A_189 : vector<16xf32>
        %and3A_197 = arith.andi %ne3A_195, %gt3A_196 : vector<16xi1>
        %select_n3A_198 = arith.select %and3A_197, %get3A_93, %select_n3A_189 : vector<16xi1>, vector<16xf32>
        %jit3A_199 = arith.constant 7 : i32
        %broadcast_in_dim3A_200 = vector.broadcast %jit3A_199 : i32 to vector<16xi32>
        %select_n3A_201 = arith.select %and3A_197, %broadcast_in_dim3A_200, %select_n3A_192 : vector<16xi1>, vector<16xi32>
        %sub3A = arith.subf %select_n3A_198, %select_n3A_124 : vector<16xf32>
        %exp3A = math.exp %sub3A : vector<16xf32>
        %add3A_202 = arith.constant 1.000000e+00 : f32
        %add3A_203 = vector.broadcast %add3A_202 : f32 to vector<16xf32>
        %add3A_204 = arith.addf %add3A_203, %exp3A : vector<16xf32>
        %div3A = arith.constant 1.000000e+00 : f32
        %div3A_205 = vector.broadcast %div3A : f32 to vector<16xf32>
        %div3A_206 = arith.divf %div3A_205, %add3A_204 : vector<16xf32>
        %mul3A_207 = arith.constant 16 : i32
        %mul3A_208 = arith.muli %scan3A_39, %mul3A_207 : i32
        %swap3A_209 = arith.index_cast %mul3A_208 : i32 to index
        %swap3A_210 = tpu.vector_load %arg9[%swap3A_209] {strides = array<i32>} : memref<128xi32, #tpu.memory_space<vmem>>, vector<16xi32>,
        tpu.vector_store %arg9[%swap3A_209], %select_n3A_127 {strides = array<i32>} : memref<128xi32, #tpu.memory_space<vmem>>, vector<16xi32>,
        %swap3A_211 = arith.index_cast %mul3A_208 : i32 to index
        %swap3A_212 = tpu.vector_load %arg10[%swap3A_211] {strides = array<i32>} : memref<128xi32, #tpu.memory_space<vmem>>, vector<16xi32>,
        tpu.vector_store %arg10[%swap3A_211], %select_n3A_201 {strides = array<i32>} : memref<128xi32, #tpu.memory_space<vmem>>, vector<16xi32>,
        %swap3A_213 = arith.index_cast %mul3A_208 : i32 to index
        %swap3A_214 = tpu.vector_load %arg11[%swap3A_213] {strides = array<i32>} : memref<128xf32, #tpu.memory_space<vmem>>, vector<16xf32>,
        tpu.vector_store %arg11[%swap3A_213], %div3A_206 {strides = array<i32>} : memref<128xf32, #tpu.memory_space<vmem>>, vector<16xf32>,
        %sub3A_215 = arith.constant 1.000000e+00 : f32
        %sub3A_216 = vector.broadcast %sub3A_215 : f32 to vector<16xf32>
        %sub3A_217 = arith.subf %sub3A_216, %div3A_206 : vector<16xf32>
        %swap3A_218 = arith.index_cast %mul3A_208 : i32 to index
        %swap3A_219 = tpu.vector_load %arg12[%swap3A_218] {strides = array<i32>} : memref<128xf32, #tpu.memory_space<vmem>>, vector<16xf32>,
        tpu.vector_store %arg12[%swap3A_218], %sub3A_217 {strides = array<i32>} : memref<128xf32, #tpu.memory_space<vmem>>, vector<16xf32>,
        %mul3A_220 = arith.constant 16 : i32
        %mul3A_221 = arith.muli %scan3A_39, %mul3A_220 : i32
        %add3A_222 = arith.addi %mul3A_7, %mul3A_221 : i32
        %add3A_223 = vector.broadcast %add3A_222 : i32 to vector<16xi32>
        %add3A_224 = arith.addi %add3A_223, %iota3A : vector<16xi32>
        %swap3A_225 = arith.index_cast %mul3A_208 : i32 to index
        %swap3A_226 = tpu.vector_load %arg15[%swap3A_225] {strides = array<i32>} : memref<128xi32, #tpu.memory_space<vmem>>, vector<16xi32>,
        tpu.vector_store %arg15[%swap3A_225], %add3A_224 {strides = array<i32>} : memref<128xi32, #tpu.memory_space<vmem>>, vector<16xi32>,
        tpu.vector_store_idx %arg16[%select_n3A_127], %broadcast_in_dim3A_8 {add = true} : memref<16xi32, #tpu.memory_space<vmem>>[vector<16xi32>], vector<16xi32>,
        tpu.vector_store_idx %arg16[%select_n3A_201], %broadcast_in_dim3A_8 {add = true} : memref<16xi32, #tpu.memory_space<vmem>>[vector<16xi32>], vector<16xi32>,
      }
      %scan3A_16 = arith.constant 8 : i32
      %mul3A_17 = arith.constant 16 : i32
      %mul3A_18 = arith.muli %arg1, %mul3A_17 : i32
      %dma_start3A = tpu.memref_slice %arg7[%mul3A_18] : memref<256xi32, #tpu.memory_space<hbm>> -> memref<16xi32, #tpu.memory_space<hbm>>
      %dma_start3A_19 = tpu.memref_slice %arg7[%mul3A_18] : memref<256xi32, #tpu.memory_space<hbm>> -> memref<16xi32, #tpu.memory_space<hbm>>
      tpu.enqueue_dma source(%arg16 : memref<16xi32, #tpu.memory_space<vmem>>) target(%dma_start3A_19 : memref<16xi32, #tpu.memory_space<hbm>>) target_semaphore(%arg26 : memref<!tpu.dma_semaphore, #tpu.memory_space<semaphore_mem>>)
      %scan3A_20 = arith.constant 0 : i32
      %scan3A_21 = arith.constant 0 : i32
      %scan3A_22 = arith.constant 24 : i32
      %scan3A_23 = arith.addi %scan3A_21, %scan3A_22 : i32
      %scan3A_24 = arith.constant 1 : i32
      scf.for %scan3A_39 = %scan3A_21 to %scan3A_23 step %scan3A_24  : i32 {
        %mul3A_40 = arith.constant 16 : i32
        %mul3A_41 = arith.muli %scan3A_39, %mul3A_40 : i32
        %mul3A_42 = arith.constant 384 : i32
        %mul3A_43 = arith.muli %arg1, %mul3A_42 : i32
        %mul3A_44 = arith.constant 16 : i32
        %mul3A_45 = arith.muli %scan3A_39, %mul3A_44 : i32
        %add3A = arith.addi %mul3A_43, %mul3A_45 : i32
        %add3A_46 = vector.broadcast %add3A : i32 to vector<16xi32>
        %add3A_47 = arith.addi %add3A_46, %iota3A : vector<16xi32>
        %and3A = arith.constant 2047 : i32
        %and3A_48 = vector.broadcast %and3A : i32 to vector<16xi32>
        %and3A_49 = arith.andi %add3A_47, %and3A_48 : vector<16xi32>
        %swap3A_50 = arith.index_cast %mul3A_41 : i32 to index
        %swap3A_51 = tpu.vector_load %arg20[%swap3A_50] {strides = array<i32>} : memref<384xi32, #tpu.memory_space<vmem>>, vector<16xi32>,
        tpu.vector_store %arg20[%swap3A_50], %and3A_49 {strides = array<i32>} : memref<384xi32, #tpu.memory_space<vmem>>, vector<16xi32>,
        %broadcast_in_dim3A_52 = arith.constant 0.000000e+00 : f32
        %broadcast_in_dim3A_53 = vector.broadcast %broadcast_in_dim3A_52 : f32 to vector<16xf32>
        %swap3A_54 = arith.index_cast %mul3A_41 : i32 to index
        %swap3A_55 = tpu.vector_load %arg21[%swap3A_54] {strides = array<i32>} : memref<384xf32, #tpu.memory_space<vmem>>, vector<16xf32>,
        tpu.vector_store %arg21[%swap3A_54], %broadcast_in_dim3A_53 {strides = array<i32>} : memref<384xf32, #tpu.memory_space<vmem>>, vector<16xf32>,
      }
      %scan3A_25 = arith.constant 24 : i32
      %mul3A_26 = arith.constant 384 : i32
      %mul3A_27 = arith.muli %arg1, %mul3A_26 : i32
      %dma_start3A_28 = tpu.memref_slice %arg3[%mul3A_27] : memref<6144xi32, #tpu.memory_space<hbm>> -> memref<384xi32, #tpu.memory_space<hbm>>
      %dma_start3A_29 = tpu.memref_slice %arg3[%mul3A_27] : memref<6144xi32, #tpu.memory_space<hbm>> -> memref<384xi32, #tpu.memory_space<hbm>>
      tpu.enqueue_dma source(%arg20 : memref<384xi32, #tpu.memory_space<vmem>>) target(%dma_start3A_29 : memref<384xi32, #tpu.memory_space<hbm>>) target_semaphore(%arg22 : memref<!tpu.dma_semaphore, #tpu.memory_space<semaphore_mem>>)
      %mul3A_30 = arith.constant 384 : i32
      %mul3A_31 = arith.muli %arg1, %mul3A_30 : i32
      %dma_start3A_32 = tpu.memref_slice %arg4[%mul3A_31] : memref<6144xf32, #tpu.memory_space<hbm>> -> memref<384xf32, #tpu.memory_space<hbm>>
      %dma_start3A_33 = tpu.memref_slice %arg4[%mul3A_31] : memref<6144xf32, #tpu.memory_space<hbm>> -> memref<384xf32, #tpu.memory_space<hbm>>
      tpu.enqueue_dma source(%arg21 : memref<384xf32, #tpu.memory_space<vmem>>) target(%dma_start3A_33 : memref<384xf32, #tpu.memory_space<hbm>>) target_semaphore(%arg23 : memref<!tpu.dma_semaphore, #tpu.memory_space<semaphore_mem>>)
      %dma_wait3A = tpu.memref_slice %arg3[%mul3A_27] : memref<6144xi32, #tpu.memory_space<hbm>> -> memref<384xi32, #tpu.memory_space<hbm>>
      %dma_wait3A_34 = tpu.memref_slice %arg3[%mul3A_27] : memref<6144xi32, #tpu.memory_space<hbm>> -> memref<384xi32, #tpu.memory_space<hbm>>
      tpu.wait_dma2 semaphore(%arg22 : memref<!tpu.dma_semaphore, #tpu.memory_space<semaphore_mem>>) src(%arg20 : memref<384xi32, #tpu.memory_space<vmem>>) dst(%dma_wait3A_34 : memref<384xi32, #tpu.memory_space<hbm>>)
      %dma_wait3A_35 = tpu.memref_slice %arg4[%mul3A_31] : memref<6144xf32, #tpu.memory_space<hbm>> -> memref<384xf32, #tpu.memory_space<hbm>>
      %dma_wait3A_36 = tpu.memref_slice %arg4[%mul3A_31] : memref<6144xf32, #tpu.memory_space<hbm>> -> memref<384xf32, #tpu.memory_space<hbm>>
      tpu.wait_dma2 semaphore(%arg23 : memref<!tpu.dma_semaphore, #tpu.memory_space<semaphore_mem>>) src(%arg21 : memref<384xf32, #tpu.memory_space<vmem>>) dst(%dma_wait3A_36 : memref<384xf32, #tpu.memory_space<hbm>>)
      %dma_wait3A_37 = tpu.memref_slice %arg7[%mul3A_18] : memref<256xi32, #tpu.memory_space<hbm>> -> memref<16xi32, #tpu.memory_space<hbm>>
      %dma_wait3A_38 = tpu.memref_slice %arg7[%mul3A_18] : memref<256xi32, #tpu.memory_space<hbm>> -> memref<16xi32, #tpu.memory_space<hbm>>
      tpu.wait_dma2 semaphore(%arg26 : memref<!tpu.dma_semaphore, #tpu.memory_space<semaphore_mem>>) src(%arg16 : memref<16xi32, #tpu.memory_space<vmem>>) dst(%dma_wait3A_38 : memref<16xi32, #tpu.memory_space<hbm>>)
    } else {
    }
    %barrier3A = arith.constant 0 : index
    tpu.barrier barrier_id(%barrier3A)
    %eq3A_2 = arith.constant 0 : i32
    %eq3A_3 = arith.cmpi eq, %arg0, %eq3A_2 : i32
    %convert_element_type3A_4 = arith.extui %eq3A_3 : i1 to i32
    %cond3A_5 = arith.constant 0 : i32
    %cond3A_6 = arith.cmpi ne, %convert_element_type3A_4, %cond3A_5 : i32
    scf.if %cond3A_6 {
      %mul3A = arith.constant 128 : i32
      %mul3A_7 = arith.muli %arg1, %mul3A : i32
      %iota3A = tpu.iota {dimensions = array<i32: 0>} : vector<16xi32>
      %broadcast_in_dim3A = vector.broadcast %arg1 : i32 to vector<16xi32>
      %broadcast_in_dim3A_8 = arith.constant 1 : i32
      %broadcast_in_dim3A_9 = vector.broadcast %broadcast_in_dim3A_8 : i32 to vector<16xi32>
      "tpu.region"() ({
        %run_scoped3A = tpu.sem_alloc : memref<!tpu.dma_semaphore, #tpu.memory_space<semaphore_mem>>
        tpu.enqueue_dma source(%arg7 : memref<256xi32, #tpu.memory_space<hbm>>) target(%arg17 : memref<256xi32, #tpu.memory_space<vmem>>) target_semaphore(%run_scoped3A : memref<!tpu.dma_semaphore, #tpu.memory_space<semaphore_mem>>)
        tpu.wait_dma2 semaphore(%run_scoped3A : memref<!tpu.dma_semaphore, #tpu.memory_space<semaphore_mem>>) src(%arg7 : memref<256xi32, #tpu.memory_space<hbm>>) dst(%arg17 : memref<256xi32, #tpu.memory_space<vmem>>)
        tpu.yield
      }) : () -> ()
      %broadcast_in_dim3A_10 = arith.constant 0 : i32
      %broadcast_in_dim3A_11 = vector.broadcast %broadcast_in_dim3A_10 : i32 to vector<16xi32>
      %broadcast_in_dim3A_12 = arith.constant 0 : i32
      %broadcast_in_dim3A_13 = vector.broadcast %broadcast_in_dim3A_12 : i32 to vector<16xi32>
      %get3A = arith.constant 0 : index
      %get3A_14 = tpu.vector_load %arg17[%get3A] {strides = array<i32>} : memref<256xi32, #tpu.memory_space<vmem>>, vector<16xi32>,
      %add3A = arith.addi %broadcast_in_dim3A_11, %get3A_14 : vector<16xi32>
      %broadcast_in_dim3A_15 = arith.constant 0 : i32
      %broadcast_in_dim3A_16 = vector.broadcast %broadcast_in_dim3A_15 : i32 to vector<16xi32>
      %lt3A = arith.cmpi slt, %broadcast_in_dim3A_16, %broadcast_in_dim3A : vector<16xi32>
      %jit3A = arith.constant 0 : i32
      %broadcast_in_dim3A_17 = vector.broadcast %jit3A : i32 to vector<16xi32>
      %select_n3A = arith.select %lt3A, %get3A_14, %broadcast_in_dim3A_17 : vector<16xi1>, vector<16xi32>
      %add3A_18 = arith.addi %broadcast_in_dim3A_13, %select_n3A : vector<16xi32>
      %get3A_19 = arith.constant 16 : index
      %get3A_20 = tpu.vector_load %arg17[%get3A_19] {strides = array<i32>} : memref<256xi32, #tpu.memory_space<vmem>>, vector<16xi32>,
      %add3A_21 = arith.addi %add3A, %get3A_20 : vector<16xi32>
      %broadcast_in_dim3A_22 = arith.constant 1 : i32
      %broadcast_in_dim3A_23 = vector.broadcast %broadcast_in_dim3A_22 : i32 to vector<16xi32>
      %lt3A_24 = arith.cmpi slt, %broadcast_in_dim3A_23, %broadcast_in_dim3A : vector<16xi32>
      %jit3A_25 = arith.constant 0 : i32
      %broadcast_in_dim3A_26 = vector.broadcast %jit3A_25 : i32 to vector<16xi32>
      %select_n3A_27 = arith.select %lt3A_24, %get3A_20, %broadcast_in_dim3A_26 : vector<16xi1>, vector<16xi32>
      %add3A_28 = arith.addi %add3A_18, %select_n3A_27 : vector<16xi32>
      %get3A_29 = arith.constant 32 : index
      %get3A_30 = tpu.vector_load %arg17[%get3A_29] {strides = array<i32>} : memref<256xi32, #tpu.memory_space<vmem>>, vector<16xi32>,
      %add3A_31 = arith.addi %add3A_21, %get3A_30 : vector<16xi32>
      %broadcast_in_dim3A_32 = arith.constant 2 : i32
      %broadcast_in_dim3A_33 = vector.broadcast %broadcast_in_dim3A_32 : i32 to vector<16xi32>
      %lt3A_34 = arith.cmpi slt, %broadcast_in_dim3A_33, %broadcast_in_dim3A : vector<16xi32>
      %jit3A_35 = arith.constant 0 : i32
      %broadcast_in_dim3A_36 = vector.broadcast %jit3A_35 : i32 to vector<16xi32>
      %select_n3A_37 = arith.select %lt3A_34, %get3A_30, %broadcast_in_dim3A_36 : vector<16xi1>, vector<16xi32>
      %add3A_38 = arith.addi %add3A_28, %select_n3A_37 : vector<16xi32>
      %get3A_39 = arith.constant 48 : index
      %get3A_40 = tpu.vector_load %arg17[%get3A_39] {strides = array<i32>} : memref<256xi32, #tpu.memory_space<vmem>>, vector<16xi32>,
      %add3A_41 = arith.addi %add3A_31, %get3A_40 : vector<16xi32>
      %broadcast_in_dim3A_42 = arith.constant 3 : i32
      %broadcast_in_dim3A_43 = vector.broadcast %broadcast_in_dim3A_42 : i32 to vector<16xi32>
      %lt3A_44 = arith.cmpi slt, %broadcast_in_dim3A_43, %broadcast_in_dim3A : vector<16xi32>
      %jit3A_45 = arith.constant 0 : i32
      %broadcast_in_dim3A_46 = vector.broadcast %jit3A_45 : i32 to vector<16xi32>
      %select_n3A_47 = arith.select %lt3A_44, %get3A_40, %broadcast_in_dim3A_46 : vector<16xi1>, vector<16xi32>
      %add3A_48 = arith.addi %add3A_38, %select_n3A_47 : vector<16xi32>
      %get3A_49 = arith.constant 64 : index
      %get3A_50 = tpu.vector_load %arg17[%get3A_49] {strides = array<i32>} : memref<256xi32, #tpu.memory_space<vmem>>, vector<16xi32>,
      %add3A_51 = arith.addi %add3A_41, %get3A_50 : vector<16xi32>
      %broadcast_in_dim3A_52 = arith.constant 4 : i32
      %broadcast_in_dim3A_53 = vector.broadcast %broadcast_in_dim3A_52 : i32 to vector<16xi32>
      %lt3A_54 = arith.cmpi slt, %broadcast_in_dim3A_53, %broadcast_in_dim3A : vector<16xi32>
      %jit3A_55 = arith.constant 0 : i32
      %broadcast_in_dim3A_56 = vector.broadcast %jit3A_55 : i32 to vector<16xi32>
      %select_n3A_57 = arith.select %lt3A_54, %get3A_50, %broadcast_in_dim3A_56 : vector<16xi1>, vector<16xi32>
      %add3A_58 = arith.addi %add3A_48, %select_n3A_57 : vector<16xi32>
      %get3A_59 = arith.constant 80 : index
      %get3A_60 = tpu.vector_load %arg17[%get3A_59] {strides = array<i32>} : memref<256xi32, #tpu.memory_space<vmem>>, vector<16xi32>,
      %add3A_61 = arith.addi %add3A_51, %get3A_60 : vector<16xi32>
      %broadcast_in_dim3A_62 = arith.constant 5 : i32
      %broadcast_in_dim3A_63 = vector.broadcast %broadcast_in_dim3A_62 : i32 to vector<16xi32>
      %lt3A_64 = arith.cmpi slt, %broadcast_in_dim3A_63, %broadcast_in_dim3A : vector<16xi32>
      %jit3A_65 = arith.constant 0 : i32
      %broadcast_in_dim3A_66 = vector.broadcast %jit3A_65 : i32 to vector<16xi32>
      %select_n3A_67 = arith.select %lt3A_64, %get3A_60, %broadcast_in_dim3A_66 : vector<16xi1>, vector<16xi32>
      %add3A_68 = arith.addi %add3A_58, %select_n3A_67 : vector<16xi32>
      %get3A_69 = arith.constant 96 : index
      %get3A_70 = tpu.vector_load %arg17[%get3A_69] {strides = array<i32>} : memref<256xi32, #tpu.memory_space<vmem>>, vector<16xi32>,
      %add3A_71 = arith.addi %add3A_61, %get3A_70 : vector<16xi32>
      %broadcast_in_dim3A_72 = arith.constant 6 : i32
      %broadcast_in_dim3A_73 = vector.broadcast %broadcast_in_dim3A_72 : i32 to vector<16xi32>
      %lt3A_74 = arith.cmpi slt, %broadcast_in_dim3A_73, %broadcast_in_dim3A : vector<16xi32>
      %jit3A_75 = arith.constant 0 : i32
      %broadcast_in_dim3A_76 = vector.broadcast %jit3A_75 : i32 to vector<16xi32>
      %select_n3A_77 = arith.select %lt3A_74, %get3A_70, %broadcast_in_dim3A_76 : vector<16xi1>, vector<16xi32>
      %add3A_78 = arith.addi %add3A_68, %select_n3A_77 : vector<16xi32>
      %get3A_79 = arith.constant 112 : index
      %get3A_80 = tpu.vector_load %arg17[%get3A_79] {strides = array<i32>} : memref<256xi32, #tpu.memory_space<vmem>>, vector<16xi32>,
      %add3A_81 = arith.addi %add3A_71, %get3A_80 : vector<16xi32>
      %broadcast_in_dim3A_82 = arith.constant 7 : i32
      %broadcast_in_dim3A_83 = vector.broadcast %broadcast_in_dim3A_82 : i32 to vector<16xi32>
      %lt3A_84 = arith.cmpi slt, %broadcast_in_dim3A_83, %broadcast_in_dim3A : vector<16xi32>
      %jit3A_85 = arith.constant 0 : i32
      %broadcast_in_dim3A_86 = vector.broadcast %jit3A_85 : i32 to vector<16xi32>
      %select_n3A_87 = arith.select %lt3A_84, %get3A_80, %broadcast_in_dim3A_86 : vector<16xi1>, vector<16xi32>
      %add3A_88 = arith.addi %add3A_78, %select_n3A_87 : vector<16xi32>
      %get3A_89 = arith.constant 128 : index
      %get3A_90 = tpu.vector_load %arg17[%get3A_89] {strides = array<i32>} : memref<256xi32, #tpu.memory_space<vmem>>, vector<16xi32>,
      %add3A_91 = arith.addi %add3A_81, %get3A_90 : vector<16xi32>
      %broadcast_in_dim3A_92 = arith.constant 8 : i32
      %broadcast_in_dim3A_93 = vector.broadcast %broadcast_in_dim3A_92 : i32 to vector<16xi32>
      %lt3A_94 = arith.cmpi slt, %broadcast_in_dim3A_93, %broadcast_in_dim3A : vector<16xi32>
      %jit3A_95 = arith.constant 0 : i32
      %broadcast_in_dim3A_96 = vector.broadcast %jit3A_95 : i32 to vector<16xi32>
      %select_n3A_97 = arith.select %lt3A_94, %get3A_90, %broadcast_in_dim3A_96 : vector<16xi1>, vector<16xi32>
      %add3A_98 = arith.addi %add3A_88, %select_n3A_97 : vector<16xi32>
      %get3A_99 = arith.constant 144 : index
      %get3A_100 = tpu.vector_load %arg17[%get3A_99] {strides = array<i32>} : memref<256xi32, #tpu.memory_space<vmem>>, vector<16xi32>,
      %add3A_101 = arith.addi %add3A_91, %get3A_100 : vector<16xi32>
      %broadcast_in_dim3A_102 = arith.constant 9 : i32
      %broadcast_in_dim3A_103 = vector.broadcast %broadcast_in_dim3A_102 : i32 to vector<16xi32>
      %lt3A_104 = arith.cmpi slt, %broadcast_in_dim3A_103, %broadcast_in_dim3A : vector<16xi32>
      %jit3A_105 = arith.constant 0 : i32
      %broadcast_in_dim3A_106 = vector.broadcast %jit3A_105 : i32 to vector<16xi32>
      %select_n3A_107 = arith.select %lt3A_104, %get3A_100, %broadcast_in_dim3A_106 : vector<16xi1>, vector<16xi32>
      %add3A_108 = arith.addi %add3A_98, %select_n3A_107 : vector<16xi32>
      %get3A_109 = arith.constant 160 : index
      %get3A_110 = tpu.vector_load %arg17[%get3A_109] {strides = array<i32>} : memref<256xi32, #tpu.memory_space<vmem>>, vector<16xi32>,
      %add3A_111 = arith.addi %add3A_101, %get3A_110 : vector<16xi32>
      %broadcast_in_dim3A_112 = arith.constant 10 : i32
      %broadcast_in_dim3A_113 = vector.broadcast %broadcast_in_dim3A_112 : i32 to vector<16xi32>
      %lt3A_114 = arith.cmpi slt, %broadcast_in_dim3A_113, %broadcast_in_dim3A : vector<16xi32>
      %jit3A_115 = arith.constant 0 : i32
      %broadcast_in_dim3A_116 = vector.broadcast %jit3A_115 : i32 to vector<16xi32>
      %select_n3A_117 = arith.select %lt3A_114, %get3A_110, %broadcast_in_dim3A_116 : vector<16xi1>, vector<16xi32>
      %add3A_118 = arith.addi %add3A_108, %select_n3A_117 : vector<16xi32>
      %get3A_119 = arith.constant 176 : index
      %get3A_120 = tpu.vector_load %arg17[%get3A_119] {strides = array<i32>} : memref<256xi32, #tpu.memory_space<vmem>>, vector<16xi32>,
      %add3A_121 = arith.addi %add3A_111, %get3A_120 : vector<16xi32>
      %broadcast_in_dim3A_122 = arith.constant 11 : i32
      %broadcast_in_dim3A_123 = vector.broadcast %broadcast_in_dim3A_122 : i32 to vector<16xi32>
      %lt3A_124 = arith.cmpi slt, %broadcast_in_dim3A_123, %broadcast_in_dim3A : vector<16xi32>
      %jit3A_125 = arith.constant 0 : i32
      %broadcast_in_dim3A_126 = vector.broadcast %jit3A_125 : i32 to vector<16xi32>
      %select_n3A_127 = arith.select %lt3A_124, %get3A_120, %broadcast_in_dim3A_126 : vector<16xi1>, vector<16xi32>
      %add3A_128 = arith.addi %add3A_118, %select_n3A_127 : vector<16xi32>
      %get3A_129 = arith.constant 192 : index
      %get3A_130 = tpu.vector_load %arg17[%get3A_129] {strides = array<i32>} : memref<256xi32, #tpu.memory_space<vmem>>, vector<16xi32>,
      %add3A_131 = arith.addi %add3A_121, %get3A_130 : vector<16xi32>
      %broadcast_in_dim3A_132 = arith.constant 12 : i32
      %broadcast_in_dim3A_133 = vector.broadcast %broadcast_in_dim3A_132 : i32 to vector<16xi32>
      %lt3A_134 = arith.cmpi slt, %broadcast_in_dim3A_133, %broadcast_in_dim3A : vector<16xi32>
      %jit3A_135 = arith.constant 0 : i32
      %broadcast_in_dim3A_136 = vector.broadcast %jit3A_135 : i32 to vector<16xi32>
      %select_n3A_137 = arith.select %lt3A_134, %get3A_130, %broadcast_in_dim3A_136 : vector<16xi1>, vector<16xi32>
      %add3A_138 = arith.addi %add3A_128, %select_n3A_137 : vector<16xi32>
      %get3A_139 = arith.constant 208 : index
      %get3A_140 = tpu.vector_load %arg17[%get3A_139] {strides = array<i32>} : memref<256xi32, #tpu.memory_space<vmem>>, vector<16xi32>,
      %add3A_141 = arith.addi %add3A_131, %get3A_140 : vector<16xi32>
      %broadcast_in_dim3A_142 = arith.constant 13 : i32
      %broadcast_in_dim3A_143 = vector.broadcast %broadcast_in_dim3A_142 : i32 to vector<16xi32>
      %lt3A_144 = arith.cmpi slt, %broadcast_in_dim3A_143, %broadcast_in_dim3A : vector<16xi32>
      %jit3A_145 = arith.constant 0 : i32
      %broadcast_in_dim3A_146 = vector.broadcast %jit3A_145 : i32 to vector<16xi32>
      %select_n3A_147 = arith.select %lt3A_144, %get3A_140, %broadcast_in_dim3A_146 : vector<16xi1>, vector<16xi32>
      %add3A_148 = arith.addi %add3A_138, %select_n3A_147 : vector<16xi32>
      %get3A_149 = arith.constant 224 : index
      %get3A_150 = tpu.vector_load %arg17[%get3A_149] {strides = array<i32>} : memref<256xi32, #tpu.memory_space<vmem>>, vector<16xi32>,
      %add3A_151 = arith.addi %add3A_141, %get3A_150 : vector<16xi32>
      %broadcast_in_dim3A_152 = arith.constant 14 : i32
      %broadcast_in_dim3A_153 = vector.broadcast %broadcast_in_dim3A_152 : i32 to vector<16xi32>
      %lt3A_154 = arith.cmpi slt, %broadcast_in_dim3A_153, %broadcast_in_dim3A : vector<16xi32>
      %jit3A_155 = arith.constant 0 : i32
      %broadcast_in_dim3A_156 = vector.broadcast %jit3A_155 : i32 to vector<16xi32>
      %select_n3A_157 = arith.select %lt3A_154, %get3A_150, %broadcast_in_dim3A_156 : vector<16xi1>, vector<16xi32>
      %add3A_158 = arith.addi %add3A_148, %select_n3A_157 : vector<16xi32>
      %get3A_159 = arith.constant 240 : index
      %get3A_160 = tpu.vector_load %arg17[%get3A_159] {strides = array<i32>} : memref<256xi32, #tpu.memory_space<vmem>>, vector<16xi32>,
      %add3A_161 = arith.addi %add3A_151, %get3A_160 : vector<16xi32>
      %broadcast_in_dim3A_162 = arith.constant 15 : i32
      %broadcast_in_dim3A_163 = vector.broadcast %broadcast_in_dim3A_162 : i32 to vector<16xi32>
      %lt3A_164 = arith.cmpi slt, %broadcast_in_dim3A_163, %broadcast_in_dim3A : vector<16xi32>
      %jit3A_165 = arith.constant 0 : i32
      %broadcast_in_dim3A_166 = vector.broadcast %jit3A_165 : i32 to vector<16xi32>
      %select_n3A_167 = arith.select %lt3A_164, %get3A_160, %broadcast_in_dim3A_166 : vector<16xi1>, vector<16xi32>
      %add3A_168 = arith.addi %add3A_158, %select_n3A_167 : vector<16xi32>
      %add3A_169 = arith.constant 255 : i32
      %add3A_170 = vector.broadcast %add3A_169 : i32 to vector<16xi32>
      %add3A_171 = arith.addi %add3A_161, %add3A_170 : vector<16xi32>
      %shift_right_arithmetic3A = arith.constant 8 : i32
      %shift_right_arithmetic3A_172 = vector.broadcast %shift_right_arithmetic3A : i32 to vector<16xi32>
      %shift_right_arithmetic3A_173 = arith.shrsi %add3A_171, %shift_right_arithmetic3A_172 : vector<16xi32>
      %shift_left3A = arith.constant 8 : i32
      %shift_left3A_174 = vector.broadcast %shift_left3A : i32 to vector<16xi32>
      %shift_left3A_175 = arith.shli %shift_right_arithmetic3A_173, %shift_left3A_174 : vector<16xi32>
      %broadcast_in_dim3A_176 = arith.constant true
      %broadcast_in_dim3A_177 = vector.broadcast %broadcast_in_dim3A_176 : i1 to vector<16xi1>
      %masked_cumsum3A = tpu.scan <sum>, %shift_left3A_175 masked %broadcast_in_dim3A_177 : vector<16xi32>, vector<16xi1> -> vector<16xi32>
      %swap3A = arith.constant 0 : index
      %swap3A_178 = tpu.vector_load %arg19[%swap3A] {strides = array<i32>} : memref<16xi32, #tpu.memory_space<vmem>>, vector<16xi32>,
      tpu.vector_store %arg19[%swap3A], %masked_cumsum3A {strides = array<i32>} : memref<16xi32, #tpu.memory_space<vmem>>, vector<16xi32>,
      %sub3A = arith.subi %masked_cumsum3A, %shift_left3A_175 : vector<16xi32>
      %add3A_179 = arith.addi %sub3A, %add3A_168 : vector<16xi32>
      %swap3A_180 = arith.constant 0 : index
      %swap3A_181 = tpu.vector_load %arg18[%swap3A_180] {strides = array<i32>} : memref<16xi32, #tpu.memory_space<vmem>>, vector<16xi32>,
      tpu.vector_store %arg18[%swap3A_180], %add3A_179 {strides = array<i32>} : memref<16xi32, #tpu.memory_space<vmem>>, vector<16xi32>,
      %scan3A = arith.constant 0 : i32
      %scan3A_182 = arith.constant 0 : i32
      %scan3A_183 = arith.constant 8 : i32
      %scan3A_184 = arith.addi %scan3A_182, %scan3A_183 : i32
      %scan3A_185 = arith.constant 1 : i32
      scf.for %scan3A_232 = %scan3A_182 to %scan3A_184 step %scan3A_185  : i32 {
        %mul3A_233 = arith.constant 16 : i32
        %mul3A_234 = arith.muli %scan3A_232, %mul3A_233 : i32
        %get3A_235 = arith.index_cast %mul3A_234 : i32 to index
        %get3A_236 = tpu.vector_load %arg9[%get3A_235] {strides = array<i32>} : memref<128xi32, #tpu.memory_space<vmem>>, vector<16xi32>,
        %broadcast_in_dim3A_237 = arith.constant 0 : i32
        %broadcast_in_dim3A_238 = vector.broadcast %broadcast_in_dim3A_237 : i32 to vector<16xi32>
        %eq3A_239 = arith.constant 0 : i32
        %eq3A_240 = vector.broadcast %eq3A_239 : i32 to vector<16xi32>
        %eq3A_241 = arith.cmpi eq, %get3A_236, %eq3A_240 : vector<16xi32>
        %convert_element_type3A_242 = arith.extui %eq3A_241 : vector<16xi1> to vector<16xi32>
        %broadcast_in_dim3A_243 = arith.constant true
        %broadcast_in_dim3A_244 = vector.broadcast %broadcast_in_dim3A_243 : i1 to vector<16xi1>
        %masked_cumsum3A_245 = tpu.scan <sum>, %convert_element_type3A_242 masked %broadcast_in_dim3A_244 : vector<16xi32>, vector<16xi1> -> vector<16xi32>
        %sub3A_246 = arith.constant 1 : i32
        %sub3A_247 = vector.broadcast %sub3A_246 : i32 to vector<16xi32>
        %sub3A_248 = arith.subi %masked_cumsum3A_245, %sub3A_247 : vector<16xi32>
        %select_n3A_249 = arith.select %eq3A_241, %sub3A_248, %broadcast_in_dim3A_238 : vector<16xi1>, vector<16xi32>
        %eq3A_250 = arith.constant 1 : i32
        %eq3A_251 = vector.broadcast %eq3A_250 : i32 to vector<16xi32>
        %eq3A_252 = arith.cmpi eq, %get3A_236, %eq3A_251 : vector<16xi32>
        %convert_element_type3A_253 = arith.extui %eq3A_252 : vector<16xi1> to vector<16xi32>
        %broadcast_in_dim3A_254 = arith.constant true
        %broadcast_in_dim3A_255 = vector.broadcast %broadcast_in_dim3A_254 : i1 to vector<16xi1>
        %masked_cumsum3A_256 = tpu.scan <sum>, %convert_element_type3A_253 masked %broadcast_in_dim3A_255 : vector<16xi32>, vector<16xi1> -> vector<16xi32>
        %sub3A_257 = arith.constant 1 : i32
        %sub3A_258 = vector.broadcast %sub3A_257 : i32 to vector<16xi32>
        %sub3A_259 = arith.subi %masked_cumsum3A_256, %sub3A_258 : vector<16xi32>
        %select_n3A_260 = arith.select %eq3A_252, %sub3A_259, %select_n3A_249 : vector<16xi1>, vector<16xi32>
        %eq3A_261 = arith.constant 2 : i32
        %eq3A_262 = vector.broadcast %eq3A_261 : i32 to vector<16xi32>
        %eq3A_263 = arith.cmpi eq, %get3A_236, %eq3A_262 : vector<16xi32>
        %convert_element_type3A_264 = arith.extui %eq3A_263 : vector<16xi1> to vector<16xi32>
        %broadcast_in_dim3A_265 = arith.constant true
        %broadcast_in_dim3A_266 = vector.broadcast %broadcast_in_dim3A_265 : i1 to vector<16xi1>
        %masked_cumsum3A_267 = tpu.scan <sum>, %convert_element_type3A_264 masked %broadcast_in_dim3A_266 : vector<16xi32>, vector<16xi1> -> vector<16xi32>
        %sub3A_268 = arith.constant 1 : i32
        %sub3A_269 = vector.broadcast %sub3A_268 : i32 to vector<16xi32>
        %sub3A_270 = arith.subi %masked_cumsum3A_267, %sub3A_269 : vector<16xi32>
        %select_n3A_271 = arith.select %eq3A_263, %sub3A_270, %select_n3A_260 : vector<16xi1>, vector<16xi32>
        %eq3A_272 = arith.constant 3 : i32
        %eq3A_273 = vector.broadcast %eq3A_272 : i32 to vector<16xi32>
        %eq3A_274 = arith.cmpi eq, %get3A_236, %eq3A_273 : vector<16xi32>
        %convert_element_type3A_275 = arith.extui %eq3A_274 : vector<16xi1> to vector<16xi32>
        %broadcast_in_dim3A_276 = arith.constant true
        %broadcast_in_dim3A_277 = vector.broadcast %broadcast_in_dim3A_276 : i1 to vector<16xi1>
        %masked_cumsum3A_278 = tpu.scan <sum>, %convert_element_type3A_275 masked %broadcast_in_dim3A_277 : vector<16xi32>, vector<16xi1> -> vector<16xi32>
        %sub3A_279 = arith.constant 1 : i32
        %sub3A_280 = vector.broadcast %sub3A_279 : i32 to vector<16xi32>
        %sub3A_281 = arith.subi %masked_cumsum3A_278, %sub3A_280 : vector<16xi32>
        %select_n3A_282 = arith.select %eq3A_274, %sub3A_281, %select_n3A_271 : vector<16xi1>, vector<16xi32>
        %eq3A_283 = arith.constant 4 : i32
        %eq3A_284 = vector.broadcast %eq3A_283 : i32 to vector<16xi32>
        %eq3A_285 = arith.cmpi eq, %get3A_236, %eq3A_284 : vector<16xi32>
        %convert_element_type3A_286 = arith.extui %eq3A_285 : vector<16xi1> to vector<16xi32>
        %broadcast_in_dim3A_287 = arith.constant true
        %broadcast_in_dim3A_288 = vector.broadcast %broadcast_in_dim3A_287 : i1 to vector<16xi1>
        %masked_cumsum3A_289 = tpu.scan <sum>, %convert_element_type3A_286 masked %broadcast_in_dim3A_288 : vector<16xi32>, vector<16xi1> -> vector<16xi32>
        %sub3A_290 = arith.constant 1 : i32
        %sub3A_291 = vector.broadcast %sub3A_290 : i32 to vector<16xi32>
        %sub3A_292 = arith.subi %masked_cumsum3A_289, %sub3A_291 : vector<16xi32>
        %select_n3A_293 = arith.select %eq3A_285, %sub3A_292, %select_n3A_282 : vector<16xi1>, vector<16xi32>
        %eq3A_294 = arith.constant 5 : i32
        %eq3A_295 = vector.broadcast %eq3A_294 : i32 to vector<16xi32>
        %eq3A_296 = arith.cmpi eq, %get3A_236, %eq3A_295 : vector<16xi32>
        %convert_element_type3A_297 = arith.extui %eq3A_296 : vector<16xi1> to vector<16xi32>
        %broadcast_in_dim3A_298 = arith.constant true
        %broadcast_in_dim3A_299 = vector.broadcast %broadcast_in_dim3A_298 : i1 to vector<16xi1>
        %masked_cumsum3A_300 = tpu.scan <sum>, %convert_element_type3A_297 masked %broadcast_in_dim3A_299 : vector<16xi32>, vector<16xi1> -> vector<16xi32>
        %sub3A_301 = arith.constant 1 : i32
        %sub3A_302 = vector.broadcast %sub3A_301 : i32 to vector<16xi32>
        %sub3A_303 = arith.subi %masked_cumsum3A_300, %sub3A_302 : vector<16xi32>
        %select_n3A_304 = arith.select %eq3A_296, %sub3A_303, %select_n3A_293 : vector<16xi1>, vector<16xi32>
        %eq3A_305 = arith.constant 6 : i32
        %eq3A_306 = vector.broadcast %eq3A_305 : i32 to vector<16xi32>
        %eq3A_307 = arith.cmpi eq, %get3A_236, %eq3A_306 : vector<16xi32>
        %convert_element_type3A_308 = arith.extui %eq3A_307 : vector<16xi1> to vector<16xi32>
        %broadcast_in_dim3A_309 = arith.constant true
        %broadcast_in_dim3A_310 = vector.broadcast %broadcast_in_dim3A_309 : i1 to vector<16xi1>
        %masked_cumsum3A_311 = tpu.scan <sum>, %convert_element_type3A_308 masked %broadcast_in_dim3A_310 : vector<16xi32>, vector<16xi1> -> vector<16xi32>
        %sub3A_312 = arith.constant 1 : i32
        %sub3A_313 = vector.broadcast %sub3A_312 : i32 to vector<16xi32>
        %sub3A_314 = arith.subi %masked_cumsum3A_311, %sub3A_313 : vector<16xi32>
        %select_n3A_315 = arith.select %eq3A_307, %sub3A_314, %select_n3A_304 : vector<16xi1>, vector<16xi32>
        %eq3A_316 = arith.constant 7 : i32
        %eq3A_317 = vector.broadcast %eq3A_316 : i32 to vector<16xi32>
        %eq3A_318 = arith.cmpi eq, %get3A_236, %eq3A_317 : vector<16xi32>
        %convert_element_type3A_319 = arith.extui %eq3A_318 : vector<16xi1> to vector<16xi32>
        %broadcast_in_dim3A_320 = arith.constant true
        %broadcast_in_dim3A_321 = vector.broadcast %broadcast_in_dim3A_320 : i1 to vector<16xi1>
        %masked_cumsum3A_322 = tpu.scan <sum>, %convert_element_type3A_319 masked %broadcast_in_dim3A_321 : vector<16xi32>, vector<16xi1> -> vector<16xi32>
        %sub3A_323 = arith.constant 1 : i32
        %sub3A_324 = vector.broadcast %sub3A_323 : i32 to vector<16xi32>
        %sub3A_325 = arith.subi %masked_cumsum3A_322, %sub3A_324 : vector<16xi32>
        %select_n3A_326 = arith.select %eq3A_318, %sub3A_325, %select_n3A_315 : vector<16xi1>, vector<16xi32>
        %gather3A = tpu.vector_load_idx %arg18[%get3A_236] : memref<16xi32, #tpu.memory_space<vmem>>[vector<16xi32>], vector<16xi32>,
        %add3A_327 = arith.addi %gather3A, %select_n3A_326 : vector<16xi32>
        %swap3A_328 = arith.index_cast %mul3A_234 : i32 to index
        %swap3A_329 = tpu.vector_load %arg13[%swap3A_328] {strides = array<i32>} : memref<128xi32, #tpu.memory_space<vmem>>, vector<16xi32>,
        tpu.vector_store %arg13[%swap3A_328], %add3A_327 {strides = array<i32>} : memref<128xi32, #tpu.memory_space<vmem>>, vector<16xi32>,
        tpu.vector_store_idx %arg18[%get3A_236], %broadcast_in_dim3A_9 {add = true} : memref<16xi32, #tpu.memory_space<vmem>>[vector<16xi32>], vector<16xi32>,
      }
      %scan3A_186 = arith.constant 8 : i32
      %scan3A_187 = arith.constant 0 : i32
      %scan3A_188 = arith.constant 0 : i32
      %scan3A_189 = arith.constant 8 : i32
      %scan3A_190 = arith.addi %scan3A_188, %scan3A_189 : i32
      %scan3A_191 = arith.constant 1 : i32
      scf.for %scan3A_232 = %scan3A_188 to %scan3A_190 step %scan3A_191  : i32 {
        %mul3A_233 = arith.constant 16 : i32
        %mul3A_234 = arith.muli %scan3A_232, %mul3A_233 : i32
        %get3A_235 = arith.index_cast %mul3A_234 : i32 to index
        %get3A_236 = tpu.vector_load %arg10[%get3A_235] {strides = array<i32>} : memref<128xi32, #tpu.memory_space<vmem>>, vector<16xi32>,
        %broadcast_in_dim3A_237 = arith.constant 0 : i32
        %broadcast_in_dim3A_238 = vector.broadcast %broadcast_in_dim3A_237 : i32 to vector<16xi32>
        %eq3A_239 = arith.constant 0 : i32
        %eq3A_240 = vector.broadcast %eq3A_239 : i32 to vector<16xi32>
        %eq3A_241 = arith.cmpi eq, %get3A_236, %eq3A_240 : vector<16xi32>
        %convert_element_type3A_242 = arith.extui %eq3A_241 : vector<16xi1> to vector<16xi32>
        %broadcast_in_dim3A_243 = arith.constant true
        %broadcast_in_dim3A_244 = vector.broadcast %broadcast_in_dim3A_243 : i1 to vector<16xi1>
        %masked_cumsum3A_245 = tpu.scan <sum>, %convert_element_type3A_242 masked %broadcast_in_dim3A_244 : vector<16xi32>, vector<16xi1> -> vector<16xi32>
        %sub3A_246 = arith.constant 1 : i32
        %sub3A_247 = vector.broadcast %sub3A_246 : i32 to vector<16xi32>
        %sub3A_248 = arith.subi %masked_cumsum3A_245, %sub3A_247 : vector<16xi32>
        %select_n3A_249 = arith.select %eq3A_241, %sub3A_248, %broadcast_in_dim3A_238 : vector<16xi1>, vector<16xi32>
        %eq3A_250 = arith.constant 1 : i32
        %eq3A_251 = vector.broadcast %eq3A_250 : i32 to vector<16xi32>
        %eq3A_252 = arith.cmpi eq, %get3A_236, %eq3A_251 : vector<16xi32>
        %convert_element_type3A_253 = arith.extui %eq3A_252 : vector<16xi1> to vector<16xi32>
        %broadcast_in_dim3A_254 = arith.constant true
        %broadcast_in_dim3A_255 = vector.broadcast %broadcast_in_dim3A_254 : i1 to vector<16xi1>
        %masked_cumsum3A_256 = tpu.scan <sum>, %convert_element_type3A_253 masked %broadcast_in_dim3A_255 : vector<16xi32>, vector<16xi1> -> vector<16xi32>
        %sub3A_257 = arith.constant 1 : i32
        %sub3A_258 = vector.broadcast %sub3A_257 : i32 to vector<16xi32>
        %sub3A_259 = arith.subi %masked_cumsum3A_256, %sub3A_258 : vector<16xi32>
        %select_n3A_260 = arith.select %eq3A_252, %sub3A_259, %select_n3A_249 : vector<16xi1>, vector<16xi32>
        %eq3A_261 = arith.constant 2 : i32
        %eq3A_262 = vector.broadcast %eq3A_261 : i32 to vector<16xi32>
        %eq3A_263 = arith.cmpi eq, %get3A_236, %eq3A_262 : vector<16xi32>
        %convert_element_type3A_264 = arith.extui %eq3A_263 : vector<16xi1> to vector<16xi32>
        %broadcast_in_dim3A_265 = arith.constant true
        %broadcast_in_dim3A_266 = vector.broadcast %broadcast_in_dim3A_265 : i1 to vector<16xi1>
        %masked_cumsum3A_267 = tpu.scan <sum>, %convert_element_type3A_264 masked %broadcast_in_dim3A_266 : vector<16xi32>, vector<16xi1> -> vector<16xi32>
        %sub3A_268 = arith.constant 1 : i32
        %sub3A_269 = vector.broadcast %sub3A_268 : i32 to vector<16xi32>
        %sub3A_270 = arith.subi %masked_cumsum3A_267, %sub3A_269 : vector<16xi32>
        %select_n3A_271 = arith.select %eq3A_263, %sub3A_270, %select_n3A_260 : vector<16xi1>, vector<16xi32>
        %eq3A_272 = arith.constant 3 : i32
        %eq3A_273 = vector.broadcast %eq3A_272 : i32 to vector<16xi32>
        %eq3A_274 = arith.cmpi eq, %get3A_236, %eq3A_273 : vector<16xi32>
        %convert_element_type3A_275 = arith.extui %eq3A_274 : vector<16xi1> to vector<16xi32>
        %broadcast_in_dim3A_276 = arith.constant true
        %broadcast_in_dim3A_277 = vector.broadcast %broadcast_in_dim3A_276 : i1 to vector<16xi1>
        %masked_cumsum3A_278 = tpu.scan <sum>, %convert_element_type3A_275 masked %broadcast_in_dim3A_277 : vector<16xi32>, vector<16xi1> -> vector<16xi32>
        %sub3A_279 = arith.constant 1 : i32
        %sub3A_280 = vector.broadcast %sub3A_279 : i32 to vector<16xi32>
        %sub3A_281 = arith.subi %masked_cumsum3A_278, %sub3A_280 : vector<16xi32>
        %select_n3A_282 = arith.select %eq3A_274, %sub3A_281, %select_n3A_271 : vector<16xi1>, vector<16xi32>
        %eq3A_283 = arith.constant 4 : i32
        %eq3A_284 = vector.broadcast %eq3A_283 : i32 to vector<16xi32>
        %eq3A_285 = arith.cmpi eq, %get3A_236, %eq3A_284 : vector<16xi32>
        %convert_element_type3A_286 = arith.extui %eq3A_285 : vector<16xi1> to vector<16xi32>
        %broadcast_in_dim3A_287 = arith.constant true
        %broadcast_in_dim3A_288 = vector.broadcast %broadcast_in_dim3A_287 : i1 to vector<16xi1>
        %masked_cumsum3A_289 = tpu.scan <sum>, %convert_element_type3A_286 masked %broadcast_in_dim3A_288 : vector<16xi32>, vector<16xi1> -> vector<16xi32>
        %sub3A_290 = arith.constant 1 : i32
        %sub3A_291 = vector.broadcast %sub3A_290 : i32 to vector<16xi32>
        %sub3A_292 = arith.subi %masked_cumsum3A_289, %sub3A_291 : vector<16xi32>
        %select_n3A_293 = arith.select %eq3A_285, %sub3A_292, %select_n3A_282 : vector<16xi1>, vector<16xi32>
        %eq3A_294 = arith.constant 5 : i32
        %eq3A_295 = vector.broadcast %eq3A_294 : i32 to vector<16xi32>
        %eq3A_296 = arith.cmpi eq, %get3A_236, %eq3A_295 : vector<16xi32>
        %convert_element_type3A_297 = arith.extui %eq3A_296 : vector<16xi1> to vector<16xi32>
        %broadcast_in_dim3A_298 = arith.constant true
        %broadcast_in_dim3A_299 = vector.broadcast %broadcast_in_dim3A_298 : i1 to vector<16xi1>
        %masked_cumsum3A_300 = tpu.scan <sum>, %convert_element_type3A_297 masked %broadcast_in_dim3A_299 : vector<16xi32>, vector<16xi1> -> vector<16xi32>
        %sub3A_301 = arith.constant 1 : i32
        %sub3A_302 = vector.broadcast %sub3A_301 : i32 to vector<16xi32>
        %sub3A_303 = arith.subi %masked_cumsum3A_300, %sub3A_302 : vector<16xi32>
        %select_n3A_304 = arith.select %eq3A_296, %sub3A_303, %select_n3A_293 : vector<16xi1>, vector<16xi32>
        %eq3A_305 = arith.constant 6 : i32
        %eq3A_306 = vector.broadcast %eq3A_305 : i32 to vector<16xi32>
        %eq3A_307 = arith.cmpi eq, %get3A_236, %eq3A_306 : vector<16xi32>
        %convert_element_type3A_308 = arith.extui %eq3A_307 : vector<16xi1> to vector<16xi32>
        %broadcast_in_dim3A_309 = arith.constant true
        %broadcast_in_dim3A_310 = vector.broadcast %broadcast_in_dim3A_309 : i1 to vector<16xi1>
        %masked_cumsum3A_311 = tpu.scan <sum>, %convert_element_type3A_308 masked %broadcast_in_dim3A_310 : vector<16xi32>, vector<16xi1> -> vector<16xi32>
        %sub3A_312 = arith.constant 1 : i32
        %sub3A_313 = vector.broadcast %sub3A_312 : i32 to vector<16xi32>
        %sub3A_314 = arith.subi %masked_cumsum3A_311, %sub3A_313 : vector<16xi32>
        %select_n3A_315 = arith.select %eq3A_307, %sub3A_314, %select_n3A_304 : vector<16xi1>, vector<16xi32>
        %eq3A_316 = arith.constant 7 : i32
        %eq3A_317 = vector.broadcast %eq3A_316 : i32 to vector<16xi32>
        %eq3A_318 = arith.cmpi eq, %get3A_236, %eq3A_317 : vector<16xi32>
        %convert_element_type3A_319 = arith.extui %eq3A_318 : vector<16xi1> to vector<16xi32>
        %broadcast_in_dim3A_320 = arith.constant true
        %broadcast_in_dim3A_321 = vector.broadcast %broadcast_in_dim3A_320 : i1 to vector<16xi1>
        %masked_cumsum3A_322 = tpu.scan <sum>, %convert_element_type3A_319 masked %broadcast_in_dim3A_321 : vector<16xi32>, vector<16xi1> -> vector<16xi32>
        %sub3A_323 = arith.constant 1 : i32
        %sub3A_324 = vector.broadcast %sub3A_323 : i32 to vector<16xi32>
        %sub3A_325 = arith.subi %masked_cumsum3A_322, %sub3A_324 : vector<16xi32>
        %select_n3A_326 = arith.select %eq3A_318, %sub3A_325, %select_n3A_315 : vector<16xi1>, vector<16xi32>
        %gather3A = tpu.vector_load_idx %arg18[%get3A_236] : memref<16xi32, #tpu.memory_space<vmem>>[vector<16xi32>], vector<16xi32>,
        %add3A_327 = arith.addi %gather3A, %select_n3A_326 : vector<16xi32>
        %swap3A_328 = arith.index_cast %mul3A_234 : i32 to index
        %swap3A_329 = tpu.vector_load %arg14[%swap3A_328] {strides = array<i32>} : memref<128xi32, #tpu.memory_space<vmem>>, vector<16xi32>,
        tpu.vector_store %arg14[%swap3A_328], %add3A_327 {strides = array<i32>} : memref<128xi32, #tpu.memory_space<vmem>>, vector<16xi32>,
        tpu.vector_store_idx %arg18[%get3A_236], %broadcast_in_dim3A_9 {add = true} : memref<16xi32, #tpu.memory_space<vmem>>[vector<16xi32>], vector<16xi32>,
      }
      %scan3A_192 = arith.constant 8 : i32
      %dma_start3A = arith.constant 0 : i32
      %dma_start3A_193 = tpu.memref_slice %arg3[%dma_start3A] : memref<6144xi32, #tpu.memory_space<hbm>> -> memref<6144xi32, #tpu.memory_space<hbm>>
      tpu.enqueue_indirect_dma source(%arg15 : memref<128xi32, #tpu.memory_space<vmem>>) target(%dma_start3A_193 : memref<6144xi32, #tpu.memory_space<hbm>>) offsets(%arg13 : memref<128xi32, #tpu.memory_space<vmem>>) semaphore(%arg22 : memref<!tpu.dma_semaphore, #tpu.memory_space<semaphore_mem>>)
      %dma_start3A_194 = arith.constant 0 : i32
      %dma_start3A_195 = tpu.memref_slice %arg3[%dma_start3A_194] : memref<6144xi32, #tpu.memory_space<hbm>> -> memref<6144xi32, #tpu.memory_space<hbm>>
      tpu.enqueue_indirect_dma source(%arg15 : memref<128xi32, #tpu.memory_space<vmem>>) target(%dma_start3A_195 : memref<6144xi32, #tpu.memory_space<hbm>>) offsets(%arg14 : memref<128xi32, #tpu.memory_space<vmem>>) semaphore(%arg23 : memref<!tpu.dma_semaphore, #tpu.memory_space<semaphore_mem>>)
      %dma_start3A_196 = arith.constant 0 : i32
      %dma_start3A_197 = tpu.memref_slice %arg4[%dma_start3A_196] : memref<6144xf32, #tpu.memory_space<hbm>> -> memref<6144xf32, #tpu.memory_space<hbm>>
      tpu.enqueue_indirect_dma source(%arg11 : memref<128xf32, #tpu.memory_space<vmem>>) target(%dma_start3A_197 : memref<6144xf32, #tpu.memory_space<hbm>>) offsets(%arg13 : memref<128xi32, #tpu.memory_space<vmem>>) semaphore(%arg24 : memref<!tpu.dma_semaphore, #tpu.memory_space<semaphore_mem>>)
      %dma_start3A_198 = arith.constant 0 : i32
      %dma_start3A_199 = tpu.memref_slice %arg4[%dma_start3A_198] : memref<6144xf32, #tpu.memory_space<hbm>> -> memref<6144xf32, #tpu.memory_space<hbm>>
      tpu.enqueue_indirect_dma source(%arg12 : memref<128xf32, #tpu.memory_space<vmem>>) target(%dma_start3A_199 : memref<6144xf32, #tpu.memory_space<hbm>>) offsets(%arg14 : memref<128xi32, #tpu.memory_space<vmem>>) semaphore(%arg25 : memref<!tpu.dma_semaphore, #tpu.memory_space<semaphore_mem>>)
      %dma_start3A_200 = arith.constant 0 : i32
      %dma_start3A_201 = tpu.memref_slice %arg5[%dma_start3A_200, %mul3A_7] : memref<2x2048xi32, #tpu.memory_space<hbm>> -> memref<1x128xi32, #tpu.memory_space<hbm>>
      %dma_start3A_202 = tpu.memref_squeeze %dma_start3A_201 : memref<1x128xi32, #tpu.memory_space<hbm>> -> memref<128xi32, #tpu.memory_space<hbm>>
      %dma_start3A_203 = tpu.memref_slice %arg5[%dma_start3A_200, %mul3A_7] : memref<2x2048xi32, #tpu.memory_space<hbm>> -> memref<1x128xi32, #tpu.memory_space<hbm>>
      %dma_start3A_204 = tpu.memref_squeeze %dma_start3A_203 : memref<1x128xi32, #tpu.memory_space<hbm>> -> memref<128xi32, #tpu.memory_space<hbm>>
      tpu.enqueue_dma source(%arg13 : memref<128xi32, #tpu.memory_space<vmem>>) target(%dma_start3A_204 : memref<128xi32, #tpu.memory_space<hbm>>) target_semaphore(%arg26 : memref<!tpu.dma_semaphore, #tpu.memory_space<semaphore_mem>>)
      %dma_start3A_205 = arith.constant 1 : i32
      %dma_start3A_206 = tpu.memref_slice %arg5[%dma_start3A_205, %mul3A_7] : memref<2x2048xi32, #tpu.memory_space<hbm>> -> memref<1x128xi32, #tpu.memory_space<hbm>>
      %dma_start3A_207 = tpu.memref_squeeze %dma_start3A_206 : memref<1x128xi32, #tpu.memory_space<hbm>> -> memref<128xi32, #tpu.memory_space<hbm>>
      %dma_start3A_208 = tpu.memref_slice %arg5[%dma_start3A_205, %mul3A_7] : memref<2x2048xi32, #tpu.memory_space<hbm>> -> memref<1x128xi32, #tpu.memory_space<hbm>>
      %dma_start3A_209 = tpu.memref_squeeze %dma_start3A_208 : memref<1x128xi32, #tpu.memory_space<hbm>> -> memref<128xi32, #tpu.memory_space<hbm>>
      tpu.enqueue_dma source(%arg14 : memref<128xi32, #tpu.memory_space<vmem>>) target(%dma_start3A_209 : memref<128xi32, #tpu.memory_space<hbm>>) target_semaphore(%arg27 : memref<!tpu.dma_semaphore, #tpu.memory_space<semaphore_mem>>)
      %dma_wait3A = arith.constant 0 : i32
      %dma_wait3A_210 = tpu.memref_slice %arg3[%dma_wait3A] : memref<6144xi32, #tpu.memory_space<hbm>> -> memref<6144xi32, #tpu.memory_space<hbm>>
      tpu.wait_indirect_dma semaphore(%arg22 : memref<!tpu.dma_semaphore, #tpu.memory_space<semaphore_mem>>) src(%arg15 : memref<128xi32, #tpu.memory_space<vmem>>) dst(%dma_wait3A_210 : memref<6144xi32, #tpu.memory_space<hbm>>)
      %dma_wait3A_211 = arith.constant 0 : i32
      %dma_wait3A_212 = tpu.memref_slice %arg3[%dma_wait3A_211] : memref<6144xi32, #tpu.memory_space<hbm>> -> memref<6144xi32, #tpu.memory_space<hbm>>
      tpu.wait_indirect_dma semaphore(%arg23 : memref<!tpu.dma_semaphore, #tpu.memory_space<semaphore_mem>>) src(%arg15 : memref<128xi32, #tpu.memory_space<vmem>>) dst(%dma_wait3A_212 : memref<6144xi32, #tpu.memory_space<hbm>>)
      %dma_wait3A_213 = arith.constant 0 : i32
      %dma_wait3A_214 = tpu.memref_slice %arg4[%dma_wait3A_213] : memref<6144xf32, #tpu.memory_space<hbm>> -> memref<6144xf32, #tpu.memory_space<hbm>>
      tpu.wait_indirect_dma semaphore(%arg24 : memref<!tpu.dma_semaphore, #tpu.memory_space<semaphore_mem>>) src(%arg11 : memref<128xf32, #tpu.memory_space<vmem>>) dst(%dma_wait3A_214 : memref<6144xf32, #tpu.memory_space<hbm>>)
      %dma_wait3A_215 = arith.constant 0 : i32
      %dma_wait3A_216 = tpu.memref_slice %arg4[%dma_wait3A_215] : memref<6144xf32, #tpu.memory_space<hbm>> -> memref<6144xf32, #tpu.memory_space<hbm>>
      tpu.wait_indirect_dma semaphore(%arg25 : memref<!tpu.dma_semaphore, #tpu.memory_space<semaphore_mem>>) src(%arg12 : memref<128xf32, #tpu.memory_space<vmem>>) dst(%dma_wait3A_216 : memref<6144xf32, #tpu.memory_space<hbm>>)
      %dma_wait3A_217 = arith.constant 0 : i32
      %dma_wait3A_218 = tpu.memref_slice %arg5[%dma_wait3A_217, %mul3A_7] : memref<2x2048xi32, #tpu.memory_space<hbm>> -> memref<1x128xi32, #tpu.memory_space<hbm>>
      %dma_wait3A_219 = tpu.memref_squeeze %dma_wait3A_218 : memref<1x128xi32, #tpu.memory_space<hbm>> -> memref<128xi32, #tpu.memory_space<hbm>>
      %dma_wait3A_220 = tpu.memref_slice %arg5[%dma_wait3A_217, %mul3A_7] : memref<2x2048xi32, #tpu.memory_space<hbm>> -> memref<1x128xi32, #tpu.memory_space<hbm>>
      %dma_wait3A_221 = tpu.memref_squeeze %dma_wait3A_220 : memref<1x128xi32, #tpu.memory_space<hbm>> -> memref<128xi32, #tpu.memory_space<hbm>>
      tpu.wait_dma2 semaphore(%arg26 : memref<!tpu.dma_semaphore, #tpu.memory_space<semaphore_mem>>) src(%arg13 : memref<128xi32, #tpu.memory_space<vmem>>) dst(%dma_wait3A_221 : memref<128xi32, #tpu.memory_space<hbm>>)
      %dma_wait3A_222 = arith.constant 1 : i32
      %dma_wait3A_223 = tpu.memref_slice %arg5[%dma_wait3A_222, %mul3A_7] : memref<2x2048xi32, #tpu.memory_space<hbm>> -> memref<1x128xi32, #tpu.memory_space<hbm>>
      %dma_wait3A_224 = tpu.memref_squeeze %dma_wait3A_223 : memref<1x128xi32, #tpu.memory_space<hbm>> -> memref<128xi32, #tpu.memory_space<hbm>>
      %dma_wait3A_225 = tpu.memref_slice %arg5[%dma_wait3A_222, %mul3A_7] : memref<2x2048xi32, #tpu.memory_space<hbm>> -> memref<1x128xi32, #tpu.memory_space<hbm>>
      %dma_wait3A_226 = tpu.memref_squeeze %dma_wait3A_225 : memref<1x128xi32, #tpu.memory_space<hbm>> -> memref<128xi32, #tpu.memory_space<hbm>>
      tpu.wait_dma2 semaphore(%arg27 : memref<!tpu.dma_semaphore, #tpu.memory_space<semaphore_mem>>) src(%arg14 : memref<128xi32, #tpu.memory_space<vmem>>) dst(%dma_wait3A_226 : memref<128xi32, #tpu.memory_space<hbm>>)
      %eq3A_227 = arith.constant 0 : i32
      %eq3A_228 = arith.cmpi eq, %arg1, %eq3A_227 : i32
      %convert_element_type3A_229 = arith.extui %eq3A_228 : i1 to i32
      %cond3A_230 = arith.constant 0 : i32
      %cond3A_231 = arith.cmpi ne, %convert_element_type3A_229, %cond3A_230 : i32
      scf.if %cond3A_231 {
        "tpu.region"() ({
          %run_scoped3A = tpu.sem_alloc : memref<!tpu.dma_semaphore, #tpu.memory_space<semaphore_mem>>
          tpu.enqueue_dma source(%arg19 : memref<16xi32, #tpu.memory_space<vmem>>) target(%arg6 : memref<16xi32, #tpu.memory_space<hbm>>) target_semaphore(%run_scoped3A : memref<!tpu.dma_semaphore, #tpu.memory_space<semaphore_mem>>)
          tpu.wait_dma2 semaphore(%run_scoped3A : memref<!tpu.dma_semaphore, #tpu.memory_space<semaphore_mem>>) src(%arg19 : memref<16xi32, #tpu.memory_space<vmem>>) dst(%arg6 : memref<16xi32, #tpu.memory_space<hbm>>)
          tpu.yield
        }) : () -> ()
      } else {
      }
    } else {
    }
    return
  }
}

#map = affine_map<(d0, d1) -> (0, 0)>
#map1 = affine_map<(d0, d1) -> (0)>
module attributes {stable_mosaic.version = 14 : i64} {
  func.func @_gather_body(%arg0: i32, %arg1: i32, %arg2: memref<2048x768xf32, #tpu.memory_space<hbm>>, %arg3: memref<6144xi32, #tpu.memory_space<hbm>>, %arg4: memref<6144x768xf32, #tpu.memory_space<hbm>>, %arg5: memref<192xi32, #tpu.memory_space<vmem>>, %arg6: memref<64x768xf32, #tpu.memory_space<vmem>>, %arg7: memref<64x768xf32, #tpu.memory_space<vmem>>, %arg8: memref<!tpu.dma_semaphore, #tpu.memory_space<semaphore_mem>>, %arg9: memref<!tpu.dma_semaphore, #tpu.memory_space<semaphore_mem>>, %arg10: memref<!tpu.dma_semaphore, #tpu.memory_space<semaphore_mem>>, %arg11: memref<!tpu.dma_semaphore, #tpu.memory_space<semaphore_mem>>) attributes {dimension_semantics = [#tpu.dimension_semantics<core_parallel>, #tpu.dimension_semantics<subcore_parallel>], iteration_bounds = array<i64: 2, 16>, scalar_prefetch = 0 : i64, scratch_operands = 7 : i64, tpu.core_type = #tpu.core_type<sc_vector_subcore>, window_params = [{transform_indices = #map}, {transform_indices = #map1}, {transform_indices = #map}]} {
    %mul3A = arith.constant 2 : i32
    %mul3A_0 = arith.muli %arg1, %mul3A : i32
    %add3A = arith.addi %mul3A_0, %arg0 : i32
    %mul3A_1 = arith.constant 192 : i32
    %mul3A_2 = arith.muli %add3A, %mul3A_1 : i32
    "tpu.region"() ({
      %run_scoped3A = tpu.sem_alloc : memref<!tpu.dma_semaphore, #tpu.memory_space<semaphore_mem>>
      %dma_start3A_59 = tpu.memref_slice %arg3[%mul3A_2] : memref<6144xi32, #tpu.memory_space<hbm>> -> memref<192xi32, #tpu.memory_space<hbm>>
      %dma_start3A_60 = tpu.memref_slice %arg3[%mul3A_2] : memref<6144xi32, #tpu.memory_space<hbm>> -> memref<192xi32, #tpu.memory_space<hbm>>
      tpu.enqueue_dma source(%dma_start3A_60 : memref<192xi32, #tpu.memory_space<hbm>>) target(%arg5 : memref<192xi32, #tpu.memory_space<vmem>>) target_semaphore(%run_scoped3A : memref<!tpu.dma_semaphore, #tpu.memory_space<semaphore_mem>>)
      %dma_wait3A_61 = tpu.memref_slice %arg3[%mul3A_2] : memref<6144xi32, #tpu.memory_space<hbm>> -> memref<192xi32, #tpu.memory_space<hbm>>
      %dma_wait3A_62 = tpu.memref_slice %arg3[%mul3A_2] : memref<6144xi32, #tpu.memory_space<hbm>> -> memref<192xi32, #tpu.memory_space<hbm>>
      tpu.wait_dma2 semaphore(%run_scoped3A : memref<!tpu.dma_semaphore, #tpu.memory_space<semaphore_mem>>) src(%dma_wait3A_62 : memref<192xi32, #tpu.memory_space<hbm>>) dst(%arg5 : memref<192xi32, #tpu.memory_space<vmem>>)
      tpu.yield
    }) : () -> ()
    %dma_start3A = arith.constant 0 : i32
    %dma_start3A_3 = tpu.memref_slice %arg5[%dma_start3A] : memref<192xi32, #tpu.memory_space<vmem>> -> memref<64xi32, #tpu.memory_space<vmem>>
    %dma_start3A_4 = arith.constant 0 : i32
    %dma_start3A_5 = arith.constant 0 : i32
    %dma_start3A_6 = tpu.memref_slice %arg2[%dma_start3A_4, %dma_start3A_5] : memref<2048x768xf32, #tpu.memory_space<hbm>> -> memref<2048x768xf32, #tpu.memory_space<hbm>>
    tpu.enqueue_indirect_dma source(%dma_start3A_6 : memref<2048x768xf32, #tpu.memory_space<hbm>>) target(%arg6 : memref<64x768xf32, #tpu.memory_space<vmem>>) offsets(%dma_start3A_3 : memref<64xi32, #tpu.memory_space<vmem>>) semaphore(%arg8 : memref<!tpu.dma_semaphore, #tpu.memory_space<semaphore_mem>>)
    %dma_start3A_7 = arith.constant 64 : i32
    %dma_start3A_8 = tpu.memref_slice %arg5[%dma_start3A_7] : memref<192xi32, #tpu.memory_space<vmem>> -> memref<64xi32, #tpu.memory_space<vmem>>
    %dma_start3A_9 = arith.constant 0 : i32
    %dma_start3A_10 = arith.constant 0 : i32
    %dma_start3A_11 = tpu.memref_slice %arg2[%dma_start3A_9, %dma_start3A_10] : memref<2048x768xf32, #tpu.memory_space<hbm>> -> memref<2048x768xf32, #tpu.memory_space<hbm>>
    tpu.enqueue_indirect_dma source(%dma_start3A_11 : memref<2048x768xf32, #tpu.memory_space<hbm>>) target(%arg7 : memref<64x768xf32, #tpu.memory_space<vmem>>) offsets(%dma_start3A_8 : memref<64xi32, #tpu.memory_space<vmem>>) semaphore(%arg9 : memref<!tpu.dma_semaphore, #tpu.memory_space<semaphore_mem>>)
    %dma_wait3A = arith.constant 0 : i32
    %dma_wait3A_12 = tpu.memref_slice %arg5[%dma_wait3A] : memref<192xi32, #tpu.memory_space<vmem>> -> memref<64xi32, #tpu.memory_space<vmem>>
    %dma_wait3A_13 = arith.constant 0 : i32
    %dma_wait3A_14 = arith.constant 0 : i32
    %dma_wait3A_15 = tpu.memref_slice %arg2[%dma_wait3A_13, %dma_wait3A_14] : memref<2048x768xf32, #tpu.memory_space<hbm>> -> memref<2048x768xf32, #tpu.memory_space<hbm>>
    tpu.wait_indirect_dma semaphore(%arg8 : memref<!tpu.dma_semaphore, #tpu.memory_space<semaphore_mem>>) src(%dma_wait3A_15 : memref<2048x768xf32, #tpu.memory_space<hbm>>) dst(%arg6 : memref<64x768xf32, #tpu.memory_space<vmem>>)
    %dma_start3A_16 = arith.constant 0 : i32
    %dma_start3A_17 = tpu.memref_slice %arg4[%mul3A_2, %dma_start3A_16] : memref<6144x768xf32, #tpu.memory_space<hbm>> -> memref<64x768xf32, #tpu.memory_space<hbm>>
    %dma_start3A_18 = arith.constant 0 : i32
    %dma_start3A_19 = tpu.memref_slice %arg4[%mul3A_2, %dma_start3A_18] : memref<6144x768xf32, #tpu.memory_space<hbm>> -> memref<64x768xf32, #tpu.memory_space<hbm>>
    tpu.enqueue_dma source(%arg6 : memref<64x768xf32, #tpu.memory_space<vmem>>) target(%dma_start3A_19 : memref<64x768xf32, #tpu.memory_space<hbm>>) target_semaphore(%arg10 : memref<!tpu.dma_semaphore, #tpu.memory_space<semaphore_mem>>)
    %dma_wait3A_20 = arith.constant 64 : i32
    %dma_wait3A_21 = tpu.memref_slice %arg5[%dma_wait3A_20] : memref<192xi32, #tpu.memory_space<vmem>> -> memref<64xi32, #tpu.memory_space<vmem>>
    %dma_wait3A_22 = arith.constant 0 : i32
    %dma_wait3A_23 = arith.constant 0 : i32
    %dma_wait3A_24 = tpu.memref_slice %arg2[%dma_wait3A_22, %dma_wait3A_23] : memref<2048x768xf32, #tpu.memory_space<hbm>> -> memref<2048x768xf32, #tpu.memory_space<hbm>>
    tpu.wait_indirect_dma semaphore(%arg9 : memref<!tpu.dma_semaphore, #tpu.memory_space<semaphore_mem>>) src(%dma_wait3A_24 : memref<2048x768xf32, #tpu.memory_space<hbm>>) dst(%arg7 : memref<64x768xf32, #tpu.memory_space<vmem>>)
    %add3A_25 = arith.constant 64 : i32
    %add3A_26 = arith.addi %mul3A_2, %add3A_25 : i32
    %dma_start3A_27 = arith.constant 0 : i32
    %dma_start3A_28 = tpu.memref_slice %arg4[%add3A_26, %dma_start3A_27] : memref<6144x768xf32, #tpu.memory_space<hbm>> -> memref<64x768xf32, #tpu.memory_space<hbm>>
    %dma_start3A_29 = arith.constant 0 : i32
    %dma_start3A_30 = tpu.memref_slice %arg4[%add3A_26, %dma_start3A_29] : memref<6144x768xf32, #tpu.memory_space<hbm>> -> memref<64x768xf32, #tpu.memory_space<hbm>>
    tpu.enqueue_dma source(%arg7 : memref<64x768xf32, #tpu.memory_space<vmem>>) target(%dma_start3A_30 : memref<64x768xf32, #tpu.memory_space<hbm>>) target_semaphore(%arg11 : memref<!tpu.dma_semaphore, #tpu.memory_space<semaphore_mem>>)
    %dma_wait3A_31 = arith.constant 0 : i32
    %dma_wait3A_32 = tpu.memref_slice %arg4[%mul3A_2, %dma_wait3A_31] : memref<6144x768xf32, #tpu.memory_space<hbm>> -> memref<64x768xf32, #tpu.memory_space<hbm>>
    %dma_wait3A_33 = arith.constant 0 : i32
    %dma_wait3A_34 = tpu.memref_slice %arg4[%mul3A_2, %dma_wait3A_33] : memref<6144x768xf32, #tpu.memory_space<hbm>> -> memref<64x768xf32, #tpu.memory_space<hbm>>
    tpu.wait_dma2 semaphore(%arg10 : memref<!tpu.dma_semaphore, #tpu.memory_space<semaphore_mem>>) src(%arg6 : memref<64x768xf32, #tpu.memory_space<vmem>>) dst(%dma_wait3A_34 : memref<64x768xf32, #tpu.memory_space<hbm>>)
    %dma_start3A_35 = arith.constant 128 : i32
    %dma_start3A_36 = tpu.memref_slice %arg5[%dma_start3A_35] : memref<192xi32, #tpu.memory_space<vmem>> -> memref<64xi32, #tpu.memory_space<vmem>>
    %dma_start3A_37 = arith.constant 0 : i32
    %dma_start3A_38 = arith.constant 0 : i32
    %dma_start3A_39 = tpu.memref_slice %arg2[%dma_start3A_37, %dma_start3A_38] : memref<2048x768xf32, #tpu.memory_space<hbm>> -> memref<2048x768xf32, #tpu.memory_space<hbm>>
    tpu.enqueue_indirect_dma source(%dma_start3A_39 : memref<2048x768xf32, #tpu.memory_space<hbm>>) target(%arg6 : memref<64x768xf32, #tpu.memory_space<vmem>>) offsets(%dma_start3A_36 : memref<64xi32, #tpu.memory_space<vmem>>) semaphore(%arg8 : memref<!tpu.dma_semaphore, #tpu.memory_space<semaphore_mem>>)
    %dma_wait3A_40 = arith.constant 128 : i32
    %dma_wait3A_41 = tpu.memref_slice %arg5[%dma_wait3A_40] : memref<192xi32, #tpu.memory_space<vmem>> -> memref<64xi32, #tpu.memory_space<vmem>>
    %dma_wait3A_42 = arith.constant 0 : i32
    %dma_wait3A_43 = arith.constant 0 : i32
    %dma_wait3A_44 = tpu.memref_slice %arg2[%dma_wait3A_42, %dma_wait3A_43] : memref<2048x768xf32, #tpu.memory_space<hbm>> -> memref<2048x768xf32, #tpu.memory_space<hbm>>
    tpu.wait_indirect_dma semaphore(%arg8 : memref<!tpu.dma_semaphore, #tpu.memory_space<semaphore_mem>>) src(%dma_wait3A_44 : memref<2048x768xf32, #tpu.memory_space<hbm>>) dst(%arg6 : memref<64x768xf32, #tpu.memory_space<vmem>>)
    %add3A_45 = arith.constant 128 : i32
    %add3A_46 = arith.addi %mul3A_2, %add3A_45 : i32
    %dma_start3A_47 = arith.constant 0 : i32
    %dma_start3A_48 = tpu.memref_slice %arg4[%add3A_46, %dma_start3A_47] : memref<6144x768xf32, #tpu.memory_space<hbm>> -> memref<64x768xf32, #tpu.memory_space<hbm>>
    %dma_start3A_49 = arith.constant 0 : i32
    %dma_start3A_50 = tpu.memref_slice %arg4[%add3A_46, %dma_start3A_49] : memref<6144x768xf32, #tpu.memory_space<hbm>> -> memref<64x768xf32, #tpu.memory_space<hbm>>
    tpu.enqueue_dma source(%arg6 : memref<64x768xf32, #tpu.memory_space<vmem>>) target(%dma_start3A_50 : memref<64x768xf32, #tpu.memory_space<hbm>>) target_semaphore(%arg10 : memref<!tpu.dma_semaphore, #tpu.memory_space<semaphore_mem>>)
    %dma_wait3A_51 = arith.constant 0 : i32
    %dma_wait3A_52 = tpu.memref_slice %arg4[%add3A_26, %dma_wait3A_51] : memref<6144x768xf32, #tpu.memory_space<hbm>> -> memref<64x768xf32, #tpu.memory_space<hbm>>
    %dma_wait3A_53 = arith.constant 0 : i32
    %dma_wait3A_54 = tpu.memref_slice %arg4[%add3A_26, %dma_wait3A_53] : memref<6144x768xf32, #tpu.memory_space<hbm>> -> memref<64x768xf32, #tpu.memory_space<hbm>>
    tpu.wait_dma2 semaphore(%arg11 : memref<!tpu.dma_semaphore, #tpu.memory_space<semaphore_mem>>) src(%arg7 : memref<64x768xf32, #tpu.memory_space<vmem>>) dst(%dma_wait3A_54 : memref<64x768xf32, #tpu.memory_space<hbm>>)
    %dma_wait3A_55 = arith.constant 0 : i32
    %dma_wait3A_56 = tpu.memref_slice %arg4[%add3A_46, %dma_wait3A_55] : memref<6144x768xf32, #tpu.memory_space<hbm>> -> memref<64x768xf32, #tpu.memory_space<hbm>>
    %dma_wait3A_57 = arith.constant 0 : i32
    %dma_wait3A_58 = tpu.memref_slice %arg4[%add3A_46, %dma_wait3A_57] : memref<6144x768xf32, #tpu.memory_space<hbm>> -> memref<64x768xf32, #tpu.memory_space<hbm>>
    tpu.wait_dma2 semaphore(%arg10 : memref<!tpu.dma_semaphore, #tpu.memory_space<semaphore_mem>>) src(%arg6 : memref<64x768xf32, #tpu.memory_space<vmem>>) dst(%dma_wait3A_58 : memref<64x768xf32, #tpu.memory_space<hbm>>)
    return
  }
}

#map = affine_map<(d0, d1) -> (0, 0)>
module attributes {stable_mosaic.version = 14 : i64} {
  func.func @_combine_body(%arg0: i32, %arg1: i32, %arg2: memref<6144x768xf32, #tpu.memory_space<hbm>>, %arg3: memref<2x2048xi32, #tpu.memory_space<hbm>>, %arg4: memref<2048x768xf32, #tpu.memory_space<hbm>>, %arg5: memref<64xi32, #tpu.memory_space<vmem>>, %arg6: memref<64x768xf32, #tpu.memory_space<vmem>>, %arg7: memref<64x768xf32, #tpu.memory_space<vmem>>, %arg8: memref<!tpu.dma_semaphore, #tpu.memory_space<semaphore_mem>>) attributes {dimension_semantics = [#tpu.dimension_semantics<core_parallel>, #tpu.dimension_semantics<subcore_parallel>], iteration_bounds = array<i64: 2, 16>, scalar_prefetch = 0 : i64, scratch_operands = 4 : i64, tpu.core_type = #tpu.core_type<sc_vector_subcore>, window_params = [{transform_indices = #map}, {transform_indices = #map}, {transform_indices = #map}]} {
    %mul3A = arith.constant 2 : i32
    %mul3A_0 = arith.muli %arg1, %mul3A : i32
    %add3A = arith.addi %mul3A_0, %arg0 : i32
    %mul3A_1 = arith.constant 64 : i32
    %mul3A_2 = arith.muli %add3A, %mul3A_1 : i32
    %run_scoped3A = arith.constant 0 : i32
    "tpu.region"() ({
      %run_scoped3A_19 = tpu.sem_alloc : memref<!tpu.dma_semaphore, #tpu.memory_space<semaphore_mem>>
      %dma_start3A_20 = tpu.memref_slice %arg3[%run_scoped3A, %mul3A_2] : memref<2x2048xi32, #tpu.memory_space<hbm>> -> memref<1x64xi32, #tpu.memory_space<hbm>>
      %dma_start3A_21 = tpu.memref_squeeze %dma_start3A_20 : memref<1x64xi32, #tpu.memory_space<hbm>> -> memref<64xi32, #tpu.memory_space<hbm>>
      %dma_start3A_22 = tpu.memref_slice %arg3[%run_scoped3A, %mul3A_2] : memref<2x2048xi32, #tpu.memory_space<hbm>> -> memref<1x64xi32, #tpu.memory_space<hbm>>
      %dma_start3A_23 = tpu.memref_squeeze %dma_start3A_22 : memref<1x64xi32, #tpu.memory_space<hbm>> -> memref<64xi32, #tpu.memory_space<hbm>>
      tpu.enqueue_dma source(%dma_start3A_23 : memref<64xi32, #tpu.memory_space<hbm>>) target(%arg5 : memref<64xi32, #tpu.memory_space<vmem>>) target_semaphore(%run_scoped3A_19 : memref<!tpu.dma_semaphore, #tpu.memory_space<semaphore_mem>>)
      %dma_wait3A_24 = tpu.memref_slice %arg3[%run_scoped3A, %mul3A_2] : memref<2x2048xi32, #tpu.memory_space<hbm>> -> memref<1x64xi32, #tpu.memory_space<hbm>>
      %dma_wait3A_25 = tpu.memref_squeeze %dma_wait3A_24 : memref<1x64xi32, #tpu.memory_space<hbm>> -> memref<64xi32, #tpu.memory_space<hbm>>
      %dma_wait3A_26 = tpu.memref_slice %arg3[%run_scoped3A, %mul3A_2] : memref<2x2048xi32, #tpu.memory_space<hbm>> -> memref<1x64xi32, #tpu.memory_space<hbm>>
      %dma_wait3A_27 = tpu.memref_squeeze %dma_wait3A_26 : memref<1x64xi32, #tpu.memory_space<hbm>> -> memref<64xi32, #tpu.memory_space<hbm>>
      tpu.wait_dma2 semaphore(%run_scoped3A_19 : memref<!tpu.dma_semaphore, #tpu.memory_space<semaphore_mem>>) src(%dma_wait3A_27 : memref<64xi32, #tpu.memory_space<hbm>>) dst(%arg5 : memref<64xi32, #tpu.memory_space<vmem>>)
      tpu.yield
    }) : () -> ()
    %dma_start3A = arith.constant 0 : i32
    %dma_start3A_3 = arith.constant 0 : i32
    %dma_start3A_4 = tpu.memref_slice %arg2[%dma_start3A, %dma_start3A_3] : memref<6144x768xf32, #tpu.memory_space<hbm>> -> memref<6144x768xf32, #tpu.memory_space<hbm>>
    tpu.enqueue_indirect_dma source(%dma_start3A_4 : memref<6144x768xf32, #tpu.memory_space<hbm>>) target(%arg6 : memref<64x768xf32, #tpu.memory_space<vmem>>) offsets(%arg5 : memref<64xi32, #tpu.memory_space<vmem>>) semaphore(%arg8 : memref<!tpu.dma_semaphore, #tpu.memory_space<semaphore_mem>>)
    %dma_wait3A = arith.constant 0 : i32
    %dma_wait3A_5 = arith.constant 0 : i32
    %dma_wait3A_6 = tpu.memref_slice %arg2[%dma_wait3A, %dma_wait3A_5] : memref<6144x768xf32, #tpu.memory_space<hbm>> -> memref<6144x768xf32, #tpu.memory_space<hbm>>
    tpu.wait_indirect_dma semaphore(%arg8 : memref<!tpu.dma_semaphore, #tpu.memory_space<semaphore_mem>>) src(%dma_wait3A_6 : memref<6144x768xf32, #tpu.memory_space<hbm>>) dst(%arg6 : memref<64x768xf32, #tpu.memory_space<vmem>>)
    %run_scoped3A_7 = arith.constant 1 : i32
    "tpu.region"() ({
      %run_scoped3A_19 = tpu.sem_alloc : memref<!tpu.dma_semaphore, #tpu.memory_space<semaphore_mem>>
      %dma_start3A_20 = tpu.memref_slice %arg3[%run_scoped3A_7, %mul3A_2] : memref<2x2048xi32, #tpu.memory_space<hbm>> -> memref<1x64xi32, #tpu.memory_space<hbm>>
      %dma_start3A_21 = tpu.memref_squeeze %dma_start3A_20 : memref<1x64xi32, #tpu.memory_space<hbm>> -> memref<64xi32, #tpu.memory_space<hbm>>
      %dma_start3A_22 = tpu.memref_slice %arg3[%run_scoped3A_7, %mul3A_2] : memref<2x2048xi32, #tpu.memory_space<hbm>> -> memref<1x64xi32, #tpu.memory_space<hbm>>
      %dma_start3A_23 = tpu.memref_squeeze %dma_start3A_22 : memref<1x64xi32, #tpu.memory_space<hbm>> -> memref<64xi32, #tpu.memory_space<hbm>>
      tpu.enqueue_dma source(%dma_start3A_23 : memref<64xi32, #tpu.memory_space<hbm>>) target(%arg5 : memref<64xi32, #tpu.memory_space<vmem>>) target_semaphore(%run_scoped3A_19 : memref<!tpu.dma_semaphore, #tpu.memory_space<semaphore_mem>>)
      %dma_wait3A_24 = tpu.memref_slice %arg3[%run_scoped3A_7, %mul3A_2] : memref<2x2048xi32, #tpu.memory_space<hbm>> -> memref<1x64xi32, #tpu.memory_space<hbm>>
      %dma_wait3A_25 = tpu.memref_squeeze %dma_wait3A_24 : memref<1x64xi32, #tpu.memory_space<hbm>> -> memref<64xi32, #tpu.memory_space<hbm>>
      %dma_wait3A_26 = tpu.memref_slice %arg3[%run_scoped3A_7, %mul3A_2] : memref<2x2048xi32, #tpu.memory_space<hbm>> -> memref<1x64xi32, #tpu.memory_space<hbm>>
      %dma_wait3A_27 = tpu.memref_squeeze %dma_wait3A_26 : memref<1x64xi32, #tpu.memory_space<hbm>> -> memref<64xi32, #tpu.memory_space<hbm>>
      tpu.wait_dma2 semaphore(%run_scoped3A_19 : memref<!tpu.dma_semaphore, #tpu.memory_space<semaphore_mem>>) src(%dma_wait3A_27 : memref<64xi32, #tpu.memory_space<hbm>>) dst(%arg5 : memref<64xi32, #tpu.memory_space<vmem>>)
      tpu.yield
    }) : () -> ()
    %dma_start3A_8 = arith.constant 0 : i32
    %dma_start3A_9 = arith.constant 0 : i32
    %dma_start3A_10 = tpu.memref_slice %arg2[%dma_start3A_8, %dma_start3A_9] : memref<6144x768xf32, #tpu.memory_space<hbm>> -> memref<6144x768xf32, #tpu.memory_space<hbm>>
    tpu.enqueue_indirect_dma source(%dma_start3A_10 : memref<6144x768xf32, #tpu.memory_space<hbm>>) target(%arg7 : memref<64x768xf32, #tpu.memory_space<vmem>>) offsets(%arg5 : memref<64xi32, #tpu.memory_space<vmem>>) semaphore(%arg8 : memref<!tpu.dma_semaphore, #tpu.memory_space<semaphore_mem>>)
    %dma_wait3A_11 = arith.constant 0 : i32
    %dma_wait3A_12 = arith.constant 0 : i32
    %dma_wait3A_13 = tpu.memref_slice %arg2[%dma_wait3A_11, %dma_wait3A_12] : memref<6144x768xf32, #tpu.memory_space<hbm>> -> memref<6144x768xf32, #tpu.memory_space<hbm>>
    tpu.wait_indirect_dma semaphore(%arg8 : memref<!tpu.dma_semaphore, #tpu.memory_space<semaphore_mem>>) src(%dma_wait3A_13 : memref<6144x768xf32, #tpu.memory_space<hbm>>) dst(%arg7 : memref<64x768xf32, #tpu.memory_space<vmem>>)
    %scan3A = arith.constant 0 : i32
    %scan3A_14 = arith.constant 0 : i32
    %scan3A_15 = arith.constant 64 : i32
    %scan3A_16 = arith.addi %scan3A_14, %scan3A_15 : i32
    %scan3A_17 = arith.constant 1 : i32
    scf.for %scan3A_19 = %scan3A_14 to %scan3A_16 step %scan3A_17  : i32 {
      %get3A = arith.index_cast %scan3A_19 : i32 to index
      %get3A_20 = arith.constant 0 : index
      %get3A_21 = tpu.vector_load %arg6[%get3A, %get3A_20] {strides = array<i32>} : memref<64x768xf32, #tpu.memory_space<vmem>>, vector<16xf32>,
      %get3A_22 = arith.index_cast %scan3A_19 : i32 to index
      %get3A_23 = arith.constant 0 : index
      %get3A_24 = tpu.vector_load %arg7[%get3A_22, %get3A_23] {strides = array<i32>} : memref<64x768xf32, #tpu.memory_space<vmem>>, vector<16xf32>,
      %add3A_25 = arith.addf %get3A_21, %get3A_24 : vector<16xf32>
      %swap3A = arith.index_cast %scan3A_19 : i32 to index
      %swap3A_26 = arith.constant 0 : index
      %swap3A_27 = tpu.vector_load %arg6[%swap3A, %swap3A_26] {strides = array<i32>} : memref<64x768xf32, #tpu.memory_space<vmem>>, vector<16xf32>,
      tpu.vector_store %arg6[%swap3A, %swap3A_26], %add3A_25 {strides = array<i32>} : memref<64x768xf32, #tpu.memory_space<vmem>>, vector<16xf32>,
      %get3A_28 = arith.index_cast %scan3A_19 : i32 to index
      %get3A_29 = arith.constant 16 : index
      %get3A_30 = tpu.vector_load %arg6[%get3A_28, %get3A_29] {strides = array<i32>} : memref<64x768xf32, #tpu.memory_space<vmem>>, vector<16xf32>,
      %get3A_31 = arith.index_cast %scan3A_19 : i32 to index
      %get3A_32 = arith.constant 16 : index
      %get3A_33 = tpu.vector_load %arg7[%get3A_31, %get3A_32] {strides = array<i32>} : memref<64x768xf32, #tpu.memory_space<vmem>>, vector<16xf32>,
      %add3A_34 = arith.addf %get3A_30, %get3A_33 : vector<16xf32>
      %swap3A_35 = arith.index_cast %scan3A_19 : i32 to index
      %swap3A_36 = arith.constant 16 : index
      %swap3A_37 = tpu.vector_load %arg6[%swap3A_35, %swap3A_36] {strides = array<i32>} : memref<64x768xf32, #tpu.memory_space<vmem>>, vector<16xf32>,
      tpu.vector_store %arg6[%swap3A_35, %swap3A_36], %add3A_34 {strides = array<i32>} : memref<64x768xf32, #tpu.memory_space<vmem>>, vector<16xf32>,
      %get3A_38 = arith.index_cast %scan3A_19 : i32 to index
      %get3A_39 = arith.constant 32 : index
      %get3A_40 = tpu.vector_load %arg6[%get3A_38, %get3A_39] {strides = array<i32>} : memref<64x768xf32, #tpu.memory_space<vmem>>, vector<16xf32>,
      %get3A_41 = arith.index_cast %scan3A_19 : i32 to index
      %get3A_42 = arith.constant 32 : index
      %get3A_43 = tpu.vector_load %arg7[%get3A_41, %get3A_42] {strides = array<i32>} : memref<64x768xf32, #tpu.memory_space<vmem>>, vector<16xf32>,
      %add3A_44 = arith.addf %get3A_40, %get3A_43 : vector<16xf32>
      %swap3A_45 = arith.index_cast %scan3A_19 : i32 to index
      %swap3A_46 = arith.constant 32 : index
      %swap3A_47 = tpu.vector_load %arg6[%swap3A_45, %swap3A_46] {strides = array<i32>} : memref<64x768xf32, #tpu.memory_space<vmem>>, vector<16xf32>,
      tpu.vector_store %arg6[%swap3A_45, %swap3A_46], %add3A_44 {strides = array<i32>} : memref<64x768xf32, #tpu.memory_space<vmem>>, vector<16xf32>,
      %get3A_48 = arith.index_cast %scan3A_19 : i32 to index
      %get3A_49 = arith.constant 48 : index
      %get3A_50 = tpu.vector_load %arg6[%get3A_48, %get3A_49] {strides = array<i32>} : memref<64x768xf32, #tpu.memory_space<vmem>>, vector<16xf32>,
      %get3A_51 = arith.index_cast %scan3A_19 : i32 to index
      %get3A_52 = arith.constant 48 : index
      %get3A_53 = tpu.vector_load %arg7[%get3A_51, %get3A_52] {strides = array<i32>} : memref<64x768xf32, #tpu.memory_space<vmem>>, vector<16xf32>,
      %add3A_54 = arith.addf %get3A_50, %get3A_53 : vector<16xf32>
      %swap3A_55 = arith.index_cast %scan3A_19 : i32 to index
      %swap3A_56 = arith.constant 48 : index
      %swap3A_57 = tpu.vector_load %arg6[%swap3A_55, %swap3A_56] {strides = array<i32>} : memref<64x768xf32, #tpu.memory_space<vmem>>, vector<16xf32>,
      tpu.vector_store %arg6[%swap3A_55, %swap3A_56], %add3A_54 {strides = array<i32>} : memref<64x768xf32, #tpu.memory_space<vmem>>, vector<16xf32>,
      %get3A_58 = arith.index_cast %scan3A_19 : i32 to index
      %get3A_59 = arith.constant 64 : index
      %get3A_60 = tpu.vector_load %arg6[%get3A_58, %get3A_59] {strides = array<i32>} : memref<64x768xf32, #tpu.memory_space<vmem>>, vector<16xf32>,
      %get3A_61 = arith.index_cast %scan3A_19 : i32 to index
      %get3A_62 = arith.constant 64 : index
      %get3A_63 = tpu.vector_load %arg7[%get3A_61, %get3A_62] {strides = array<i32>} : memref<64x768xf32, #tpu.memory_space<vmem>>, vector<16xf32>,
      %add3A_64 = arith.addf %get3A_60, %get3A_63 : vector<16xf32>
      %swap3A_65 = arith.index_cast %scan3A_19 : i32 to index
      %swap3A_66 = arith.constant 64 : index
      %swap3A_67 = tpu.vector_load %arg6[%swap3A_65, %swap3A_66] {strides = array<i32>} : memref<64x768xf32, #tpu.memory_space<vmem>>, vector<16xf32>,
      tpu.vector_store %arg6[%swap3A_65, %swap3A_66], %add3A_64 {strides = array<i32>} : memref<64x768xf32, #tpu.memory_space<vmem>>, vector<16xf32>,
      %get3A_68 = arith.index_cast %scan3A_19 : i32 to index
      %get3A_69 = arith.constant 80 : index
      %get3A_70 = tpu.vector_load %arg6[%get3A_68, %get3A_69] {strides = array<i32>} : memref<64x768xf32, #tpu.memory_space<vmem>>, vector<16xf32>,
      %get3A_71 = arith.index_cast %scan3A_19 : i32 to index
      %get3A_72 = arith.constant 80 : index
      %get3A_73 = tpu.vector_load %arg7[%get3A_71, %get3A_72] {strides = array<i32>} : memref<64x768xf32, #tpu.memory_space<vmem>>, vector<16xf32>,
      %add3A_74 = arith.addf %get3A_70, %get3A_73 : vector<16xf32>
      %swap3A_75 = arith.index_cast %scan3A_19 : i32 to index
      %swap3A_76 = arith.constant 80 : index
      %swap3A_77 = tpu.vector_load %arg6[%swap3A_75, %swap3A_76] {strides = array<i32>} : memref<64x768xf32, #tpu.memory_space<vmem>>, vector<16xf32>,
      tpu.vector_store %arg6[%swap3A_75, %swap3A_76], %add3A_74 {strides = array<i32>} : memref<64x768xf32, #tpu.memory_space<vmem>>, vector<16xf32>,
      %get3A_78 = arith.index_cast %scan3A_19 : i32 to index
      %get3A_79 = arith.constant 96 : index
      %get3A_80 = tpu.vector_load %arg6[%get3A_78, %get3A_79] {strides = array<i32>} : memref<64x768xf32, #tpu.memory_space<vmem>>, vector<16xf32>,
      %get3A_81 = arith.index_cast %scan3A_19 : i32 to index
      %get3A_82 = arith.constant 96 : index
      %get3A_83 = tpu.vector_load %arg7[%get3A_81, %get3A_82] {strides = array<i32>} : memref<64x768xf32, #tpu.memory_space<vmem>>, vector<16xf32>,
      %add3A_84 = arith.addf %get3A_80, %get3A_83 : vector<16xf32>
      %swap3A_85 = arith.index_cast %scan3A_19 : i32 to index
      %swap3A_86 = arith.constant 96 : index
      %swap3A_87 = tpu.vector_load %arg6[%swap3A_85, %swap3A_86] {strides = array<i32>} : memref<64x768xf32, #tpu.memory_space<vmem>>, vector<16xf32>,
      tpu.vector_store %arg6[%swap3A_85, %swap3A_86], %add3A_84 {strides = array<i32>} : memref<64x768xf32, #tpu.memory_space<vmem>>, vector<16xf32>,
      %get3A_88 = arith.index_cast %scan3A_19 : i32 to index
      %get3A_89 = arith.constant 112 : index
      %get3A_90 = tpu.vector_load %arg6[%get3A_88, %get3A_89] {strides = array<i32>} : memref<64x768xf32, #tpu.memory_space<vmem>>, vector<16xf32>,
      %get3A_91 = arith.index_cast %scan3A_19 : i32 to index
      %get3A_92 = arith.constant 112 : index
      %get3A_93 = tpu.vector_load %arg7[%get3A_91, %get3A_92] {strides = array<i32>} : memref<64x768xf32, #tpu.memory_space<vmem>>, vector<16xf32>,
      %add3A_94 = arith.addf %get3A_90, %get3A_93 : vector<16xf32>
      %swap3A_95 = arith.index_cast %scan3A_19 : i32 to index
      %swap3A_96 = arith.constant 112 : index
      %swap3A_97 = tpu.vector_load %arg6[%swap3A_95, %swap3A_96] {strides = array<i32>} : memref<64x768xf32, #tpu.memory_space<vmem>>, vector<16xf32>,
      tpu.vector_store %arg6[%swap3A_95, %swap3A_96], %add3A_94 {strides = array<i32>} : memref<64x768xf32, #tpu.memory_space<vmem>>, vector<16xf32>,
      %get3A_98 = arith.index_cast %scan3A_19 : i32 to index
      %get3A_99 = arith.constant 128 : index
      %get3A_100 = tpu.vector_load %arg6[%get3A_98, %get3A_99] {strides = array<i32>} : memref<64x768xf32, #tpu.memory_space<vmem>>, vector<16xf32>,
      %get3A_101 = arith.index_cast %scan3A_19 : i32 to index
      %get3A_102 = arith.constant 128 : index
      %get3A_103 = tpu.vector_load %arg7[%get3A_101, %get3A_102] {strides = array<i32>} : memref<64x768xf32, #tpu.memory_space<vmem>>, vector<16xf32>,
      %add3A_104 = arith.addf %get3A_100, %get3A_103 : vector<16xf32>
      %swap3A_105 = arith.index_cast %scan3A_19 : i32 to index
      %swap3A_106 = arith.constant 128 : index
      %swap3A_107 = tpu.vector_load %arg6[%swap3A_105, %swap3A_106] {strides = array<i32>} : memref<64x768xf32, #tpu.memory_space<vmem>>, vector<16xf32>,
      tpu.vector_store %arg6[%swap3A_105, %swap3A_106], %add3A_104 {strides = array<i32>} : memref<64x768xf32, #tpu.memory_space<vmem>>, vector<16xf32>,
      %get3A_108 = arith.index_cast %scan3A_19 : i32 to index
      %get3A_109 = arith.constant 144 : index
      %get3A_110 = tpu.vector_load %arg6[%get3A_108, %get3A_109] {strides = array<i32>} : memref<64x768xf32, #tpu.memory_space<vmem>>, vector<16xf32>,
      %get3A_111 = arith.index_cast %scan3A_19 : i32 to index
      %get3A_112 = arith.constant 144 : index
      %get3A_113 = tpu.vector_load %arg7[%get3A_111, %get3A_112] {strides = array<i32>} : memref<64x768xf32, #tpu.memory_space<vmem>>, vector<16xf32>,
      %add3A_114 = arith.addf %get3A_110, %get3A_113 : vector<16xf32>
      %swap3A_115 = arith.index_cast %scan3A_19 : i32 to index
      %swap3A_116 = arith.constant 144 : index
      %swap3A_117 = tpu.vector_load %arg6[%swap3A_115, %swap3A_116] {strides = array<i32>} : memref<64x768xf32, #tpu.memory_space<vmem>>, vector<16xf32>,
      tpu.vector_store %arg6[%swap3A_115, %swap3A_116], %add3A_114 {strides = array<i32>} : memref<64x768xf32, #tpu.memory_space<vmem>>, vector<16xf32>,
      %get3A_118 = arith.index_cast %scan3A_19 : i32 to index
      %get3A_119 = arith.constant 160 : index
      %get3A_120 = tpu.vector_load %arg6[%get3A_118, %get3A_119] {strides = array<i32>} : memref<64x768xf32, #tpu.memory_space<vmem>>, vector<16xf32>,
      %get3A_121 = arith.index_cast %scan3A_19 : i32 to index
      %get3A_122 = arith.constant 160 : index
      %get3A_123 = tpu.vector_load %arg7[%get3A_121, %get3A_122] {strides = array<i32>} : memref<64x768xf32, #tpu.memory_space<vmem>>, vector<16xf32>,
      %add3A_124 = arith.addf %get3A_120, %get3A_123 : vector<16xf32>
      %swap3A_125 = arith.index_cast %scan3A_19 : i32 to index
      %swap3A_126 = arith.constant 160 : index
      %swap3A_127 = tpu.vector_load %arg6[%swap3A_125, %swap3A_126] {strides = array<i32>} : memref<64x768xf32, #tpu.memory_space<vmem>>, vector<16xf32>,
      tpu.vector_store %arg6[%swap3A_125, %swap3A_126], %add3A_124 {strides = array<i32>} : memref<64x768xf32, #tpu.memory_space<vmem>>, vector<16xf32>,
      %get3A_128 = arith.index_cast %scan3A_19 : i32 to index
      %get3A_129 = arith.constant 176 : index
      %get3A_130 = tpu.vector_load %arg6[%get3A_128, %get3A_129] {strides = array<i32>} : memref<64x768xf32, #tpu.memory_space<vmem>>, vector<16xf32>,
      %get3A_131 = arith.index_cast %scan3A_19 : i32 to index
      %get3A_132 = arith.constant 176 : index
      %get3A_133 = tpu.vector_load %arg7[%get3A_131, %get3A_132] {strides = array<i32>} : memref<64x768xf32, #tpu.memory_space<vmem>>, vector<16xf32>,
      %add3A_134 = arith.addf %get3A_130, %get3A_133 : vector<16xf32>
      %swap3A_135 = arith.index_cast %scan3A_19 : i32 to index
      %swap3A_136 = arith.constant 176 : index
      %swap3A_137 = tpu.vector_load %arg6[%swap3A_135, %swap3A_136] {strides = array<i32>} : memref<64x768xf32, #tpu.memory_space<vmem>>, vector<16xf32>,
      tpu.vector_store %arg6[%swap3A_135, %swap3A_136], %add3A_134 {strides = array<i32>} : memref<64x768xf32, #tpu.memory_space<vmem>>, vector<16xf32>,
      %get3A_138 = arith.index_cast %scan3A_19 : i32 to index
      %get3A_139 = arith.constant 192 : index
      %get3A_140 = tpu.vector_load %arg6[%get3A_138, %get3A_139] {strides = array<i32>} : memref<64x768xf32, #tpu.memory_space<vmem>>, vector<16xf32>,
      %get3A_141 = arith.index_cast %scan3A_19 : i32 to index
      %get3A_142 = arith.constant 192 : index
      %get3A_143 = tpu.vector_load %arg7[%get3A_141, %get3A_142] {strides = array<i32>} : memref<64x768xf32, #tpu.memory_space<vmem>>, vector<16xf32>,
      %add3A_144 = arith.addf %get3A_140, %get3A_143 : vector<16xf32>
      %swap3A_145 = arith.index_cast %scan3A_19 : i32 to index
      %swap3A_146 = arith.constant 192 : index
      %swap3A_147 = tpu.vector_load %arg6[%swap3A_145, %swap3A_146] {strides = array<i32>} : memref<64x768xf32, #tpu.memory_space<vmem>>, vector<16xf32>,
      tpu.vector_store %arg6[%swap3A_145, %swap3A_146], %add3A_144 {strides = array<i32>} : memref<64x768xf32, #tpu.memory_space<vmem>>, vector<16xf32>,
      %get3A_148 = arith.index_cast %scan3A_19 : i32 to index
      %get3A_149 = arith.constant 208 : index
      %get3A_150 = tpu.vector_load %arg6[%get3A_148, %get3A_149] {strides = array<i32>} : memref<64x768xf32, #tpu.memory_space<vmem>>, vector<16xf32>,
      %get3A_151 = arith.index_cast %scan3A_19 : i32 to index
      %get3A_152 = arith.constant 208 : index
      %get3A_153 = tpu.vector_load %arg7[%get3A_151, %get3A_152] {strides = array<i32>} : memref<64x768xf32, #tpu.memory_space<vmem>>, vector<16xf32>,
      %add3A_154 = arith.addf %get3A_150, %get3A_153 : vector<16xf32>
      %swap3A_155 = arith.index_cast %scan3A_19 : i32 to index
      %swap3A_156 = arith.constant 208 : index
      %swap3A_157 = tpu.vector_load %arg6[%swap3A_155, %swap3A_156] {strides = array<i32>} : memref<64x768xf32, #tpu.memory_space<vmem>>, vector<16xf32>,
      tpu.vector_store %arg6[%swap3A_155, %swap3A_156], %add3A_154 {strides = array<i32>} : memref<64x768xf32, #tpu.memory_space<vmem>>, vector<16xf32>,
      %get3A_158 = arith.index_cast %scan3A_19 : i32 to index
      %get3A_159 = arith.constant 224 : index
      %get3A_160 = tpu.vector_load %arg6[%get3A_158, %get3A_159] {strides = array<i32>} : memref<64x768xf32, #tpu.memory_space<vmem>>, vector<16xf32>,
      %get3A_161 = arith.index_cast %scan3A_19 : i32 to index
      %get3A_162 = arith.constant 224 : index
      %get3A_163 = tpu.vector_load %arg7[%get3A_161, %get3A_162] {strides = array<i32>} : memref<64x768xf32, #tpu.memory_space<vmem>>, vector<16xf32>,
      %add3A_164 = arith.addf %get3A_160, %get3A_163 : vector<16xf32>
      %swap3A_165 = arith.index_cast %scan3A_19 : i32 to index
      %swap3A_166 = arith.constant 224 : index
      %swap3A_167 = tpu.vector_load %arg6[%swap3A_165, %swap3A_166] {strides = array<i32>} : memref<64x768xf32, #tpu.memory_space<vmem>>, vector<16xf32>,
      tpu.vector_store %arg6[%swap3A_165, %swap3A_166], %add3A_164 {strides = array<i32>} : memref<64x768xf32, #tpu.memory_space<vmem>>, vector<16xf32>,
      %get3A_168 = arith.index_cast %scan3A_19 : i32 to index
      %get3A_169 = arith.constant 240 : index
      %get3A_170 = tpu.vector_load %arg6[%get3A_168, %get3A_169] {strides = array<i32>} : memref<64x768xf32, #tpu.memory_space<vmem>>, vector<16xf32>,
      %get3A_171 = arith.index_cast %scan3A_19 : i32 to index
      %get3A_172 = arith.constant 240 : index
      %get3A_173 = tpu.vector_load %arg7[%get3A_171, %get3A_172] {strides = array<i32>} : memref<64x768xf32, #tpu.memory_space<vmem>>, vector<16xf32>,
      %add3A_174 = arith.addf %get3A_170, %get3A_173 : vector<16xf32>
      %swap3A_175 = arith.index_cast %scan3A_19 : i32 to index
      %swap3A_176 = arith.constant 240 : index
      %swap3A_177 = tpu.vector_load %arg6[%swap3A_175, %swap3A_176] {strides = array<i32>} : memref<64x768xf32, #tpu.memory_space<vmem>>, vector<16xf32>,
      tpu.vector_store %arg6[%swap3A_175, %swap3A_176], %add3A_174 {strides = array<i32>} : memref<64x768xf32, #tpu.memory_space<vmem>>, vector<16xf32>,
      %get3A_178 = arith.index_cast %scan3A_19 : i32 to index
      %get3A_179 = arith.constant 256 : index
      %get3A_180 = tpu.vector_load %arg6[%get3A_178, %get3A_179] {strides = array<i32>} : memref<64x768xf32, #tpu.memory_space<vmem>>, vector<16xf32>,
      %get3A_181 = arith.index_cast %scan3A_19 : i32 to index
      %get3A_182 = arith.constant 256 : index
      %get3A_183 = tpu.vector_load %arg7[%get3A_181, %get3A_182] {strides = array<i32>} : memref<64x768xf32, #tpu.memory_space<vmem>>, vector<16xf32>,
      %add3A_184 = arith.addf %get3A_180, %get3A_183 : vector<16xf32>
      %swap3A_185 = arith.index_cast %scan3A_19 : i32 to index
      %swap3A_186 = arith.constant 256 : index
      %swap3A_187 = tpu.vector_load %arg6[%swap3A_185, %swap3A_186] {strides = array<i32>} : memref<64x768xf32, #tpu.memory_space<vmem>>, vector<16xf32>,
      tpu.vector_store %arg6[%swap3A_185, %swap3A_186], %add3A_184 {strides = array<i32>} : memref<64x768xf32, #tpu.memory_space<vmem>>, vector<16xf32>,
      %get3A_188 = arith.index_cast %scan3A_19 : i32 to index
      %get3A_189 = arith.constant 272 : index
      %get3A_190 = tpu.vector_load %arg6[%get3A_188, %get3A_189] {strides = array<i32>} : memref<64x768xf32, #tpu.memory_space<vmem>>, vector<16xf32>,
      %get3A_191 = arith.index_cast %scan3A_19 : i32 to index
      %get3A_192 = arith.constant 272 : index
      %get3A_193 = tpu.vector_load %arg7[%get3A_191, %get3A_192] {strides = array<i32>} : memref<64x768xf32, #tpu.memory_space<vmem>>, vector<16xf32>,
      %add3A_194 = arith.addf %get3A_190, %get3A_193 : vector<16xf32>
      %swap3A_195 = arith.index_cast %scan3A_19 : i32 to index
      %swap3A_196 = arith.constant 272 : index
      %swap3A_197 = tpu.vector_load %arg6[%swap3A_195, %swap3A_196] {strides = array<i32>} : memref<64x768xf32, #tpu.memory_space<vmem>>, vector<16xf32>,
      tpu.vector_store %arg6[%swap3A_195, %swap3A_196], %add3A_194 {strides = array<i32>} : memref<64x768xf32, #tpu.memory_space<vmem>>, vector<16xf32>,
      %get3A_198 = arith.index_cast %scan3A_19 : i32 to index
      %get3A_199 = arith.constant 288 : index
      %get3A_200 = tpu.vector_load %arg6[%get3A_198, %get3A_199] {strides = array<i32>} : memref<64x768xf32, #tpu.memory_space<vmem>>, vector<16xf32>,
      %get3A_201 = arith.index_cast %scan3A_19 : i32 to index
      %get3A_202 = arith.constant 288 : index
      %get3A_203 = tpu.vector_load %arg7[%get3A_201, %get3A_202] {strides = array<i32>} : memref<64x768xf32, #tpu.memory_space<vmem>>, vector<16xf32>,
      %add3A_204 = arith.addf %get3A_200, %get3A_203 : vector<16xf32>
      %swap3A_205 = arith.index_cast %scan3A_19 : i32 to index
      %swap3A_206 = arith.constant 288 : index
      %swap3A_207 = tpu.vector_load %arg6[%swap3A_205, %swap3A_206] {strides = array<i32>} : memref<64x768xf32, #tpu.memory_space<vmem>>, vector<16xf32>,
      tpu.vector_store %arg6[%swap3A_205, %swap3A_206], %add3A_204 {strides = array<i32>} : memref<64x768xf32, #tpu.memory_space<vmem>>, vector<16xf32>,
      %get3A_208 = arith.index_cast %scan3A_19 : i32 to index
      %get3A_209 = arith.constant 304 : index
      %get3A_210 = tpu.vector_load %arg6[%get3A_208, %get3A_209] {strides = array<i32>} : memref<64x768xf32, #tpu.memory_space<vmem>>, vector<16xf32>,
      %get3A_211 = arith.index_cast %scan3A_19 : i32 to index
      %get3A_212 = arith.constant 304 : index
      %get3A_213 = tpu.vector_load %arg7[%get3A_211, %get3A_212] {strides = array<i32>} : memref<64x768xf32, #tpu.memory_space<vmem>>, vector<16xf32>,
      %add3A_214 = arith.addf %get3A_210, %get3A_213 : vector<16xf32>
      %swap3A_215 = arith.index_cast %scan3A_19 : i32 to index
      %swap3A_216 = arith.constant 304 : index
      %swap3A_217 = tpu.vector_load %arg6[%swap3A_215, %swap3A_216] {strides = array<i32>} : memref<64x768xf32, #tpu.memory_space<vmem>>, vector<16xf32>,
      tpu.vector_store %arg6[%swap3A_215, %swap3A_216], %add3A_214 {strides = array<i32>} : memref<64x768xf32, #tpu.memory_space<vmem>>, vector<16xf32>,
      %get3A_218 = arith.index_cast %scan3A_19 : i32 to index
      %get3A_219 = arith.constant 320 : index
      %get3A_220 = tpu.vector_load %arg6[%get3A_218, %get3A_219] {strides = array<i32>} : memref<64x768xf32, #tpu.memory_space<vmem>>, vector<16xf32>,
      %get3A_221 = arith.index_cast %scan3A_19 : i32 to index
      %get3A_222 = arith.constant 320 : index
      %get3A_223 = tpu.vector_load %arg7[%get3A_221, %get3A_222] {strides = array<i32>} : memref<64x768xf32, #tpu.memory_space<vmem>>, vector<16xf32>,
      %add3A_224 = arith.addf %get3A_220, %get3A_223 : vector<16xf32>
      %swap3A_225 = arith.index_cast %scan3A_19 : i32 to index
      %swap3A_226 = arith.constant 320 : index
      %swap3A_227 = tpu.vector_load %arg6[%swap3A_225, %swap3A_226] {strides = array<i32>} : memref<64x768xf32, #tpu.memory_space<vmem>>, vector<16xf32>,
      tpu.vector_store %arg6[%swap3A_225, %swap3A_226], %add3A_224 {strides = array<i32>} : memref<64x768xf32, #tpu.memory_space<vmem>>, vector<16xf32>,
      %get3A_228 = arith.index_cast %scan3A_19 : i32 to index
      %get3A_229 = arith.constant 336 : index
      %get3A_230 = tpu.vector_load %arg6[%get3A_228, %get3A_229] {strides = array<i32>} : memref<64x768xf32, #tpu.memory_space<vmem>>, vector<16xf32>,
      %get3A_231 = arith.index_cast %scan3A_19 : i32 to index
      %get3A_232 = arith.constant 336 : index
      %get3A_233 = tpu.vector_load %arg7[%get3A_231, %get3A_232] {strides = array<i32>} : memref<64x768xf32, #tpu.memory_space<vmem>>, vector<16xf32>,
      %add3A_234 = arith.addf %get3A_230, %get3A_233 : vector<16xf32>
      %swap3A_235 = arith.index_cast %scan3A_19 : i32 to index
      %swap3A_236 = arith.constant 336 : index
      %swap3A_237 = tpu.vector_load %arg6[%swap3A_235, %swap3A_236] {strides = array<i32>} : memref<64x768xf32, #tpu.memory_space<vmem>>, vector<16xf32>,
      tpu.vector_store %arg6[%swap3A_235, %swap3A_236], %add3A_234 {strides = array<i32>} : memref<64x768xf32, #tpu.memory_space<vmem>>, vector<16xf32>,
      %get3A_238 = arith.index_cast %scan3A_19 : i32 to index
      %get3A_239 = arith.constant 352 : index
      %get3A_240 = tpu.vector_load %arg6[%get3A_238, %get3A_239] {strides = array<i32>} : memref<64x768xf32, #tpu.memory_space<vmem>>, vector<16xf32>,
      %get3A_241 = arith.index_cast %scan3A_19 : i32 to index
      %get3A_242 = arith.constant 352 : index
      %get3A_243 = tpu.vector_load %arg7[%get3A_241, %get3A_242] {strides = array<i32>} : memref<64x768xf32, #tpu.memory_space<vmem>>, vector<16xf32>,
      %add3A_244 = arith.addf %get3A_240, %get3A_243 : vector<16xf32>
      %swap3A_245 = arith.index_cast %scan3A_19 : i32 to index
      %swap3A_246 = arith.constant 352 : index
      %swap3A_247 = tpu.vector_load %arg6[%swap3A_245, %swap3A_246] {strides = array<i32>} : memref<64x768xf32, #tpu.memory_space<vmem>>, vector<16xf32>,
      tpu.vector_store %arg6[%swap3A_245, %swap3A_246], %add3A_244 {strides = array<i32>} : memref<64x768xf32, #tpu.memory_space<vmem>>, vector<16xf32>,
      %get3A_248 = arith.index_cast %scan3A_19 : i32 to index
      %get3A_249 = arith.constant 368 : index
      %get3A_250 = tpu.vector_load %arg6[%get3A_248, %get3A_249] {strides = array<i32>} : memref<64x768xf32, #tpu.memory_space<vmem>>, vector<16xf32>,
      %get3A_251 = arith.index_cast %scan3A_19 : i32 to index
      %get3A_252 = arith.constant 368 : index
      %get3A_253 = tpu.vector_load %arg7[%get3A_251, %get3A_252] {strides = array<i32>} : memref<64x768xf32, #tpu.memory_space<vmem>>, vector<16xf32>,
      %add3A_254 = arith.addf %get3A_250, %get3A_253 : vector<16xf32>
      %swap3A_255 = arith.index_cast %scan3A_19 : i32 to index
      %swap3A_256 = arith.constant 368 : index
      %swap3A_257 = tpu.vector_load %arg6[%swap3A_255, %swap3A_256] {strides = array<i32>} : memref<64x768xf32, #tpu.memory_space<vmem>>, vector<16xf32>,
      tpu.vector_store %arg6[%swap3A_255, %swap3A_256], %add3A_254 {strides = array<i32>} : memref<64x768xf32, #tpu.memory_space<vmem>>, vector<16xf32>,
      %get3A_258 = arith.index_cast %scan3A_19 : i32 to index
      %get3A_259 = arith.constant 384 : index
      %get3A_260 = tpu.vector_load %arg6[%get3A_258, %get3A_259] {strides = array<i32>} : memref<64x768xf32, #tpu.memory_space<vmem>>, vector<16xf32>,
      %get3A_261 = arith.index_cast %scan3A_19 : i32 to index
      %get3A_262 = arith.constant 384 : index
      %get3A_263 = tpu.vector_load %arg7[%get3A_261, %get3A_262] {strides = array<i32>} : memref<64x768xf32, #tpu.memory_space<vmem>>, vector<16xf32>,
      %add3A_264 = arith.addf %get3A_260, %get3A_263 : vector<16xf32>
      %swap3A_265 = arith.index_cast %scan3A_19 : i32 to index
      %swap3A_266 = arith.constant 384 : index
      %swap3A_267 = tpu.vector_load %arg6[%swap3A_265, %swap3A_266] {strides = array<i32>} : memref<64x768xf32, #tpu.memory_space<vmem>>, vector<16xf32>,
      tpu.vector_store %arg6[%swap3A_265, %swap3A_266], %add3A_264 {strides = array<i32>} : memref<64x768xf32, #tpu.memory_space<vmem>>, vector<16xf32>,
      %get3A_268 = arith.index_cast %scan3A_19 : i32 to index
      %get3A_269 = arith.constant 400 : index
      %get3A_270 = tpu.vector_load %arg6[%get3A_268, %get3A_269] {strides = array<i32>} : memref<64x768xf32, #tpu.memory_space<vmem>>, vector<16xf32>,
      %get3A_271 = arith.index_cast %scan3A_19 : i32 to index
      %get3A_272 = arith.constant 400 : index
      %get3A_273 = tpu.vector_load %arg7[%get3A_271, %get3A_272] {strides = array<i32>} : memref<64x768xf32, #tpu.memory_space<vmem>>, vector<16xf32>,
      %add3A_274 = arith.addf %get3A_270, %get3A_273 : vector<16xf32>
      %swap3A_275 = arith.index_cast %scan3A_19 : i32 to index
      %swap3A_276 = arith.constant 400 : index
      %swap3A_277 = tpu.vector_load %arg6[%swap3A_275, %swap3A_276] {strides = array<i32>} : memref<64x768xf32, #tpu.memory_space<vmem>>, vector<16xf32>,
      tpu.vector_store %arg6[%swap3A_275, %swap3A_276], %add3A_274 {strides = array<i32>} : memref<64x768xf32, #tpu.memory_space<vmem>>, vector<16xf32>,
      %get3A_278 = arith.index_cast %scan3A_19 : i32 to index
      %get3A_279 = arith.constant 416 : index
      %get3A_280 = tpu.vector_load %arg6[%get3A_278, %get3A_279] {strides = array<i32>} : memref<64x768xf32, #tpu.memory_space<vmem>>, vector<16xf32>,
      %get3A_281 = arith.index_cast %scan3A_19 : i32 to index
      %get3A_282 = arith.constant 416 : index
      %get3A_283 = tpu.vector_load %arg7[%get3A_281, %get3A_282] {strides = array<i32>} : memref<64x768xf32, #tpu.memory_space<vmem>>, vector<16xf32>,
      %add3A_284 = arith.addf %get3A_280, %get3A_283 : vector<16xf32>
      %swap3A_285 = arith.index_cast %scan3A_19 : i32 to index
      %swap3A_286 = arith.constant 416 : index
      %swap3A_287 = tpu.vector_load %arg6[%swap3A_285, %swap3A_286] {strides = array<i32>} : memref<64x768xf32, #tpu.memory_space<vmem>>, vector<16xf32>,
      tpu.vector_store %arg6[%swap3A_285, %swap3A_286], %add3A_284 {strides = array<i32>} : memref<64x768xf32, #tpu.memory_space<vmem>>, vector<16xf32>,
      %get3A_288 = arith.index_cast %scan3A_19 : i32 to index
      %get3A_289 = arith.constant 432 : index
      %get3A_290 = tpu.vector_load %arg6[%get3A_288, %get3A_289] {strides = array<i32>} : memref<64x768xf32, #tpu.memory_space<vmem>>, vector<16xf32>,
      %get3A_291 = arith.index_cast %scan3A_19 : i32 to index
      %get3A_292 = arith.constant 432 : index
      %get3A_293 = tpu.vector_load %arg7[%get3A_291, %get3A_292] {strides = array<i32>} : memref<64x768xf32, #tpu.memory_space<vmem>>, vector<16xf32>,
      %add3A_294 = arith.addf %get3A_290, %get3A_293 : vector<16xf32>
      %swap3A_295 = arith.index_cast %scan3A_19 : i32 to index
      %swap3A_296 = arith.constant 432 : index
      %swap3A_297 = tpu.vector_load %arg6[%swap3A_295, %swap3A_296] {strides = array<i32>} : memref<64x768xf32, #tpu.memory_space<vmem>>, vector<16xf32>,
      tpu.vector_store %arg6[%swap3A_295, %swap3A_296], %add3A_294 {strides = array<i32>} : memref<64x768xf32, #tpu.memory_space<vmem>>, vector<16xf32>,
      %get3A_298 = arith.index_cast %scan3A_19 : i32 to index
      %get3A_299 = arith.constant 448 : index
      %get3A_300 = tpu.vector_load %arg6[%get3A_298, %get3A_299] {strides = array<i32>} : memref<64x768xf32, #tpu.memory_space<vmem>>, vector<16xf32>,
      %get3A_301 = arith.index_cast %scan3A_19 : i32 to index
      %get3A_302 = arith.constant 448 : index
      %get3A_303 = tpu.vector_load %arg7[%get3A_301, %get3A_302] {strides = array<i32>} : memref<64x768xf32, #tpu.memory_space<vmem>>, vector<16xf32>,
      %add3A_304 = arith.addf %get3A_300, %get3A_303 : vector<16xf32>
      %swap3A_305 = arith.index_cast %scan3A_19 : i32 to index
      %swap3A_306 = arith.constant 448 : index
      %swap3A_307 = tpu.vector_load %arg6[%swap3A_305, %swap3A_306] {strides = array<i32>} : memref<64x768xf32, #tpu.memory_space<vmem>>, vector<16xf32>,
      tpu.vector_store %arg6[%swap3A_305, %swap3A_306], %add3A_304 {strides = array<i32>} : memref<64x768xf32, #tpu.memory_space<vmem>>, vector<16xf32>,
      %get3A_308 = arith.index_cast %scan3A_19 : i32 to index
      %get3A_309 = arith.constant 464 : index
      %get3A_310 = tpu.vector_load %arg6[%get3A_308, %get3A_309] {strides = array<i32>} : memref<64x768xf32, #tpu.memory_space<vmem>>, vector<16xf32>,
      %get3A_311 = arith.index_cast %scan3A_19 : i32 to index
      %get3A_312 = arith.constant 464 : index
      %get3A_313 = tpu.vector_load %arg7[%get3A_311, %get3A_312] {strides = array<i32>} : memref<64x768xf32, #tpu.memory_space<vmem>>, vector<16xf32>,
      %add3A_314 = arith.addf %get3A_310, %get3A_313 : vector<16xf32>
      %swap3A_315 = arith.index_cast %scan3A_19 : i32 to index
      %swap3A_316 = arith.constant 464 : index
      %swap3A_317 = tpu.vector_load %arg6[%swap3A_315, %swap3A_316] {strides = array<i32>} : memref<64x768xf32, #tpu.memory_space<vmem>>, vector<16xf32>,
      tpu.vector_store %arg6[%swap3A_315, %swap3A_316], %add3A_314 {strides = array<i32>} : memref<64x768xf32, #tpu.memory_space<vmem>>, vector<16xf32>,
      %get3A_318 = arith.index_cast %scan3A_19 : i32 to index
      %get3A_319 = arith.constant 480 : index
      %get3A_320 = tpu.vector_load %arg6[%get3A_318, %get3A_319] {strides = array<i32>} : memref<64x768xf32, #tpu.memory_space<vmem>>, vector<16xf32>,
      %get3A_321 = arith.index_cast %scan3A_19 : i32 to index
      %get3A_322 = arith.constant 480 : index
      %get3A_323 = tpu.vector_load %arg7[%get3A_321, %get3A_322] {strides = array<i32>} : memref<64x768xf32, #tpu.memory_space<vmem>>, vector<16xf32>,
      %add3A_324 = arith.addf %get3A_320, %get3A_323 : vector<16xf32>
      %swap3A_325 = arith.index_cast %scan3A_19 : i32 to index
      %swap3A_326 = arith.constant 480 : index
      %swap3A_327 = tpu.vector_load %arg6[%swap3A_325, %swap3A_326] {strides = array<i32>} : memref<64x768xf32, #tpu.memory_space<vmem>>, vector<16xf32>,
      tpu.vector_store %arg6[%swap3A_325, %swap3A_326], %add3A_324 {strides = array<i32>} : memref<64x768xf32, #tpu.memory_space<vmem>>, vector<16xf32>,
      %get3A_328 = arith.index_cast %scan3A_19 : i32 to index
      %get3A_329 = arith.constant 496 : index
      %get3A_330 = tpu.vector_load %arg6[%get3A_328, %get3A_329] {strides = array<i32>} : memref<64x768xf32, #tpu.memory_space<vmem>>, vector<16xf32>,
      %get3A_331 = arith.index_cast %scan3A_19 : i32 to index
      %get3A_332 = arith.constant 496 : index
      %get3A_333 = tpu.vector_load %arg7[%get3A_331, %get3A_332] {strides = array<i32>} : memref<64x768xf32, #tpu.memory_space<vmem>>, vector<16xf32>,
      %add3A_334 = arith.addf %get3A_330, %get3A_333 : vector<16xf32>
      %swap3A_335 = arith.index_cast %scan3A_19 : i32 to index
      %swap3A_336 = arith.constant 496 : index
      %swap3A_337 = tpu.vector_load %arg6[%swap3A_335, %swap3A_336] {strides = array<i32>} : memref<64x768xf32, #tpu.memory_space<vmem>>, vector<16xf32>,
      tpu.vector_store %arg6[%swap3A_335, %swap3A_336], %add3A_334 {strides = array<i32>} : memref<64x768xf32, #tpu.memory_space<vmem>>, vector<16xf32>,
      %get3A_338 = arith.index_cast %scan3A_19 : i32 to index
      %get3A_339 = arith.constant 512 : index
      %get3A_340 = tpu.vector_load %arg6[%get3A_338, %get3A_339] {strides = array<i32>} : memref<64x768xf32, #tpu.memory_space<vmem>>, vector<16xf32>,
      %get3A_341 = arith.index_cast %scan3A_19 : i32 to index
      %get3A_342 = arith.constant 512 : index
      %get3A_343 = tpu.vector_load %arg7[%get3A_341, %get3A_342] {strides = array<i32>} : memref<64x768xf32, #tpu.memory_space<vmem>>, vector<16xf32>,
      %add3A_344 = arith.addf %get3A_340, %get3A_343 : vector<16xf32>
      %swap3A_345 = arith.index_cast %scan3A_19 : i32 to index
      %swap3A_346 = arith.constant 512 : index
      %swap3A_347 = tpu.vector_load %arg6[%swap3A_345, %swap3A_346] {strides = array<i32>} : memref<64x768xf32, #tpu.memory_space<vmem>>, vector<16xf32>,
      tpu.vector_store %arg6[%swap3A_345, %swap3A_346], %add3A_344 {strides = array<i32>} : memref<64x768xf32, #tpu.memory_space<vmem>>, vector<16xf32>,
      %get3A_348 = arith.index_cast %scan3A_19 : i32 to index
      %get3A_349 = arith.constant 528 : index
      %get3A_350 = tpu.vector_load %arg6[%get3A_348, %get3A_349] {strides = array<i32>} : memref<64x768xf32, #tpu.memory_space<vmem>>, vector<16xf32>,
      %get3A_351 = arith.index_cast %scan3A_19 : i32 to index
      %get3A_352 = arith.constant 528 : index
      %get3A_353 = tpu.vector_load %arg7[%get3A_351, %get3A_352] {strides = array<i32>} : memref<64x768xf32, #tpu.memory_space<vmem>>, vector<16xf32>,
      %add3A_354 = arith.addf %get3A_350, %get3A_353 : vector<16xf32>
      %swap3A_355 = arith.index_cast %scan3A_19 : i32 to index
      %swap3A_356 = arith.constant 528 : index
      %swap3A_357 = tpu.vector_load %arg6[%swap3A_355, %swap3A_356] {strides = array<i32>} : memref<64x768xf32, #tpu.memory_space<vmem>>, vector<16xf32>,
      tpu.vector_store %arg6[%swap3A_355, %swap3A_356], %add3A_354 {strides = array<i32>} : memref<64x768xf32, #tpu.memory_space<vmem>>, vector<16xf32>,
      %get3A_358 = arith.index_cast %scan3A_19 : i32 to index
      %get3A_359 = arith.constant 544 : index
      %get3A_360 = tpu.vector_load %arg6[%get3A_358, %get3A_359] {strides = array<i32>} : memref<64x768xf32, #tpu.memory_space<vmem>>, vector<16xf32>,
      %get3A_361 = arith.index_cast %scan3A_19 : i32 to index
      %get3A_362 = arith.constant 544 : index
      %get3A_363 = tpu.vector_load %arg7[%get3A_361, %get3A_362] {strides = array<i32>} : memref<64x768xf32, #tpu.memory_space<vmem>>, vector<16xf32>,
      %add3A_364 = arith.addf %get3A_360, %get3A_363 : vector<16xf32>
      %swap3A_365 = arith.index_cast %scan3A_19 : i32 to index
      %swap3A_366 = arith.constant 544 : index
      %swap3A_367 = tpu.vector_load %arg6[%swap3A_365, %swap3A_366] {strides = array<i32>} : memref<64x768xf32, #tpu.memory_space<vmem>>, vector<16xf32>,
      tpu.vector_store %arg6[%swap3A_365, %swap3A_366], %add3A_364 {strides = array<i32>} : memref<64x768xf32, #tpu.memory_space<vmem>>, vector<16xf32>,
      %get3A_368 = arith.index_cast %scan3A_19 : i32 to index
      %get3A_369 = arith.constant 560 : index
      %get3A_370 = tpu.vector_load %arg6[%get3A_368, %get3A_369] {strides = array<i32>} : memref<64x768xf32, #tpu.memory_space<vmem>>, vector<16xf32>,
      %get3A_371 = arith.index_cast %scan3A_19 : i32 to index
      %get3A_372 = arith.constant 560 : index
      %get3A_373 = tpu.vector_load %arg7[%get3A_371, %get3A_372] {strides = array<i32>} : memref<64x768xf32, #tpu.memory_space<vmem>>, vector<16xf32>,
      %add3A_374 = arith.addf %get3A_370, %get3A_373 : vector<16xf32>
      %swap3A_375 = arith.index_cast %scan3A_19 : i32 to index
      %swap3A_376 = arith.constant 560 : index
      %swap3A_377 = tpu.vector_load %arg6[%swap3A_375, %swap3A_376] {strides = array<i32>} : memref<64x768xf32, #tpu.memory_space<vmem>>, vector<16xf32>,
      tpu.vector_store %arg6[%swap3A_375, %swap3A_376], %add3A_374 {strides = array<i32>} : memref<64x768xf32, #tpu.memory_space<vmem>>, vector<16xf32>,
      %get3A_378 = arith.index_cast %scan3A_19 : i32 to index
      %get3A_379 = arith.constant 576 : index
      %get3A_380 = tpu.vector_load %arg6[%get3A_378, %get3A_379] {strides = array<i32>} : memref<64x768xf32, #tpu.memory_space<vmem>>, vector<16xf32>,
      %get3A_381 = arith.index_cast %scan3A_19 : i32 to index
      %get3A_382 = arith.constant 576 : index
      %get3A_383 = tpu.vector_load %arg7[%get3A_381, %get3A_382] {strides = array<i32>} : memref<64x768xf32, #tpu.memory_space<vmem>>, vector<16xf32>,
      %add3A_384 = arith.addf %get3A_380, %get3A_383 : vector<16xf32>
      %swap3A_385 = arith.index_cast %scan3A_19 : i32 to index
      %swap3A_386 = arith.constant 576 : index
      %swap3A_387 = tpu.vector_load %arg6[%swap3A_385, %swap3A_386] {strides = array<i32>} : memref<64x768xf32, #tpu.memory_space<vmem>>, vector<16xf32>,
      tpu.vector_store %arg6[%swap3A_385, %swap3A_386], %add3A_384 {strides = array<i32>} : memref<64x768xf32, #tpu.memory_space<vmem>>, vector<16xf32>,
      %get3A_388 = arith.index_cast %scan3A_19 : i32 to index
      %get3A_389 = arith.constant 592 : index
      %get3A_390 = tpu.vector_load %arg6[%get3A_388, %get3A_389] {strides = array<i32>} : memref<64x768xf32, #tpu.memory_space<vmem>>, vector<16xf32>,
      %get3A_391 = arith.index_cast %scan3A_19 : i32 to index
      %get3A_392 = arith.constant 592 : index
      %get3A_393 = tpu.vector_load %arg7[%get3A_391, %get3A_392] {strides = array<i32>} : memref<64x768xf32, #tpu.memory_space<vmem>>, vector<16xf32>,
      %add3A_394 = arith.addf %get3A_390, %get3A_393 : vector<16xf32>
      %swap3A_395 = arith.index_cast %scan3A_19 : i32 to index
      %swap3A_396 = arith.constant 592 : index
      %swap3A_397 = tpu.vector_load %arg6[%swap3A_395, %swap3A_396] {strides = array<i32>} : memref<64x768xf32, #tpu.memory_space<vmem>>, vector<16xf32>,
      tpu.vector_store %arg6[%swap3A_395, %swap3A_396], %add3A_394 {strides = array<i32>} : memref<64x768xf32, #tpu.memory_space<vmem>>, vector<16xf32>,
      %get3A_398 = arith.index_cast %scan3A_19 : i32 to index
      %get3A_399 = arith.constant 608 : index
      %get3A_400 = tpu.vector_load %arg6[%get3A_398, %get3A_399] {strides = array<i32>} : memref<64x768xf32, #tpu.memory_space<vmem>>, vector<16xf32>,
      %get3A_401 = arith.index_cast %scan3A_19 : i32 to index
      %get3A_402 = arith.constant 608 : index
      %get3A_403 = tpu.vector_load %arg7[%get3A_401, %get3A_402] {strides = array<i32>} : memref<64x768xf32, #tpu.memory_space<vmem>>, vector<16xf32>,
      %add3A_404 = arith.addf %get3A_400, %get3A_403 : vector<16xf32>
      %swap3A_405 = arith.index_cast %scan3A_19 : i32 to index
      %swap3A_406 = arith.constant 608 : index
      %swap3A_407 = tpu.vector_load %arg6[%swap3A_405, %swap3A_406] {strides = array<i32>} : memref<64x768xf32, #tpu.memory_space<vmem>>, vector<16xf32>,
      tpu.vector_store %arg6[%swap3A_405, %swap3A_406], %add3A_404 {strides = array<i32>} : memref<64x768xf32, #tpu.memory_space<vmem>>, vector<16xf32>,
      %get3A_408 = arith.index_cast %scan3A_19 : i32 to index
      %get3A_409 = arith.constant 624 : index
      %get3A_410 = tpu.vector_load %arg6[%get3A_408, %get3A_409] {strides = array<i32>} : memref<64x768xf32, #tpu.memory_space<vmem>>, vector<16xf32>,
      %get3A_411 = arith.index_cast %scan3A_19 : i32 to index
      %get3A_412 = arith.constant 624 : index
      %get3A_413 = tpu.vector_load %arg7[%get3A_411, %get3A_412] {strides = array<i32>} : memref<64x768xf32, #tpu.memory_space<vmem>>, vector<16xf32>,
      %add3A_414 = arith.addf %get3A_410, %get3A_413 : vector<16xf32>
      %swap3A_415 = arith.index_cast %scan3A_19 : i32 to index
      %swap3A_416 = arith.constant 624 : index
      %swap3A_417 = tpu.vector_load %arg6[%swap3A_415, %swap3A_416] {strides = array<i32>} : memref<64x768xf32, #tpu.memory_space<vmem>>, vector<16xf32>,
      tpu.vector_store %arg6[%swap3A_415, %swap3A_416], %add3A_414 {strides = array<i32>} : memref<64x768xf32, #tpu.memory_space<vmem>>, vector<16xf32>,
      %get3A_418 = arith.index_cast %scan3A_19 : i32 to index
      %get3A_419 = arith.constant 640 : index
      %get3A_420 = tpu.vector_load %arg6[%get3A_418, %get3A_419] {strides = array<i32>} : memref<64x768xf32, #tpu.memory_space<vmem>>, vector<16xf32>,
      %get3A_421 = arith.index_cast %scan3A_19 : i32 to index
      %get3A_422 = arith.constant 640 : index
      %get3A_423 = tpu.vector_load %arg7[%get3A_421, %get3A_422] {strides = array<i32>} : memref<64x768xf32, #tpu.memory_space<vmem>>, vector<16xf32>,
      %add3A_424 = arith.addf %get3A_420, %get3A_423 : vector<16xf32>
      %swap3A_425 = arith.index_cast %scan3A_19 : i32 to index
      %swap3A_426 = arith.constant 640 : index
      %swap3A_427 = tpu.vector_load %arg6[%swap3A_425, %swap3A_426] {strides = array<i32>} : memref<64x768xf32, #tpu.memory_space<vmem>>, vector<16xf32>,
      tpu.vector_store %arg6[%swap3A_425, %swap3A_426], %add3A_424 {strides = array<i32>} : memref<64x768xf32, #tpu.memory_space<vmem>>, vector<16xf32>,
      %get3A_428 = arith.index_cast %scan3A_19 : i32 to index
      %get3A_429 = arith.constant 656 : index
      %get3A_430 = tpu.vector_load %arg6[%get3A_428, %get3A_429] {strides = array<i32>} : memref<64x768xf32, #tpu.memory_space<vmem>>, vector<16xf32>,
      %get3A_431 = arith.index_cast %scan3A_19 : i32 to index
      %get3A_432 = arith.constant 656 : index
      %get3A_433 = tpu.vector_load %arg7[%get3A_431, %get3A_432] {strides = array<i32>} : memref<64x768xf32, #tpu.memory_space<vmem>>, vector<16xf32>,
      %add3A_434 = arith.addf %get3A_430, %get3A_433 : vector<16xf32>
      %swap3A_435 = arith.index_cast %scan3A_19 : i32 to index
      %swap3A_436 = arith.constant 656 : index
      %swap3A_437 = tpu.vector_load %arg6[%swap3A_435, %swap3A_436] {strides = array<i32>} : memref<64x768xf32, #tpu.memory_space<vmem>>, vector<16xf32>,
      tpu.vector_store %arg6[%swap3A_435, %swap3A_436], %add3A_434 {strides = array<i32>} : memref<64x768xf32, #tpu.memory_space<vmem>>, vector<16xf32>,
      %get3A_438 = arith.index_cast %scan3A_19 : i32 to index
      %get3A_439 = arith.constant 672 : index
      %get3A_440 = tpu.vector_load %arg6[%get3A_438, %get3A_439] {strides = array<i32>} : memref<64x768xf32, #tpu.memory_space<vmem>>, vector<16xf32>,
      %get3A_441 = arith.index_cast %scan3A_19 : i32 to index
      %get3A_442 = arith.constant 672 : index
      %get3A_443 = tpu.vector_load %arg7[%get3A_441, %get3A_442] {strides = array<i32>} : memref<64x768xf32, #tpu.memory_space<vmem>>, vector<16xf32>,
      %add3A_444 = arith.addf %get3A_440, %get3A_443 : vector<16xf32>
      %swap3A_445 = arith.index_cast %scan3A_19 : i32 to index
      %swap3A_446 = arith.constant 672 : index
      %swap3A_447 = tpu.vector_load %arg6[%swap3A_445, %swap3A_446] {strides = array<i32>} : memref<64x768xf32, #tpu.memory_space<vmem>>, vector<16xf32>,
      tpu.vector_store %arg6[%swap3A_445, %swap3A_446], %add3A_444 {strides = array<i32>} : memref<64x768xf32, #tpu.memory_space<vmem>>, vector<16xf32>,
      %get3A_448 = arith.index_cast %scan3A_19 : i32 to index
      %get3A_449 = arith.constant 688 : index
      %get3A_450 = tpu.vector_load %arg6[%get3A_448, %get3A_449] {strides = array<i32>} : memref<64x768xf32, #tpu.memory_space<vmem>>, vector<16xf32>,
      %get3A_451 = arith.index_cast %scan3A_19 : i32 to index
      %get3A_452 = arith.constant 688 : index
      %get3A_453 = tpu.vector_load %arg7[%get3A_451, %get3A_452] {strides = array<i32>} : memref<64x768xf32, #tpu.memory_space<vmem>>, vector<16xf32>,
      %add3A_454 = arith.addf %get3A_450, %get3A_453 : vector<16xf32>
      %swap3A_455 = arith.index_cast %scan3A_19 : i32 to index
      %swap3A_456 = arith.constant 688 : index
      %swap3A_457 = tpu.vector_load %arg6[%swap3A_455, %swap3A_456] {strides = array<i32>} : memref<64x768xf32, #tpu.memory_space<vmem>>, vector<16xf32>,
      tpu.vector_store %arg6[%swap3A_455, %swap3A_456], %add3A_454 {strides = array<i32>} : memref<64x768xf32, #tpu.memory_space<vmem>>, vector<16xf32>,
      %get3A_458 = arith.index_cast %scan3A_19 : i32 to index
      %get3A_459 = arith.constant 704 : index
      %get3A_460 = tpu.vector_load %arg6[%get3A_458, %get3A_459] {strides = array<i32>} : memref<64x768xf32, #tpu.memory_space<vmem>>, vector<16xf32>,
      %get3A_461 = arith.index_cast %scan3A_19 : i32 to index
      %get3A_462 = arith.constant 704 : index
      %get3A_463 = tpu.vector_load %arg7[%get3A_461, %get3A_462] {strides = array<i32>} : memref<64x768xf32, #tpu.memory_space<vmem>>, vector<16xf32>,
      %add3A_464 = arith.addf %get3A_460, %get3A_463 : vector<16xf32>
      %swap3A_465 = arith.index_cast %scan3A_19 : i32 to index
      %swap3A_466 = arith.constant 704 : index
      %swap3A_467 = tpu.vector_load %arg6[%swap3A_465, %swap3A_466] {strides = array<i32>} : memref<64x768xf32, #tpu.memory_space<vmem>>, vector<16xf32>,
      tpu.vector_store %arg6[%swap3A_465, %swap3A_466], %add3A_464 {strides = array<i32>} : memref<64x768xf32, #tpu.memory_space<vmem>>, vector<16xf32>,
      %get3A_468 = arith.index_cast %scan3A_19 : i32 to index
      %get3A_469 = arith.constant 720 : index
      %get3A_470 = tpu.vector_load %arg6[%get3A_468, %get3A_469] {strides = array<i32>} : memref<64x768xf32, #tpu.memory_space<vmem>>, vector<16xf32>,
      %get3A_471 = arith.index_cast %scan3A_19 : i32 to index
      %get3A_472 = arith.constant 720 : index
      %get3A_473 = tpu.vector_load %arg7[%get3A_471, %get3A_472] {strides = array<i32>} : memref<64x768xf32, #tpu.memory_space<vmem>>, vector<16xf32>,
      %add3A_474 = arith.addf %get3A_470, %get3A_473 : vector<16xf32>
      %swap3A_475 = arith.index_cast %scan3A_19 : i32 to index
      %swap3A_476 = arith.constant 720 : index
      %swap3A_477 = tpu.vector_load %arg6[%swap3A_475, %swap3A_476] {strides = array<i32>} : memref<64x768xf32, #tpu.memory_space<vmem>>, vector<16xf32>,
      tpu.vector_store %arg6[%swap3A_475, %swap3A_476], %add3A_474 {strides = array<i32>} : memref<64x768xf32, #tpu.memory_space<vmem>>, vector<16xf32>,
      %get3A_478 = arith.index_cast %scan3A_19 : i32 to index
      %get3A_479 = arith.constant 736 : index
      %get3A_480 = tpu.vector_load %arg6[%get3A_478, %get3A_479] {strides = array<i32>} : memref<64x768xf32, #tpu.memory_space<vmem>>, vector<16xf32>,
      %get3A_481 = arith.index_cast %scan3A_19 : i32 to index
      %get3A_482 = arith.constant 736 : index
      %get3A_483 = tpu.vector_load %arg7[%get3A_481, %get3A_482] {strides = array<i32>} : memref<64x768xf32, #tpu.memory_space<vmem>>, vector<16xf32>,
      %add3A_484 = arith.addf %get3A_480, %get3A_483 : vector<16xf32>
      %swap3A_485 = arith.index_cast %scan3A_19 : i32 to index
      %swap3A_486 = arith.constant 736 : index
      %swap3A_487 = tpu.vector_load %arg6[%swap3A_485, %swap3A_486] {strides = array<i32>} : memref<64x768xf32, #tpu.memory_space<vmem>>, vector<16xf32>,
      tpu.vector_store %arg6[%swap3A_485, %swap3A_486], %add3A_484 {strides = array<i32>} : memref<64x768xf32, #tpu.memory_space<vmem>>, vector<16xf32>,
      %get3A_488 = arith.index_cast %scan3A_19 : i32 to index
      %get3A_489 = arith.constant 752 : index
      %get3A_490 = tpu.vector_load %arg6[%get3A_488, %get3A_489] {strides = array<i32>} : memref<64x768xf32, #tpu.memory_space<vmem>>, vector<16xf32>,
      %get3A_491 = arith.index_cast %scan3A_19 : i32 to index
      %get3A_492 = arith.constant 752 : index
      %get3A_493 = tpu.vector_load %arg7[%get3A_491, %get3A_492] {strides = array<i32>} : memref<64x768xf32, #tpu.memory_space<vmem>>, vector<16xf32>,
      %add3A_494 = arith.addf %get3A_490, %get3A_493 : vector<16xf32>
      %swap3A_495 = arith.index_cast %scan3A_19 : i32 to index
      %swap3A_496 = arith.constant 752 : index
      %swap3A_497 = tpu.vector_load %arg6[%swap3A_495, %swap3A_496] {strides = array<i32>} : memref<64x768xf32, #tpu.memory_space<vmem>>, vector<16xf32>,
      tpu.vector_store %arg6[%swap3A_495, %swap3A_496], %add3A_494 {strides = array<i32>} : memref<64x768xf32, #tpu.memory_space<vmem>>, vector<16xf32>,
    }
    %scan3A_18 = arith.constant 64 : i32
    "tpu.region"() ({
      %run_scoped3A_19 = tpu.sem_alloc : memref<!tpu.dma_semaphore, #tpu.memory_space<semaphore_mem>>
      %dma_start3A_20 = arith.constant 0 : i32
      %dma_start3A_21 = tpu.memref_slice %arg4[%mul3A_2, %dma_start3A_20] : memref<2048x768xf32, #tpu.memory_space<hbm>> -> memref<64x768xf32, #tpu.memory_space<hbm>>
      %dma_start3A_22 = arith.constant 0 : i32
      %dma_start3A_23 = tpu.memref_slice %arg4[%mul3A_2, %dma_start3A_22] : memref<2048x768xf32, #tpu.memory_space<hbm>> -> memref<64x768xf32, #tpu.memory_space<hbm>>
      tpu.enqueue_dma source(%arg6 : memref<64x768xf32, #tpu.memory_space<vmem>>) target(%dma_start3A_23 : memref<64x768xf32, #tpu.memory_space<hbm>>) target_semaphore(%run_scoped3A_19 : memref<!tpu.dma_semaphore, #tpu.memory_space<semaphore_mem>>)
      %dma_wait3A_24 = arith.constant 0 : i32
      %dma_wait3A_25 = tpu.memref_slice %arg4[%mul3A_2, %dma_wait3A_24] : memref<2048x768xf32, #tpu.memory_space<hbm>> -> memref<64x768xf32, #tpu.memory_space<hbm>>
      %dma_wait3A_26 = arith.constant 0 : i32
      %dma_wait3A_27 = tpu.memref_slice %arg4[%mul3A_2, %dma_wait3A_26] : memref<2048x768xf32, #tpu.memory_space<hbm>> -> memref<64x768xf32, #tpu.memory_space<hbm>>
      tpu.wait_dma2 semaphore(%run_scoped3A_19 : memref<!tpu.dma_semaphore, #tpu.memory_space<semaphore_mem>>) src(%arg6 : memref<64x768xf32, #tpu.memory_space<vmem>>) dst(%dma_wait3A_27 : memref<64x768xf32, #tpu.memory_space<hbm>>)
      tpu.yield
    }) : () -> ()
    return
  }
}

module attributes {stable_mosaic.version = 14 : i64} {
  func.func @_gmm_body(%arg0: i32, %arg1: memref<16xi32, #tpu.memory_space<smem>>, %arg2: memref<256x768xf32, #tpu.memory_space<vmem>>, %arg3: memref<1x2048x768xf32, #tpu.memory_space<vmem>>, %arg4: memref<1x768x1024xf32, #tpu.memory_space<vmem>>, %arg5: memref<256x1xf32, #tpu.memory_space<vmem>>, %arg6: memref<256x768xf32, #tpu.memory_space<vmem>>, %arg7: memref<2048x768xbf16, #tpu.memory_space<vmem>>, %arg8: memref<768x1024xbf16, #tpu.memory_space<vmem>>) attributes {dimension_semantics = [#tpu.dimension_semantics<arbitrary>], iteration_bounds = array<i64: 24>, scalar_prefetch = 1 : i64, scratch_operands = 2 : i64, tpu.core_type = #tpu.core_type<tc>, window_params = [{transform_indices = @transform_0, window_bounds = array<i64: 256, 768>}, {transform_indices = @transform_1, window_bounds = array<i64: 1, 2048, 768>}, {transform_indices = @transform_2, window_bounds = array<i64: 1, 768, 1024>}, {transform_indices = @transform_3, window_bounds = array<i64: 256, 1>}, {transform_indices = @transform_4, window_bounds = array<i64: 256, 768>}]} {
    %get3A = arith.constant 7 : index
    %get3A_0 = memref.load %arg1[%get3A] : memref<16xi32, #tpu.memory_space<smem>>
    %shift_right_arithmetic3A = arith.constant 8 : i32
    %shift_right_arithmetic3A_1 = arith.shrsi %get3A_0, %shift_right_arithmetic3A : i32
    %lt3A = arith.cmpi slt, %arg0, %shift_right_arithmetic3A_1 : i32
    %convert_element_type3A = arith.extui %lt3A : i1 to i32
    %cond3A = arith.constant 0 : i32
    %cond3A_2 = arith.cmpi ne, %convert_element_type3A, %cond3A : i32
    scf.if %cond3A_2 {
      %get3A_3 = arith.constant 7 : index
      %get3A_4 = memref.load %arg1[%get3A_3] : memref<16xi32, #tpu.memory_space<smem>>
      %shift_right_arithmetic3A_5 = arith.constant 8 : i32
      %shift_right_arithmetic3A_6 = arith.shrsi %get3A_4, %shift_right_arithmetic3A_5 : i32
      %lt3A_7 = arith.cmpi slt, %arg0, %shift_right_arithmetic3A_6 : i32
      %sub3A = arith.constant 1 : i32
      %sub3A_8 = arith.subi %shift_right_arithmetic3A_6, %sub3A : i32
      %select_n3A = arith.select %lt3A_7, %arg0, %sub3A_8 : i32
      %mul3A = arith.constant 256 : i32
      %mul3A_9 = arith.muli %select_n3A, %mul3A : i32
      %get3A_10 = arith.constant 0 : index
      %get3A_11 = memref.load %arg1[%get3A_10] : memref<16xi32, #tpu.memory_space<smem>>
      %ge3A = arith.cmpi sge, %mul3A_9, %get3A_11 : i32
      %convert_element_type3A_12 = arith.extui %ge3A : i1 to i32
      %add3A = arith.constant 0 : i32
      %add3A_13 = arith.addi %add3A, %convert_element_type3A_12 : i32
      %get3A_14 = arith.constant 1 : index
      %get3A_15 = memref.load %arg1[%get3A_14] : memref<16xi32, #tpu.memory_space<smem>>
      %ge3A_16 = arith.cmpi sge, %mul3A_9, %get3A_15 : i32
      %convert_element_type3A_17 = arith.extui %ge3A_16 : i1 to i32
      %add3A_18 = arith.addi %add3A_13, %convert_element_type3A_17 : i32
      %get3A_19 = arith.constant 2 : index
      %get3A_20 = memref.load %arg1[%get3A_19] : memref<16xi32, #tpu.memory_space<smem>>
      %ge3A_21 = arith.cmpi sge, %mul3A_9, %get3A_20 : i32
      %convert_element_type3A_22 = arith.extui %ge3A_21 : i1 to i32
      %add3A_23 = arith.addi %add3A_18, %convert_element_type3A_22 : i32
      %get3A_24 = arith.constant 3 : index
      %get3A_25 = memref.load %arg1[%get3A_24] : memref<16xi32, #tpu.memory_space<smem>>
      %ge3A_26 = arith.cmpi sge, %mul3A_9, %get3A_25 : i32
      %convert_element_type3A_27 = arith.extui %ge3A_26 : i1 to i32
      %add3A_28 = arith.addi %add3A_23, %convert_element_type3A_27 : i32
      %get3A_29 = arith.constant 4 : index
      %get3A_30 = memref.load %arg1[%get3A_29] : memref<16xi32, #tpu.memory_space<smem>>
      %ge3A_31 = arith.cmpi sge, %mul3A_9, %get3A_30 : i32
      %convert_element_type3A_32 = arith.extui %ge3A_31 : i1 to i32
      %add3A_33 = arith.addi %add3A_28, %convert_element_type3A_32 : i32
      %get3A_34 = arith.constant 5 : index
      %get3A_35 = memref.load %arg1[%get3A_34] : memref<16xi32, #tpu.memory_space<smem>>
      %ge3A_36 = arith.cmpi sge, %mul3A_9, %get3A_35 : i32
      %convert_element_type3A_37 = arith.extui %ge3A_36 : i1 to i32
      %add3A_38 = arith.addi %add3A_33, %convert_element_type3A_37 : i32
      %get3A_39 = arith.constant 6 : index
      %get3A_40 = memref.load %arg1[%get3A_39] : memref<16xi32, #tpu.memory_space<smem>>
      %ge3A_41 = arith.cmpi sge, %mul3A_9, %get3A_40 : i32
      %convert_element_type3A_42 = arith.extui %ge3A_41 : i1 to i32
      %add3A_43 = arith.addi %add3A_38, %convert_element_type3A_42 : i32
      %get3A_44 = arith.constant 7 : index
      %get3A_45 = memref.load %arg1[%get3A_44] : memref<16xi32, #tpu.memory_space<smem>>
      %ge3A_46 = arith.cmpi sge, %mul3A_9, %get3A_45 : i32
      %convert_element_type3A_47 = arith.extui %ge3A_46 : i1 to i32
      %add3A_48 = arith.addi %add3A_43, %convert_element_type3A_47 : i32
      %sub3A_49 = arith.constant 1 : i32
      %sub3A_50 = arith.subi %arg0, %sub3A_49 : i32
      %get3A_51 = arith.constant 7 : index
      %get3A_52 = memref.load %arg1[%get3A_51] : memref<16xi32, #tpu.memory_space<smem>>
      %shift_right_arithmetic3A_53 = arith.constant 8 : i32
      %shift_right_arithmetic3A_54 = arith.shrsi %get3A_52, %shift_right_arithmetic3A_53 : i32
      %lt3A_55 = arith.cmpi slt, %sub3A_50, %shift_right_arithmetic3A_54 : i32
      %sub3A_56 = arith.constant 1 : i32
      %sub3A_57 = arith.subi %shift_right_arithmetic3A_54, %sub3A_56 : i32
      %select_n3A_58 = arith.select %lt3A_55, %sub3A_50, %sub3A_57 : i32
      %mul3A_59 = arith.constant 256 : i32
      %mul3A_60 = arith.muli %select_n3A_58, %mul3A_59 : i32
      %get3A_61 = arith.constant 0 : index
      %get3A_62 = memref.load %arg1[%get3A_61] : memref<16xi32, #tpu.memory_space<smem>>
      %ge3A_63 = arith.cmpi sge, %mul3A_60, %get3A_62 : i32
      %convert_element_type3A_64 = arith.extui %ge3A_63 : i1 to i32
      %add3A_65 = arith.constant 0 : i32
      %add3A_66 = arith.addi %add3A_65, %convert_element_type3A_64 : i32
      %get3A_67 = arith.constant 1 : index
      %get3A_68 = memref.load %arg1[%get3A_67] : memref<16xi32, #tpu.memory_space<smem>>
      %ge3A_69 = arith.cmpi sge, %mul3A_60, %get3A_68 : i32
      %convert_element_type3A_70 = arith.extui %ge3A_69 : i1 to i32
      %add3A_71 = arith.addi %add3A_66, %convert_element_type3A_70 : i32
      %get3A_72 = arith.constant 2 : index
      %get3A_73 = memref.load %arg1[%get3A_72] : memref<16xi32, #tpu.memory_space<smem>>
      %ge3A_74 = arith.cmpi sge, %mul3A_60, %get3A_73 : i32
      %convert_element_type3A_75 = arith.extui %ge3A_74 : i1 to i32
      %add3A_76 = arith.addi %add3A_71, %convert_element_type3A_75 : i32
      %get3A_77 = arith.constant 3 : index
      %get3A_78 = memref.load %arg1[%get3A_77] : memref<16xi32, #tpu.memory_space<smem>>
      %ge3A_79 = arith.cmpi sge, %mul3A_60, %get3A_78 : i32
      %convert_element_type3A_80 = arith.extui %ge3A_79 : i1 to i32
      %add3A_81 = arith.addi %add3A_76, %convert_element_type3A_80 : i32
      %get3A_82 = arith.constant 4 : index
      %get3A_83 = memref.load %arg1[%get3A_82] : memref<16xi32, #tpu.memory_space<smem>>
      %ge3A_84 = arith.cmpi sge, %mul3A_60, %get3A_83 : i32
      %convert_element_type3A_85 = arith.extui %ge3A_84 : i1 to i32
      %add3A_86 = arith.addi %add3A_81, %convert_element_type3A_85 : i32
      %get3A_87 = arith.constant 5 : index
      %get3A_88 = memref.load %arg1[%get3A_87] : memref<16xi32, #tpu.memory_space<smem>>
      %ge3A_89 = arith.cmpi sge, %mul3A_60, %get3A_88 : i32
      %convert_element_type3A_90 = arith.extui %ge3A_89 : i1 to i32
      %add3A_91 = arith.addi %add3A_86, %convert_element_type3A_90 : i32
      %get3A_92 = arith.constant 6 : index
      %get3A_93 = memref.load %arg1[%get3A_92] : memref<16xi32, #tpu.memory_space<smem>>
      %ge3A_94 = arith.cmpi sge, %mul3A_60, %get3A_93 : i32
      %convert_element_type3A_95 = arith.extui %ge3A_94 : i1 to i32
      %add3A_96 = arith.addi %add3A_91, %convert_element_type3A_95 : i32
      %get3A_97 = arith.constant 7 : index
      %get3A_98 = memref.load %arg1[%get3A_97] : memref<16xi32, #tpu.memory_space<smem>>
      %ge3A_99 = arith.cmpi sge, %mul3A_60, %get3A_98 : i32
      %convert_element_type3A_100 = arith.extui %ge3A_99 : i1 to i32
      %add3A_101 = arith.addi %add3A_96, %convert_element_type3A_100 : i32
      %eq3A = arith.constant 0 : i32
      %eq3A_102 = arith.cmpi eq, %arg0, %eq3A : i32
      %ne3A = arith.cmpi ne, %add3A_48, %add3A_101 : i32
      %or3A = arith.ori %eq3A_102, %ne3A : i1
      %convert_element_type3A_103 = arith.extui %or3A : i1 to i32
      %cond3A_104 = arith.constant 0 : i32
      %cond3A_105 = arith.cmpi ne, %convert_element_type3A_103, %cond3A_104 : i32
      scf.if %cond3A_105 {
        %get3A_135 = arith.constant 0 : index
        %get3A_136 = arith.constant 0 : index
        %get3A_137 = arith.constant 0 : index
        %get3A_138 = vector.load %arg3[%get3A_135, %get3A_136, %get3A_137] : memref<1x2048x768xf32, #tpu.memory_space<vmem>>, vector<1x2048x768xf32>
        %get3A_139 = vector.shape_cast %get3A_138 : vector<1x2048x768xf32> to vector<2048x768xf32>
        %convert_element_type3A_140 = arith.truncf %get3A_139 : vector<2048x768xf32> to vector<2048x768xbf16>
        %swap3A_141 = arith.constant 0 : index
        %swap3A_142 = arith.constant 0 : index
        %swap3A_143 = vector.load %arg7[%swap3A_141, %swap3A_142] : memref<2048x768xbf16, #tpu.memory_space<vmem>>, vector<2048x768xbf16>
        tpu.vector_store %arg7[%swap3A_141, %swap3A_142], %convert_element_type3A_140 {strides = array<i32>} : memref<2048x768xbf16, #tpu.memory_space<vmem>>, vector<2048x768xbf16>,
        %get3A_144 = arith.constant 0 : index
        %get3A_145 = arith.constant 0 : index
        %get3A_146 = arith.constant 0 : index
        %get3A_147 = vector.load %arg4[%get3A_144, %get3A_145, %get3A_146] : memref<1x768x1024xf32, #tpu.memory_space<vmem>>, vector<1x768x1024xf32>
        %get3A_148 = vector.shape_cast %get3A_147 : vector<1x768x1024xf32> to vector<768x1024xf32>
        %convert_element_type3A_149 = arith.truncf %get3A_148 : vector<768x1024xf32> to vector<768x1024xbf16>
        %swap3A_150 = arith.constant 0 : index
        %swap3A_151 = arith.constant 0 : index
        %swap3A_152 = vector.load %arg8[%swap3A_150, %swap3A_151] : memref<768x1024xbf16, #tpu.memory_space<vmem>>, vector<768x1024xbf16>
        tpu.vector_store %arg8[%swap3A_150, %swap3A_151], %convert_element_type3A_149 {strides = array<i32>} : memref<768x1024xbf16, #tpu.memory_space<vmem>>, vector<768x1024xbf16>,
      } else {
      }
      %get3A_106 = arith.constant 0 : index
      %get3A_107 = arith.constant 0 : index
      %get3A_108 = vector.load %arg2[%get3A_106, %get3A_107] : memref<256x768xf32, #tpu.memory_space<vmem>>, vector<256x768xf32>
      %convert_element_type3A_109 = arith.truncf %get3A_108 : vector<256x768xf32> to vector<256x768xbf16>
      %get3A_110 = arith.constant 0 : index
      %get3A_111 = arith.constant 0 : index
      %get3A_112 = vector.load %arg7[%get3A_110, %get3A_111] : memref<2048x768xbf16, #tpu.memory_space<vmem>>, vector<2048x768xbf16>
      %dot_general3A = arith.constant dense<0.000000e+00> : vector<256x2048xf32>
      %dot_general3A_113 = tpu.matmul %convert_element_type3A_109, %get3A_112, %dot_general3A {dimension_numbers = #tpu.dot_dimension_numbers<[1], [1], [0], [0], [0, 0, 1, 0], [], []>, transpose_lhs_hint = false} : vector<256x768xbf16>, vector<2048x768xbf16>, vector<256x2048xf32> -> vector<256x2048xf32>
      %slice3A = vector.extract_strided_slice %dot_general3A_113 {offsets = [0, 0], sizes = [256, 1024], strides = [1, 1]} : vector<256x2048xf32> to vector<256x1024xf32>
      %slice3A_114 = vector.extract_strided_slice %dot_general3A_113 {offsets = [0, 1024], sizes = [256, 1024], strides = [1, 1]} : vector<256x2048xf32> to vector<256x1024xf32>
      %logistic3A = arith.negf %slice3A : vector<256x1024xf32>
      %logistic3A_115 = math.exp %logistic3A : vector<256x1024xf32>
      %logistic3A_116 = arith.constant 1.000000e+00 : f32
      %logistic3A_117 = vector.broadcast %logistic3A_116 : f32 to vector<256x1024xf32>
      %logistic3A_118 = arith.addf %logistic3A_117, %logistic3A_115 : vector<256x1024xf32>
      %logistic3A_119 = arith.divf %logistic3A_117, %logistic3A_118 : vector<256x1024xf32>
      %mul3A_120 = arith.mulf %slice3A, %logistic3A_119 : vector<256x1024xf32>
      %mul3A_121 = arith.mulf %mul3A_120, %slice3A_114 : vector<256x1024xf32>
      %convert_element_type3A_122 = arith.truncf %mul3A_121 : vector<256x1024xf32> to vector<256x1024xbf16>
      %get3A_123 = arith.constant 0 : index
      %get3A_124 = arith.constant 0 : index
      %get3A_125 = vector.load %arg8[%get3A_123, %get3A_124] : memref<768x1024xbf16, #tpu.memory_space<vmem>>, vector<768x1024xbf16>
      %dot_general3A_126 = arith.constant dense<0.000000e+00> : vector<256x768xf32>
      %dot_general3A_127 = tpu.matmul %convert_element_type3A_122, %get3A_125, %dot_general3A_126 {dimension_numbers = #tpu.dot_dimension_numbers<[1], [1], [0], [0], [0, 0, 1, 0], [], []>, transpose_lhs_hint = false} : vector<256x1024xbf16>, vector<768x1024xbf16>, vector<256x768xf32> -> vector<256x768xf32>
      %get3A_128 = arith.constant 0 : index
      %get3A_129 = arith.constant 0 : index
      %get3A_130 = vector.load %arg5[%get3A_128, %get3A_129] : memref<256x1xf32, #tpu.memory_space<vmem>>, vector<256x1xf32>
      %mul3A_131 = vector.broadcast %get3A_130 : vector<256x1xf32> to vector<256x768xf32>
      %mul3A_132 = arith.mulf %dot_general3A_127, %mul3A_131 : vector<256x768xf32>
      %swap3A = arith.constant 0 : index
      %swap3A_133 = arith.constant 0 : index
      %swap3A_134 = vector.load %arg6[%swap3A, %swap3A_133] : memref<256x768xf32, #tpu.memory_space<vmem>>, vector<256x768xf32>
      tpu.vector_store %arg6[%swap3A, %swap3A_133], %mul3A_132 {strides = array<i32>} : memref<256x768xf32, #tpu.memory_space<vmem>>, vector<256x768xf32>,
    } else {
    }
    return
  }
  func.func @transform_0(%arg0: i32, %arg1: memref<16xi32, #tpu.memory_space<smem>>) -> (i32, i32) {
    %get3A = arith.constant 7 : index
    %get3A_0 = memref.load %arg1[%get3A] : memref<16xi32, #tpu.memory_space<smem>>
    %shift_right_arithmetic3A = arith.constant 8 : i32
    %shift_right_arithmetic3A_1 = arith.shrsi %get3A_0, %shift_right_arithmetic3A : i32
    %lt3A = arith.cmpi slt, %arg0, %shift_right_arithmetic3A_1 : i32
    %sub3A = arith.constant 1 : i32
    %sub3A_2 = arith.subi %shift_right_arithmetic3A_1, %sub3A : i32
    %select_n3A = arith.select %lt3A, %arg0, %sub3A_2 : i32
    %c0_i32 = arith.constant 0 : i32
    %c0_i32_3 = arith.constant 0 : i32
    return %select_n3A, %c0_i32 : i32, i32
  }
  func.func @transform_1(%arg0: i32, %arg1: memref<16xi32, #tpu.memory_space<smem>>) -> (i32, i32, i32) {
    %get3A = arith.constant 7 : index
    %get3A_0 = memref.load %arg1[%get3A] : memref<16xi32, #tpu.memory_space<smem>>
    %shift_right_arithmetic3A = arith.constant 8 : i32
    %shift_right_arithmetic3A_1 = arith.shrsi %get3A_0, %shift_right_arithmetic3A : i32
    %lt3A = arith.cmpi slt, %arg0, %shift_right_arithmetic3A_1 : i32
    %sub3A = arith.constant 1 : i32
    %sub3A_2 = arith.subi %shift_right_arithmetic3A_1, %sub3A : i32
    %select_n3A = arith.select %lt3A, %arg0, %sub3A_2 : i32
    %mul3A = arith.constant 256 : i32
    %mul3A_3 = arith.muli %select_n3A, %mul3A : i32
    %get3A_4 = arith.constant 0 : index
    %get3A_5 = memref.load %arg1[%get3A_4] : memref<16xi32, #tpu.memory_space<smem>>
    %ge3A = arith.cmpi sge, %mul3A_3, %get3A_5 : i32
    %convert_element_type3A = arith.extui %ge3A : i1 to i32
    %add3A = arith.constant 0 : i32
    %add3A_6 = arith.addi %add3A, %convert_element_type3A : i32
    %get3A_7 = arith.constant 1 : index
    %get3A_8 = memref.load %arg1[%get3A_7] : memref<16xi32, #tpu.memory_space<smem>>
    %ge3A_9 = arith.cmpi sge, %mul3A_3, %get3A_8 : i32
    %convert_element_type3A_10 = arith.extui %ge3A_9 : i1 to i32
    %add3A_11 = arith.addi %add3A_6, %convert_element_type3A_10 : i32
    %get3A_12 = arith.constant 2 : index
    %get3A_13 = memref.load %arg1[%get3A_12] : memref<16xi32, #tpu.memory_space<smem>>
    %ge3A_14 = arith.cmpi sge, %mul3A_3, %get3A_13 : i32
    %convert_element_type3A_15 = arith.extui %ge3A_14 : i1 to i32
    %add3A_16 = arith.addi %add3A_11, %convert_element_type3A_15 : i32
    %get3A_17 = arith.constant 3 : index
    %get3A_18 = memref.load %arg1[%get3A_17] : memref<16xi32, #tpu.memory_space<smem>>
    %ge3A_19 = arith.cmpi sge, %mul3A_3, %get3A_18 : i32
    %convert_element_type3A_20 = arith.extui %ge3A_19 : i1 to i32
    %add3A_21 = arith.addi %add3A_16, %convert_element_type3A_20 : i32
    %get3A_22 = arith.constant 4 : index
    %get3A_23 = memref.load %arg1[%get3A_22] : memref<16xi32, #tpu.memory_space<smem>>
    %ge3A_24 = arith.cmpi sge, %mul3A_3, %get3A_23 : i32
    %convert_element_type3A_25 = arith.extui %ge3A_24 : i1 to i32
    %add3A_26 = arith.addi %add3A_21, %convert_element_type3A_25 : i32
    %get3A_27 = arith.constant 5 : index
    %get3A_28 = memref.load %arg1[%get3A_27] : memref<16xi32, #tpu.memory_space<smem>>
    %ge3A_29 = arith.cmpi sge, %mul3A_3, %get3A_28 : i32
    %convert_element_type3A_30 = arith.extui %ge3A_29 : i1 to i32
    %add3A_31 = arith.addi %add3A_26, %convert_element_type3A_30 : i32
    %get3A_32 = arith.constant 6 : index
    %get3A_33 = memref.load %arg1[%get3A_32] : memref<16xi32, #tpu.memory_space<smem>>
    %ge3A_34 = arith.cmpi sge, %mul3A_3, %get3A_33 : i32
    %convert_element_type3A_35 = arith.extui %ge3A_34 : i1 to i32
    %add3A_36 = arith.addi %add3A_31, %convert_element_type3A_35 : i32
    %get3A_37 = arith.constant 7 : index
    %get3A_38 = memref.load %arg1[%get3A_37] : memref<16xi32, #tpu.memory_space<smem>>
    %ge3A_39 = arith.cmpi sge, %mul3A_3, %get3A_38 : i32
    %convert_element_type3A_40 = arith.extui %ge3A_39 : i1 to i32
    %add3A_41 = arith.addi %add3A_36, %convert_element_type3A_40 : i32
    %c0_i32 = arith.constant 0 : i32
    %c0_i32_42 = arith.constant 0 : i32
    %c0_i32_43 = arith.constant 0 : i32
    return %add3A_41, %c0_i32, %c0_i32_42 : i32, i32, i32
  }
  func.func @transform_2(%arg0: i32, %arg1: memref<16xi32, #tpu.memory_space<smem>>) -> (i32, i32, i32) {
    %get3A = arith.constant 7 : index
    %get3A_0 = memref.load %arg1[%get3A] : memref<16xi32, #tpu.memory_space<smem>>
    %shift_right_arithmetic3A = arith.constant 8 : i32
    %shift_right_arithmetic3A_1 = arith.shrsi %get3A_0, %shift_right_arithmetic3A : i32
    %lt3A = arith.cmpi slt, %arg0, %shift_right_arithmetic3A_1 : i32
    %sub3A = arith.constant 1 : i32
    %sub3A_2 = arith.subi %shift_right_arithmetic3A_1, %sub3A : i32
    %select_n3A = arith.select %lt3A, %arg0, %sub3A_2 : i32
    %mul3A = arith.constant 256 : i32
    %mul3A_3 = arith.muli %select_n3A, %mul3A : i32
    %get3A_4 = arith.constant 0 : index
    %get3A_5 = memref.load %arg1[%get3A_4] : memref<16xi32, #tpu.memory_space<smem>>
    %ge3A = arith.cmpi sge, %mul3A_3, %get3A_5 : i32
    %convert_element_type3A = arith.extui %ge3A : i1 to i32
    %add3A = arith.constant 0 : i32
    %add3A_6 = arith.addi %add3A, %convert_element_type3A : i32
    %get3A_7 = arith.constant 1 : index
    %get3A_8 = memref.load %arg1[%get3A_7] : memref<16xi32, #tpu.memory_space<smem>>
    %ge3A_9 = arith.cmpi sge, %mul3A_3, %get3A_8 : i32
    %convert_element_type3A_10 = arith.extui %ge3A_9 : i1 to i32
    %add3A_11 = arith.addi %add3A_6, %convert_element_type3A_10 : i32
    %get3A_12 = arith.constant 2 : index
    %get3A_13 = memref.load %arg1[%get3A_12] : memref<16xi32, #tpu.memory_space<smem>>
    %ge3A_14 = arith.cmpi sge, %mul3A_3, %get3A_13 : i32
    %convert_element_type3A_15 = arith.extui %ge3A_14 : i1 to i32
    %add3A_16 = arith.addi %add3A_11, %convert_element_type3A_15 : i32
    %get3A_17 = arith.constant 3 : index
    %get3A_18 = memref.load %arg1[%get3A_17] : memref<16xi32, #tpu.memory_space<smem>>
    %ge3A_19 = arith.cmpi sge, %mul3A_3, %get3A_18 : i32
    %convert_element_type3A_20 = arith.extui %ge3A_19 : i1 to i32
    %add3A_21 = arith.addi %add3A_16, %convert_element_type3A_20 : i32
    %get3A_22 = arith.constant 4 : index
    %get3A_23 = memref.load %arg1[%get3A_22] : memref<16xi32, #tpu.memory_space<smem>>
    %ge3A_24 = arith.cmpi sge, %mul3A_3, %get3A_23 : i32
    %convert_element_type3A_25 = arith.extui %ge3A_24 : i1 to i32
    %add3A_26 = arith.addi %add3A_21, %convert_element_type3A_25 : i32
    %get3A_27 = arith.constant 5 : index
    %get3A_28 = memref.load %arg1[%get3A_27] : memref<16xi32, #tpu.memory_space<smem>>
    %ge3A_29 = arith.cmpi sge, %mul3A_3, %get3A_28 : i32
    %convert_element_type3A_30 = arith.extui %ge3A_29 : i1 to i32
    %add3A_31 = arith.addi %add3A_26, %convert_element_type3A_30 : i32
    %get3A_32 = arith.constant 6 : index
    %get3A_33 = memref.load %arg1[%get3A_32] : memref<16xi32, #tpu.memory_space<smem>>
    %ge3A_34 = arith.cmpi sge, %mul3A_3, %get3A_33 : i32
    %convert_element_type3A_35 = arith.extui %ge3A_34 : i1 to i32
    %add3A_36 = arith.addi %add3A_31, %convert_element_type3A_35 : i32
    %get3A_37 = arith.constant 7 : index
    %get3A_38 = memref.load %arg1[%get3A_37] : memref<16xi32, #tpu.memory_space<smem>>
    %ge3A_39 = arith.cmpi sge, %mul3A_3, %get3A_38 : i32
    %convert_element_type3A_40 = arith.extui %ge3A_39 : i1 to i32
    %add3A_41 = arith.addi %add3A_36, %convert_element_type3A_40 : i32
    %c0_i32 = arith.constant 0 : i32
    %c0_i32_42 = arith.constant 0 : i32
    %c0_i32_43 = arith.constant 0 : i32
    return %add3A_41, %c0_i32, %c0_i32_42 : i32, i32, i32
  }
  func.func @transform_3(%arg0: i32, %arg1: memref<16xi32, #tpu.memory_space<smem>>) -> (i32, i32) {
    %get3A = arith.constant 7 : index
    %get3A_0 = memref.load %arg1[%get3A] : memref<16xi32, #tpu.memory_space<smem>>
    %shift_right_arithmetic3A = arith.constant 8 : i32
    %shift_right_arithmetic3A_1 = arith.shrsi %get3A_0, %shift_right_arithmetic3A : i32
    %lt3A = arith.cmpi slt, %arg0, %shift_right_arithmetic3A_1 : i32
    %sub3A = arith.constant 1 : i32
    %sub3A_2 = arith.subi %shift_right_arithmetic3A_1, %sub3A : i32
    %select_n3A = arith.select %lt3A, %arg0, %sub3A_2 : i32
    %c0_i32 = arith.constant 0 : i32
    %c0_i32_3 = arith.constant 0 : i32
    return %select_n3A, %c0_i32 : i32, i32
  }
  func.func @transform_4(%arg0: i32, %arg1: memref<16xi32, #tpu.memory_space<smem>>) -> (i32, i32) {
    %c0_i32 = arith.constant 0 : i32
    %c0_i32_0 = arith.constant 0 : i32
    return %arg0, %c0_i32 : i32, i32
  }
}

</mosaic_0001>

<sc_bundles>
// kernel: kernel.12.cloned.1.call-start
scs
__scs_entry_jumppad:
0x0: {  	(pc) =	sbr.rel $0x88, $3  }
0x1: {  	(tag) =	ssettag $0x0;
	lr =	simm.s32 $0x1  }
0x2: {  	[smem:$0x3F9D] =	sst lr;
	_ =	strace $0xD0000000  }
0x3: {  	_ = 	snop  }
0x4: {  	_ = 	snop  }
0x5: {  	_ = 	snop  }
0x6: {  	_ = 	snop  }
0x7: {  	_ = 	snop  }
__scs_overlays_trampoline_lowered:
0x8: {  	[smem:$0x3FAC] =	sst s0  }
0x9: {  	[smem:$0x3FAD] =	sst s1  }
0xa: {  	[smem:$0x3FAE] =	sst s2  }
0xb: {  	[smem:$0x3FAF] =	sst s3  }
0xc: {  	[smem:$0x3FB0] =	sst s4  }
0xd: {  	[smem:$0x3FB1] =	sst s5  }
0xe: {  	[smem:$0x3FB2] =	sst s6  }
0xf: {  	[smem:$0x3FB3] =	sst s7  }
0x10: {  	[smem:$0x3FB4] =	sst s8  }
0x11: {  	[smem:$0x3FB5] =	sst s9;
	s0 =	simm.s32 @!p0 $0x0  }
0x12: {  	s1 =	sld [smem:$0x3F9B];
	s0 =	simm.s32 @p0 $0x1  }
0x13: {  	[smem:$0x3FB6] =	sst s0;
	s0 =	simm.s32 @!p1 $0x0  }
0x14: {  	s2 =	sld [smem:$0x3F9A];
	s0 =	simm.s32 @p1 $0x1  }
0x15: {  	[smem:$0x3FB7] =	sst s0;
	s0 =	simm.s32 @!p2 $0x0  }
0x16: {  	s3 =	sld [smem:$0x3FDB];
	s0 =	simm.s32 @p2 $0x1  }
0x17: {  	s4 =	simm.s32 $0x1BF5;
	[smem:$0x3FB9] =	sst s0  }
0x18: {  	s0 =	sld [smem:$0x3F9C];
	_ =	swait.ge [sflag:s4], $0x0  }
0x19: {  	s7 =	sld [smem:$0x3F9D]  }
0x1a: {  	s8 =	sadd.s32 $0xFFFFE003, lr  }
0x1b: {  	s9 =	sadd.s32 $0xFFFFFEF7, lr;
	s5 =	simm.s32 $0xFFFFFFFF;
	p2 =	slt.u32 s8, $0xFFFFF086  }
0x1c: {  	p1 =	slt.u32 s9, $0xF7A;
	s5 =	simm.s32 @!p2 $0x0  }
0x1d: {  	s5 =	simm.s32 @p1 $0x1;
	p0 =	seq.s32 s7, s2  }
0x1e: {  	s7 =	smul.u32 @!p0 $0xF7A, s2;
	p2 =	seq.s32 @!p0 s5, $0x0  }
0x1f: {  	s9 =	smul.u32 $0xF7A, s1;
	s8 =	simm.s32 @!p0 $0x1BF5;
	p2 =	por !p2, p0  }
0x20: {  	[sflag:s8] =	ssyncset.s32 @!p0 $0xFFFFF086;
	s6 =	sadd.s32 @!p0 s3, s7;
	s7 =	simm.s32 @!p0 $0x108  }
0x21: {  	s3 =	sadd.s32 s3, s9;
	s6 =	sadd.s32 @!p0 $0x88, s6;
	s7 =	simm.s32 @p2 $0x1082  }
0x22: {  	[simem:s7], [sflag:s8] =	dma.local @!p0 [hbm:s6], $0xF7A  }
0x23: {  	s9 =	sor.u32 $0xD0000000, s2;
	s6 =	simm.s32 $0x108;
	_ =	swait.ge @!p0 [sflag:s8], $0x0  }
0x24: {  	s3 =	sadd.s32 $0x88, s3;
	s6 =	simm.s32 @!p1 $0x1082;
	[sflag:s4] =	ssyncset.s32 $0xFFFFF086  }
0x25: {  	[simem:s6], [sflag:s4] =	dma.local [hbm:s3], $0xF7A  }
0x26: {  	[smem:$0x3F9D] =	sst s1;
	(tag) =	ssettag s2;
	_ =	strace s9  }
0x27: {  	s1 =	sld [smem:$0x3FAD]  }
0x28: {  	s2 =	sld [smem:$0x3FAE]  }
0x29: {  	s4 =	sld [smem:$0x3FB0]  }
0x2a: {  	p0 =	seq.s32 s5, $0x0;
	s5 =	sld [smem:$0x3FB1]  }
0x2b: {  	s6 =	sld [smem:$0x3FB2]  }
0x2c: {  	s7 =	sld [smem:$0x3FB3]  }
0x2d: {  	s3 =	simm.s32 $0x108;
	s8 =	sld [smem:$0x3FB4]  }
0x2e: {  	s3 =	simm.s32 @!p0 $0x1082;
	s9 =	sld [smem:$0x3FB5]  }
0x2f: {  	lr =	sadd.s32 s0, s3;
	s0 =	sld [smem:$0x3FAC]  }
0x30: {  	s3 =	sld [smem:$0x3FAF]  }
0x31: {  	[smem:$0x3FB8] =	sst s10  }
0x32: {  	s10 =	sld [smem:$0x3FB6];
	_ =	sdelay $0x3  }
0x33: {  	p0 =	seq.s32 s10, $0x1;
	s10 =	sld [smem:$0x3FB8];
	_ =	sdelay $0x3  }
0x34: {  	[smem:$0x3FB8] =	sst s10  }
0x35: {  	s10 =	sld [smem:$0x3FB7];
	_ =	sdelay $0x3  }
0x36: {  	p1 =	seq.s32 s10, $0x1;
	s10 =	sld [smem:$0x3FB8];
	_ =	sdelay $0x3  }
0x37: {  	[smem:$0x3FB8] =	sst s10  }
0x38: {  	s10 =	sld [smem:$0x3FB9]  }
0x39: {  	_ = 	snop;
	(pc) =	sbr.ind lr, $3  }
0x3a: {  	_ = 	snop  }
0x3b: {  	_ = 	snop  }
0x3c: {  	p2 =	seq.s32 s10, $0x1;
	s10 =	sld [smem:$0x3FB8]  }
0x3d: {  	_ =	shalt  }
0x3e: {  	_ =	shalt  }
0x3f: {  	_ =	shalt  }
0x40: {  	_ =	shalt  }
0x41: {  	_ =	shalt  }
0x42: {  	_ =	shalt  }
0x43: {  	_ =	shalt  }
0x44: {  	_ =	shalt  }
0x45: {  	_ =	shalt  }
0x46: {  	_ =	shalt  }
0x47: {  	_ =	shalt  }
0x48: {  	_ =	shalt  }
0x49: {  	_ =	shalt  }
0x4a: {  	_ =	shalt  }
0x4b: {  	_ =	shalt  }
0x4c: {  	_ =	shalt  }
0x4d: {  	_ =	shalt  }
0x4e: {  	_ =	shalt  }
0x4f: {  	_ =	shalt  }
0x50: {  	_ =	shalt  }
0x51: {  	_ =	shalt  }
0x52: {  	_ =	shalt  }
0x53: {  	_ =	shalt  }
0x54: {  	_ =	shalt  }
0x55: {  	_ =	shalt  }
0x56: {  	_ =	shalt  }
0x57: {  	_ =	shalt  }
0x58: {  	_ =	shalt  }
0x59: {  	_ =	shalt  }
0x5a: {  	_ =	shalt  }
0x5b: {  	_ =	shalt  }
0x5c: {  	_ =	shalt  }
0x5d: {  	_ =	shalt  }
0x5e: {  	_ =	shalt  }
0x5f: {  	_ =	shalt  }
0x60: {  	_ =	shalt  }
0x61: {  	_ =	shalt  }
0x62: {  	_ =	shalt  }
0x63: {  	_ =	shalt  }
0x64: {  	_ =	shalt  }
0x65: {  	_ =	shalt  }
0x66: {  	_ =	shalt  }
0x67: {  	_ =	shalt  }
0x68: {  	_ =	shalt  }
0x69: {  	_ =	shalt  }
0x6a: {  	_ =	shalt  }
0x6b: {  	_ =	shalt  }
0x6c: {  	_ =	shalt  }
0x6d: {  	_ =	shalt  }
0x6e: {  	_ =	shalt  }
0x6f: {  	_ =	shalt  }
0x70: {  	_ =	shalt  }
0x71: {  	_ =	shalt  }
0x72: {  	_ =	shalt  }
0x73: {  	_ =	shalt  }
0x74: {  	_ =	shalt  }
0x75: {  	_ =	shalt  }
0x76: {  	_ =	shalt  }
0x77: {  	_ =	shalt  }
0x78: {  	_ =	shalt  }
0x79: {  	_ =	shalt  }
0x7a: {  	_ =	shalt  }
0x7b: {  	_ =	shalt  }
0x7c: {  	_ =	shalt  }
0x7d: {  	_ =	shalt  }
0x7e: {  	_ =	shalt  }
0x7f: {  	_ =	shalt  }
0x80: {  	_ =	shalt  }
0x81: {  	_ =	shalt  }
0x82: {  	_ =	shalt  }
0x83: {  	_ =	shalt  }
0x84: {  	_ =	shalt  }
0x85: {  	_ =	shalt  }
0x86: {  	_ =	shalt  }
0x87: {  	_ =	shalt  }
.Lfunc_end0:
.L_simem_size_0:
called_computation.2_lowered:
.L_overlay_start_0:
0x88: {  	s2 =	sld [smem:$0x3FD9]  }
0x89: {  	s3 =	sld [smem:$0x3FFE];
	_ =	sdelay $0x1  }
0x8a: {  	s1 =	srdreg.scid  }
0x8b: {  	s0 =	sand.u32 $0x1, s1  }
0x8c: {  	s17 =	sshll.u32 s0, $0xA;
	s2 =	sadd.s32 s3, s2  }
0x8d: {  	s2 =	sadd.s32 s2, s17  }
0x8e: {  	[smem:$0x3FC4] =	sst s2  }
0x8f: {  	_ = 	snop  }
0x90: {  	s2 =	sld [smem:$0x3FD0];
	(tm) =	ssettm $0x1  }
0x91: {  	s18 =	sld [smem:$0x3FFB];
	_ =	sdelay $0x3  }
0x92: {  	_ =	strace s18  }
0x93: {  	s3 =	sld [smem:$0x3FFC];
	_ =	sdelay $0x3  }
0x94: {  	_ =	strace s3  }
0x95: {  	s3 =	sld [smem:$0x3FFD];
	_ =	sdelay $0x3  }
0x96: {  	_ =	strace s3  }
0x97: {  	_ =	strace $0x8FFFFFFF  }
0x98: {  	s19 =	sld [smem:$0x3FDB];
	_ =	sdelay $0x1  }
0x99: {  	s4 =	simm.s32 $_scs_section_size  }
0x9a: {  	s5 =	simm.s32 $_size__tile_overlayer_lowered;
	s6 =	simm.s32 $_tile_overlayer_lowered  }
0x9b: {  	s22 =	simm.s32 $0x1BFF;
	s21 =	sshll.u32 s6, $0x1;
	s3 =	sadd.s32 s4, s19  }
0x9c: {  	s7 =	simm.s32 $0x0;
	s20 =	sshll.u32 s5, $0x1;
	s5 =	sadd.s32 s21, s3  }
0x9d: {  	[timem:s7], [sflag:s22] =	dma.local [hbm:s5], s20  }
0x9e: {  	_ =	swait.ge [sflag:s22], s20  }
0x9f: {  	s4 =	ssub.s32 $0x0, s20;
	[sflag:s22] =	ssyncset.done $0x0  }
0xa0: {  	[sflag:s22] =	ssyncadd.s32 s4;
	_ =	sdelay $0x1  }
0xa1: {  	s23 =	simm.s32 $0x1B8B  }
0xa2: {  	_ =	swait.ge [sflag:s23], $0x1  }
0xa3: {  	[sflag:s23] =	ssyncset.done $0x0  }
0xa4: {  	s25 =	simm.s32 $0x1B8E;
	s24 =	sld [smem:$0x3FFE];
	[sflag:s23] =	ssyncadd.s32 $0xFFFFFFFF  }
0xa5: {  	s26 =	simm.s32 $execute0_lowered;
	[smem:$0x3FD2] =	sst s25  }
0xa6: {  	s5 =	sshll.u32 s26, $0x1;
	_ =	strace $0x8000004C;
	[dreg:$0x1] =	wrdreg $0xFFFFFFFF  }
0xa7: {  	s28 =	simm.s32 $_size_execute0_lowered;
	s3 =	sadd.s32 s3, s5;
	[dreg:$0x0] =	wrdreg $0x0  }
0xa8: {  	s5 =	sshll.u32 s28, $0x1;
	[dreg:$0x2] =	wrdreg s3  }
0xa9: {  	[dreg:$0x3] =	wrdreg s5  }
0xaa: {  	[dreg:$0x4] =	wrdreg $0xC0  }
0xab: {  	_ =	task [dreg:s7], $0x5FFFF  }
0xac: {  	[dreg:$0x1] =	wrdreg $0xFFFFFFFF  }
0xad: {  	[dreg:$0x0] =	wrdreg $0x60  }
0xae: {  	[dreg:$0x2] =	wrdreg s24  }
0xaf: {  	[dreg:$0x3] =	wrdreg s2  }
0xb0: {  	[dreg:$0x4] =	wrdreg $0x9  }
0xb1: {  	_ =	task.clear_ibuf [dreg:s7], $0x5FFFF;
	_ =	strace $0x9000004C  }
0xb2: {  	s29 =	simm.s32 $0x9;
	_ =	strace $0x8000004E  }
0xb3: {  	_ =	swait.ge [sflag:s29], $0x1  }
0xb4: {  	[sflag:s29] =	ssyncadd.s32 $0xFFFFFFFF  }
0xb5: {  	_ =	strace $0x9000004E  }
0xb6: {  	_ =	sfence  }
0xb7: {  	s30 =	sld [smem:$0x0];
	_ =	sdelay $0x2  }
0xb8: {  	s31 =	sshll.u32 s1, $0xD;
	s1 =	sshrl.u32 s1, $0x2  }
0xb9: {  	s3 =	sand.u32 $0x4000, s31;
	s1 =	sadd.s32 s1, s30  }
0xba: {  	s0 =	sor.u32 s3, s0;
	s1 =	sshll.u32 s1, $0x11  }
0xbb: {  	s0 =	sor.u32 s1, s0  }
0xbc: {  	s0 =	sadd.s32 $0x8F2B, s0  }
0xbd: {  	[sflag:s0] =	ssyncadd.remote.s32 $0x1  }
0xbe: {  	_ =	sfence.sel $0xFFFF  }
0xbf: {  	[dreg:$0x0] =	wrdreg $0xFFFFFFFF;
	(pc) =	sbr.abs _section_cstart, $3  }
0xc0: {  	[dreg:$0x1] =	wrdreg $0xFFFFFFFF  }
0xc1: {  	_ =	task.clear_ibuf [dreg:s7], $0x2FFFF;
	_ =	strace $0x9FFFFFFF  }
0xc2: {  	(tm) =	ssettm $0x7FFFFFFF  }
0xc3: {  	_ =	shalt  }
tec
execute0_lowered:
.L_overlay_start_1:
0x0: {  	(tag) =	ssettag $0x1  }
0x1: {  	s0 =	rddreg [dreg:$0x0]  }
0x2: {  	s1 =	rddreg [dreg:$0x1]  }
0x3: {  	s2 =	srdreg.scid;
	s4 =	stileid.u32  }
0x4: {  	s14 =	simm.s32 $0x1;
	s28 =	simm.s32 $0x12080;
	s29 =	simm.s32 $0x12880  }
0x5: {  	s30 =	simm.s32 $0x13080;
	s31 =	simm.s32 $0x13880;
	s12 =	simm.s32 $0x15080  }
0x6: {  	s13 =	simm.s32 $0x15880;
	s15 =	simm.s32 $0x16080;
	s16 =	simm.s32 $0x16880  }
0x7: {  	s17 =	simm.s32 $0x17080;
	s18 =	simm.s32 $0x17880;
	s19 =	simm.s32 $0x0  }
0x8: {  	s3 =	sand.u32 $0x1, s2;
	s2 =	simm.s32 $0x0;
	s4 =	sshll.u32 s4, $0x7  }
0x9: {  	s10 =	sadd.s32 $0x1E00, s0;
	s5 =	sshll.u32 s3, $0x6;
	[smem:$0x7FF] =	sst s2  }
0xa: {  	s6 =	ssub.s32 $0x2, s3;
	s3 =	sadd.s32 $0x2000, s0;
	s4 =	sor.u32 s5, s4  }
0xb: {  	_ =	strace $0x8000004D;
	s8 =	sshrl.u32 s6, $0x1;
	s7 =	sshll.u32 s4, $0x1  }
0xc: {  	s11 =	ssub.s32 s6, s8;
	s23 =	sshrl.u32 s4, $0x3;
	s9 =	sand.u32 $0xF00, s7  }
0xd: {  	s25 =	smul.u32 $0x300, s23;
	s22 =	sor.u32 s5, s9;
	s5 =	sor.u32 s5, s7  }
0xe: {  	s9 =	smax.u32 s11, $0x1;
	s11 =	simm.s32 $0x80;
	s6 =	sshrl.u32 s22, $0x3  }
0xf: {  	s24 =	sshrl.u32 s5, $0x3;
	s5 =	sadd.s32 $0x2100, s0;
	s8 =	sadd.s32 s1, s25  }
0x10: {  	v2 =	vlaneseq.u32;
	s25 =	simm.s32 $0x11080;
	s1 =	simm.s32 $0x14880;
	s4 =	sadd.s32 s10, s6  }
0x11: {  	vm0 =	vmmov $0xffff;
	v1 =	vshrl.u32 v2, $0x3;
	s6 =	sadd.s32 $0x2200, s0;
	s26 =	sor.u32 $0x10, s24;
	s0 =	simm.s32 $0x14080  }
0x12: {  	v0 =	vand.u32 $0x7, v2;
	v2 =	vor.u32 $0x8, v2;
	v1 =	vmul.u32 $0x8, v1;
	s7 =	sadd.s32 s10, s26;
	s10 =	simm.s32 $0x2;
	s26 =	simm.s32 $0x11880  }
.LBB2_1:
0x13: {  	[tilespmem:s2], [sflag:$0x2] =	stream.linear.gather [hbm4b:s4+s2], $0x40, $0x38;
	[tilespmem:$0x18080] =	vst v63  }
0x14: {  	_ =	swait.ge [sflag:s10], $0x40  }
0x15: {  	[sflag:s10] =	ssyncset.done $0x0  }
0x16: {  	[sflag:s10] =	ssyncadd.s32 $0xFFFFFFC0  }
0x17: {  	v3 =	vld [tilespmem:$0x0];
	_ =	sdelay $0x4  }
0x18: {  	v4 =	vshrl.u32 v3, $0x3  }
0x19: {  	v4 =	vmul.u32 $0x30, v4  }
0x1a: {  	v3 =	vand.u32 $0x7, v3  }
0x1b: {  	v3 =	vor.u32 v3, v4  }
0x1c: {  	v4 =	vperm.xlane v3, v0;
	_ =	sdelay $0x1  }
0x1d: {  	v4 =	vadd.s32 v1, v4;
	_ =	sdelay $0x3  }
0x1e: {  	v3 =	vperm.xlane v3, v2  }
0x1f: {  	[tilespmem:s11], [sflag:$0x1] =	stream.indirect_vreg.gather [hbm4b:s3+s2], $0x80, v4, vm0, $0xb8;
	[tilespmem:$0x18080] =	vst v63  }
0x20: {  	s20 =	simm.s32 $0x880;
	v3 =	vadd.s32 v1, v3  }
0x21: {  	[tilespmem:s20], [sflag:$0x1] =	stream.indirect_vreg.gather [hbm4b:s5+s2], $0x80, v4, vm0, $0xb8;
	[tilespmem:$0x18080] =	vst v63  }
0x22: {  	s24 =	simm.s32 $0x1080  }
0x23: {  	[tilespmem:s24], [sflag:$0x1] =	stream.indirect_vreg.gather [hbm4b:s6+s2], $0x80, v4, vm0, $0xb8;
	[tilespmem:$0x18080] =	vst v63  }
0x24: {  	s21 =	simm.s32 $0x1880  }
0x25: {  	[tilespmem:s21], [sflag:$0x1] =	stream.indirect_vreg.gather [hbm4b:s3+s2], $0x80, v3, vm0, $0xb8;
	[tilespmem:$0x18080] =	vst v63  }
0x26: {  	s22 =	simm.s32 $0x2080  }
0x27: {  	[tilespmem:s22], [sflag:$0x1] =	stream.indirect_vreg.gather [hbm4b:s5+s2], $0x80, v3, vm0, $0xb8;
	[tilespmem:$0x18080] =	vst v63  }
0x28: {  	s23 =	simm.s32 $0x2880  }
0x29: {  	[tilespmem:s23], [sflag:$0x1] =	stream.indirect_vreg.gather [hbm4b:s6+s2], $0x80, v3, vm0, $0xb8;
	[tilespmem:$0x18080] =	vst v63  }
0x2a: {  	v3 =	vld [tilespmem:$0x10];
	_ =	sdelay $0x4  }
0x2b: {  	v4 =	vshrl.u32 v3, $0x3  }
0x2c: {  	v4 =	vmul.u32 $0x30, v4  }
0x2d: {  	v3 =	vand.u32 $0x7, v3  }
0x2e: {  	v3 =	vor.u32 v3, v4  }
0x2f: {  	v4 =	vperm.xlane v3, v0;
	_ =	sdelay $0x1  }
0x30: {  	v4 =	vadd.s32 v1, v4;
	_ =	sdelay $0x3  }
0x31: {  	s24 =	simm.s32 $0x3080;
	v3 =	vperm.xlane v3, v2  }
0x32: {  	[tilespmem:s24], [sflag:$0x1] =	stream.indirect_vreg.gather [hbm4b:s3+s2], $0x80, v4, vm0, $0xb8;
	[tilespmem:$0x18080] =	vst v63  }
0x33: {  	s21 =	simm.s32 $0x3880;
	v3 =	vadd.s32 v1, v3  }
0x34: {  	[tilespmem:s21], [sflag:$0x1] =	stream.indirect_vreg.gather [hbm4b:s5+s2], $0x80, v4, vm0, $0xb8;
	[tilespmem:$0x18080] =	vst v63  }
0x35: {  	s22 =	simm.s32 $0x4080  }
0x36: {  	[tilespmem:s22], [sflag:$0x1] =	stream.indirect_vreg.gather [hbm4b:s6+s2], $0x80, v4, vm0, $0xb8;
	[tilespmem:$0x18080] =	vst v63  }
0x37: {  	s23 =	simm.s32 $0x4880  }
0x38: {  	[tilespmem:s23], [sflag:$0x1] =	stream.indirect_vreg.gather [hbm4b:s3+s2], $0x80, v3, vm0, $0xb8;
	[tilespmem:$0x18080] =	vst v63  }
0x39: {  	s24 =	simm.s32 $0x5080  }
0x3a: {  	[tilespmem:s24], [sflag:$0x1] =	stream.indirect_vreg.gather [hbm4b:s5+s2], $0x80, v3, vm0, $0xb8;
	[tilespmem:$0x18080] =	vst v63  }
0x3b: {  	s21 =	simm.s32 $0x5880  }
0x3c: {  	[tilespmem:s21], [sflag:$0x1] =	stream.indirect_vreg.gather [hbm4b:s6+s2], $0x80, v3, vm0, $0xb8;
	[tilespmem:$0x18080] =	vst v63  }
0x3d: {  	v3 =	vld [tilespmem:$0x20];
	_ =	sdelay $0x4  }
0x3e: {  	v4 =	vshrl.u32 v3, $0x3  }
0x3f: {  	v4 =	vmul.u32 $0x30, v4  }
0x40: {  	v3 =	vand.u32 $0x7, v3  }
0x41: {  	v3 =	vor.u32 v3, v4  }
0x42: {  	v4 =	vperm.xlane v3, v0;
	_ =	sdelay $0x1  }
0x43: {  	v4 =	vadd.s32 v1, v4;
	_ =	sdelay $0x3  }
0x44: {  	s22 =	simm.s32 $0x6080;
	v3 =	vperm.xlane v3, v2  }
0x45: {  	[tilespmem:s22], [sflag:$0x1] =	stream.indirect_vreg.gather [hbm4b:s3+s2], $0x80, v4, vm0, $0xb8;
	[tilespmem:$0x18080] =	vst v63  }
0x46: {  	s23 =	simm.s32 $0x6880;
	v3 =	vadd.s32 v1, v3  }
0x47: {  	[tilespmem:s23], [sflag:$0x1] =	stream.indirect_vreg.gather [hbm4b:s5+s2], $0x80, v4, vm0, $0xb8;
	[tilespmem:$0x18080] =	vst v63  }
0x48: {  	s24 =	simm.s32 $0x7080  }
0x49: {  	[tilespmem:s24], [sflag:$0x1] =	stream.indirect_vreg.gather [hbm4b:s6+s2], $0x80, v4, vm0, $0xb8;
	[tilespmem:$0x18080] =	vst v63  }
0x4a: {  	s21 =	simm.s32 $0x7880  }
0x4b: {  	[tilespmem:s21], [sflag:$0x1] =	stream.indirect_vreg.gather [hbm4b:s3+s2], $0x80, v3, vm0, $0xb8;
	[tilespmem:$0x18080] =	vst v63  }
0x4c: {  	s22 =	simm.s32 $0x8080  }
0x4d: {  	[tilespmem:s22], [sflag:$0x1] =	stream.indirect_vreg.gather [hbm4b:s5+s2], $0x80, v3, vm0, $0xb8;
	[tilespmem:$0x18080] =	vst v63  }
0x4e: {  	s23 =	simm.s32 $0x8880  }
0x4f: {  	[tilespmem:s23], [sflag:$0x1] =	stream.indirect_vreg.gather [hbm4b:s6+s2], $0x80, v3, vm0, $0xb8;
	[tilespmem:$0x18080] =	vst v63  }
0x50: {  	v3 =	vld [tilespmem:$0x30];
	_ =	sdelay $0x4  }
0x51: {  	v4 =	vshrl.u32 v3, $0x3  }
0x52: {  	v4 =	vmul.u32 $0x30, v4  }
0x53: {  	v3 =	vand.u32 $0x7, v3  }
0x54: {  	v3 =	vor.u32 v3, v4  }
0x55: {  	v4 =	vperm.xlane v3, v0;
	_ =	sdelay $0x1  }
0x56: {  	v4 =	vadd.s32 v1, v4;
	_ =	sdelay $0x3  }
0x57: {  	s24 =	simm.s32 $0x9080;
	v3 =	vperm.xlane v3, v2  }
0x58: {  	[tilespmem:s24], [sflag:$0x1] =	stream.indirect_vreg.gather [hbm4b:s3+s2], $0x80, v4, vm0, $0xb8;
	[tilespmem:$0x18080] =	vst v63  }
0x59: {  	s21 =	simm.s32 $0x9880;
	v3 =	vadd.s32 v1, v3  }
0x5a: {  	[tilespmem:s21], [sflag:$0x1] =	stream.indirect_vreg.gather [hbm4b:s5+s2], $0x80, v4, vm0, $0xb8;
	[tilespmem:$0x18080] =	vst v63  }
0x5b: {  	s22 =	simm.s32 $0xA080  }
0x5c: {  	[tilespmem:s22], [sflag:$0x1] =	stream.indirect_vreg.gather [hbm4b:s6+s2], $0x80, v4, vm0, $0xb8;
	[tilespmem:$0x18080] =	vst v63  }
0x5d: {  	s23 =	simm.s32 $0xA880  }
0x5e: {  	[tilespmem:s23], [sflag:$0x1] =	stream.indirect_vreg.gather [hbm4b:s3+s2], $0x80, v3, vm0, $0xb8;
	[tilespmem:$0x18080] =	vst v63  }
0x5f: {  	s24 =	simm.s32 $0xB080  }
0x60: {  	[tilespmem:s24], [sflag:$0x1] =	stream.indirect_vreg.gather [hbm4b:s5+s2], $0x80, v3, vm0, $0xb8;
	[tilespmem:$0x18080] =	vst v63  }
0x61: {  	s21 =	simm.s32 $0xB880  }
0x62: {  	[tilespmem:s21], [sflag:$0x1] =	stream.indirect_vreg.gather [hbm4b:s6+s2], $0x80, v3, vm0, $0xb8;
	[tilespmem:$0x18080] =	vst v63  }
0x63: {  	_ =	swait.ge [sflag:s14], $0xC000  }
0x64: {  	[sflag:s14] =	ssyncset.done $0x0  }
0x65: {  	[sflag:s14] =	ssyncadd.s32 $0xFFFF4000  }
0x66: {  	[tilespmem:s2], [sflag:$0x2] =	stream.linear.gather [hbm4b:s7+s2], $0x40, $0x38;
	[tilespmem:$0x18080] =	vst v63  }
0x67: {  	_ =	swait.ge [sflag:s10], $0x40  }
0x68: {  	[sflag:s10] =	ssyncset.done $0x0  }
0x69: {  	[sflag:s10] =	ssyncadd.s32 $0xFFFFFFC0  }
0x6a: {  	v3 =	vld [tilespmem:$0x0];
	_ =	sdelay $0x4  }
0x6b: {  	v4 =	vshrl.u32 v3, $0x3  }
0x6c: {  	v4 =	vmul.u32 $0x30, v4  }
0x6d: {  	v3 =	vand.u32 $0x7, v3  }
0x6e: {  	v3 =	vor.u32 v3, v4  }
0x6f: {  	v4 =	vperm.xlane v3, v0;
	_ =	sdelay $0x1  }
0x70: {  	v4 =	vadd.s32 v1, v4;
	_ =	sdelay $0x3  }
0x71: {  	s22 =	simm.s32 $0xC080;
	v3 =	vperm.xlane v3, v2  }
0x72: {  	[tilespmem:s22], [sflag:$0x1] =	stream.indirect_vreg.gather [hbm4b:s3+s2], $0x80, v4, vm0, $0xb8;
	[tilespmem:$0x18080] =	vst v63  }
0x73: {  	s23 =	simm.s32 $0xC880;
	v3 =	vadd.s32 v1, v3  }
0x74: {  	[tilespmem:s23], [sflag:$0x1] =	stream.indirect_vreg.gather [hbm4b:s5+s2], $0x80, v4, vm0, $0xb8;
	[tilespmem:$0x18080] =	vst v63  }
0x75: {  	s24 =	simm.s32 $0xD080  }
0x76: {  	[tilespmem:s24], [sflag:$0x1] =	stream.indirect_vreg.gather [hbm4b:s6+s2], $0x80, v4, vm0, $0xb8;
	[tilespmem:$0x18080] =	vst v63  }
0x77: {  	s21 =	simm.s32 $0xD880  }
0x78: {  	[tilespmem:s21], [sflag:$0x1] =	stream.indirect_vreg.gather [hbm4b:s3+s2], $0x80, v3, vm0, $0xb8;
	[tilespmem:$0x18080] =	vst v63  }
0x79: {  	s22 =	simm.s32 $0xE080  }
0x7a: {  	[tilespmem:s22], [sflag:$0x1] =	stream.indirect_vreg.gather [hbm4b:s5+s2], $0x80, v3, vm0, $0xb8;
	[tilespmem:$0x18080] =	vst v63  }
0x7b: {  	s23 =	simm.s32 $0xE880  }
0x7c: {  	[tilespmem:s23], [sflag:$0x1] =	stream.indirect_vreg.gather [hbm4b:s6+s2], $0x80, v3, vm0, $0xb8;
	[tilespmem:$0x18080] =	vst v63  }
0x7d: {  	v3 =	vld [tilespmem:$0x10];
	_ =	sdelay $0x4  }
0x7e: {  	v4 =	vshrl.u32 v3, $0x3  }
0x7f: {  	v4 =	vmul.u32 $0x30, v4  }
0x80: {  	v3 =	vand.u32 $0x7, v3  }
0x81: {  	v3 =	vor.u32 v3, v4  }
0x82: {  	v4 =	vperm.xlane v3, v0;
	_ =	sdelay $0x1  }
0x83: {  	v4 =	vadd.s32 v1, v4;
	_ =	sdelay $0x3  }
0x84: {  	s24 =	simm.s32 $0xF080;
	v3 =	vperm.xlane v3, v2  }
0x85: {  	[tilespmem:s24], [sflag:$0x1] =	stream.indirect_vreg.gather [hbm4b:s3+s2], $0x80, v4, vm0, $0xb8;
	[tilespmem:$0x18080] =	vst v63  }
0x86: {  	s21 =	simm.s32 $0xF880;
	v3 =	vadd.s32 v1, v3  }
0x87: {  	[tilespmem:s21], [sflag:$0x1] =	stream.indirect_vreg.gather [hbm4b:s5+s2], $0x80, v4, vm0, $0xb8;
	[tilespmem:$0x18080] =	vst v63  }
0x88: {  	s22 =	simm.s32 $0x10080  }
0x89: {  	[tilespmem:s22], [sflag:$0x1] =	stream.indirect_vreg.gather [hbm4b:s6+s2], $0x80, v4, vm0, $0xb8;
	[tilespmem:$0x18080] =	vst v63  }
0x8a: {  	s23 =	simm.s32 $0x10880  }
0x8b: {  	[tilespmem:s23], [sflag:$0x1] =	stream.indirect_vreg.gather [hbm4b:s3+s2], $0x80, v3, vm0, $0xb8;
	[tilespmem:$0x18080] =	vst v63  }
0x8c: {  	_ = 	snop  }
0x8d: {  	[tilespmem:s25], [sflag:$0x1] =	stream.indirect_vreg.gather [hbm4b:s5+s2], $0x80, v3, vm0, $0xb8;
	[tilespmem:$0x18080] =	vst v63  }
0x8e: {  	_ = 	snop  }
0x8f: {  	[tilespmem:s26], [sflag:$0x1] =	stream.indirect_vreg.gather [hbm4b:s6+s2], $0x80, v3, vm0, $0xb8;
	[tilespmem:$0x18080] =	vst v63  }
0x90: {  	v3 =	vld [tilespmem:$0x20];
	_ =	sdelay $0x4  }
0x91: {  	v4 =	vshrl.u32 v3, $0x3  }
0x92: {  	v4 =	vmul.u32 $0x30, v4  }
0x93: {  	v3 =	vand.u32 $0x7, v3  }
0x94: {  	v3 =	vor.u32 v3, v4  }
0x95: {  	v4 =	vperm.xlane v3, v0;
	_ =	sdelay $0x1  }
0x96: {  	v4 =	vadd.s32 v1, v4;
	_ =	sdelay $0x3  }
0x97: {  	v3 =	vperm.xlane v3, v2  }
0x98: {  	[tilespmem:s28], [sflag:$0x1] =	stream.indirect_vreg.gather [hbm4b:s3+s2], $0x80, v4, vm0, $0xb8;
	[tilespmem:$0x18080] =	vst v63  }
0x99: {  	v3 =	vadd.s32 v1, v3  }
0x9a: {  	[tilespmem:s29], [sflag:$0x1] =	stream.indirect_vreg.gather [hbm4b:s5+s2], $0x80, v4, vm0, $0xb8;
	[tilespmem:$0x18080] =	vst v63  }
0x9b: {  	_ = 	snop  }
0x9c: {  	[tilespmem:s30], [sflag:$0x1] =	stream.indirect_vreg.gather [hbm4b:s6+s2], $0x80, v4, vm0, $0xb8;
	[tilespmem:$0x18080] =	vst v63  }
0x9d: {  	_ = 	snop  }
0x9e: {  	[tilespmem:s31], [sflag:$0x1] =	stream.indirect_vreg.gather [hbm4b:s3+s2], $0x80, v3, vm0, $0xb8;
	[tilespmem:$0x18080] =	vst v63  }
0x9f: {  	_ = 	snop  }
0xa0: {  	[tilespmem:s0], [sflag:$0x1] =	stream.indirect_vreg.gather [hbm4b:s5+s2], $0x80, v3, vm0, $0xb8;
	[tilespmem:$0x18080] =	vst v63  }
0xa1: {  	_ = 	snop  }
0xa2: {  	[tilespmem:s1], [sflag:$0x1] =	stream.indirect_vreg.gather [hbm4b:s6+s2], $0x80, v3, vm0, $0xb8;
	[tilespmem:$0x18080] =	vst v63  }
0xa3: {  	v3 =	vld [tilespmem:$0x30];
	_ =	sdelay $0x4  }
0xa4: {  	v4 =	vshrl.u32 v3, $0x3  }
0xa5: {  	v4 =	vmul.u32 $0x30, v4  }
0xa6: {  	v3 =	vand.u32 $0x7, v3  }
0xa7: {  	v3 =	vor.u32 v3, v4  }
0xa8: {  	v4 =	vperm.xlane v3, v0;
	_ =	sdelay $0x1  }
0xa9: {  	v4 =	vadd.s32 v1, v4;
	_ =	sdelay $0x3  }
0xaa: {  	v3 =	vperm.xlane v3, v2  }
0xab: {  	[tilespmem:s12], [sflag:$0x1] =	stream.indirect_vreg.gather [hbm4b:s3+s2], $0x80, v4, vm0, $0xb8;
	[tilespmem:$0x18080] =	vst v63  }
0xac: {  	v3 =	vadd.s32 v1, v3  }
0xad: {  	[tilespmem:s13], [sflag:$0x1] =	stream.indirect_vreg.gather [hbm4b:s5+s2], $0x80, v4, vm0, $0xb8;
	[tilespmem:$0x18080] =	vst v63  }
0xae: {  	_ = 	snop  }
0xaf: {  	[tilespmem:s15], [sflag:$0x1] =	stream.indirect_vreg.gather [hbm4b:s6+s2], $0x80, v4, vm0, $0xb8;
	[tilespmem:$0x18080] =	vst v63  }
0xb0: {  	_ = 	snop  }
0xb1: {  	[tilespmem:s16], [sflag:$0x1] =	stream.indirect_vreg.gather [hbm4b:s3+s2], $0x80, v3, vm0, $0xb8;
	[tilespmem:$0x18080] =	vst v63  }
0xb2: {  	_ = 	snop  }
0xb3: {  	[tilespmem:s17], [sflag:$0x1] =	stream.indirect_vreg.gather [hbm4b:s5+s2], $0x80, v3, vm0, $0xb8;
	[tilespmem:$0x18080] =	vst v63  }
0xb4: {  	s24 =	simm.s32 $0x0  }
0xb5: {  	[tilespmem:s18], [sflag:$0x1] =	stream.indirect_vreg.gather [hbm4b:s6+s2], $0x80, v3, vm0, $0xb8;
	[tilespmem:$0x18080] =	vst v63  }
0xb6: {  	s20 =	smul.u32 $0x1800, s24;
	_ =	swait.ge [sflag:s14], $0xC000  }
0xb7: {  	s21 =	sand.u32 $0x380, s2;
	[sflag:s14] =	ssyncset.done $0x0  }
0xb8: {  	s20 =	sor.u32 s21, s20;
	[sflag:s14] =	ssyncadd.s32 $0xFFFF4000  }
0xb9: {  	v12 =	vld [tilespmem:s20+$0xC080]  }
0xba: {  	v13 =	vld [tilespmem:s20+$0xC090]  }
0xbb: {  	v14 =	vld [tilespmem:s20+$0xC0A0]  }
0xbc: {  	v15 =	vld [tilespmem:s20+$0xC0B0]  }
0xbd: {  	v16 =	vld [tilespmem:s20+$0xC0C0]  }
0xbe: {  	v17 =	vld [tilespmem:s20+$0xC0D0]  }
0xbf: {  	v18 =	vld [tilespmem:s20+$0xC0E0]  }
0xc0: {  	v19 =	vld [tilespmem:s20+$0xC0F0]  }
0xc1: {  	v20 =	vld [tilespmem:s20+$0xC480]  }
0xc2: {  	v21 =	vld [tilespmem:s20+$0xC490]  }
0xc3: {  	v22 =	vld [tilespmem:s20+$0xC4A0]  }
0xc4: {  	v23 =	vld [tilespmem:s20+$0xC4B0]  }
0xc5: {  	v24 =	vld [tilespmem:s20+$0xC4C0]  }
0xc6: {  	v25 =	vld [tilespmem:s20+$0xC4D0]  }
0xc7: {  	v26 =	vld [tilespmem:s20+$0xC4E0]  }
0xc8: {  	v27 =	vld [tilespmem:s20+$0xC4F0]  }
0xc9: {  	v28 =	vld [tilespmem:s20+$0xC880]  }
0xca: {  	v29 =	vld [tilespmem:s20+$0xC890]  }
0xcb: {  	v30 =	vld [tilespmem:s20+$0xC8A0]  }
0xcc: {  	v31 =	vld [tilespmem:s20+$0xC8B0]  }
0xcd: {  	v32 =	vld [tilespmem:s20+$0xC8C0]  }
0xce: {  	v33 =	vld [tilespmem:s20+$0xC8D0]  }
0xcf: {  	v34 =	vld [tilespmem:s20+$0xC8E0]  }
0xd0: {  	v35 =	vld [tilespmem:s20+$0xC8F0]  }
0xd1: {  	v36 =	vld [tilespmem:s20+$0xCC80]  }
0xd2: {  	v37 =	vld [tilespmem:s20+$0xCC90]  }
0xd3: {  	v38 =	vld [tilespmem:s20+$0xCCA0]  }
0xd4: {  	v39 =	vld [tilespmem:s20+$0xCCB0]  }
0xd5: {  	v40 =	vld [tilespmem:s20+$0xCCC0]  }
0xd6: {  	v41 =	vld [tilespmem:s20+$0xCCD0]  }
0xd7: {  	v42 =	vld [tilespmem:s20+$0xCCE0]  }
0xd8: {  	v43 =	vld [tilespmem:s20+$0xCCF0]  }
0xd9: {  	v44 =	vld [tilespmem:s20+$0xD080]  }
0xda: {  	v45 =	vld [tilespmem:s20+$0xD090]  }
0xdb: {  	v46 =	vld [tilespmem:s20+$0xD0A0]  }
0xdc: {  	v47 =	vld [tilespmem:s20+$0xD0B0]  }
0xdd: {  	v48 =	vld [tilespmem:s20+$0xD0C0]  }
0xde: {  	v49 =	vld [tilespmem:s20+$0xD0D0]  }
0xdf: {  	v50 =	vld [tilespmem:s20+$0xD0E0]  }
0xe0: {  	v11 =	vld [tilespmem:s20+$0xD0F0]  }
0xe1: {  	v10 =	vld [tilespmem:s20+$0xD480]  }
0xe2: {  	v9 =	vld [tilespmem:s20+$0xD490]  }
0xe3: {  	v8 =	vld [tilespmem:s20+$0xD4A0]  }
0xe4: {  	v7 =	vld [tilespmem:s20+$0xD4B0]  }
0xe5: {  	v6 =	vld [tilespmem:s20+$0xD4C0]  }
0xe6: {  	v51 =	vld [tilespmem:s20+$0x80]  }
0xe7: {  	v52 =	vld [tilespmem:s20+$0x90]  }
0xe8: {  	v53 =	vld [tilespmem:s20+$0xA0]  }
0xe9: {  	v54 =	vld [tilespmem:s20+$0xB0]  }
0xea: {  	v55 =	vld [tilespmem:s20+$0xC0]  }
0xeb: {  	v62 =	vld [tilespmem:s20+$0xD0];
	v12 =	vadd.f32 v12, v51  }
0xec: {  	v63 =	vld [tilespmem:s20+$0xE0];
	v13 =	vadd.f32 v13, v52  }
0xed: {  	[tilespmem:s20+$0x80] =	vst v12;
	v12 =	vadd.f32 v14, v53;
	v14 =	vld [tilespmem:s20+$0xF0]  }
0xee: {  	[tilespmem:s20+$0x90] =	vst v13;
	v13 =	vadd.f32 v15, v54;
	v15 =	vld [tilespmem:s20+$0x480]  }
0xef: {  	[tilespmem:s20+$0xA0] =	vst v12;
	v12 =	vadd.f32 v16, v55;
	v16 =	vld [tilespmem:s20+$0x490]  }
0xf0: {  	[tilespmem:s20+$0xB0] =	vst v13;
	v13 =	vadd.f32 v17, v62;
	v17 =	vld [tilespmem:s20+$0x4A0]  }
0xf1: {  	v5 =	vld [tilespmem:s20+$0xD4D0]  }
0xf2: {  	[tilespmem:s20+$0xC0] =	vst v12;
	v12 =	vadd.f32 v18, v63;
	v18 =	vld [tilespmem:s20+$0x4F0]  }
0xf3: {  	[tilespmem:s20+$0xD0] =	vst v13;
	v13 =	vadd.f32 v19, v14;
	v14 =	vld [tilespmem:s20+$0x4B0]  }
0xf4: {  	[tilespmem:s20+$0xE0] =	vst v12;
	v12 =	vadd.f32 v20, v15;
	v15 =	vld [tilespmem:s20+$0x4C0]  }
0xf5: {  	[tilespmem:s20+$0xF0] =	vst v13;
	v13 =	vadd.f32 v21, v16;
	v16 =	vadd.f32 v22, v17;
	v17 =	vld [tilespmem:s20+$0x4E0]  }
0xf6: {  	[tilespmem:s20+$0x480] =	vst v12;
	v12 =	vld [tilespmem:s20+$0x4D0]  }
0xf7: {  	[tilespmem:s20+$0x490] =	vst v13;
	v13 =	vld [tilespmem:s20+$0x880];
	v18 =	vadd.f32 v27, v18  }
0xf8: {  	[tilespmem:s20+$0x4A0] =	vst v16;
	v16 =	vld [tilespmem:s20+$0x890];
	v14 =	vadd.f32 v23, v14  }
0xf9: {  	v4 =	vld [tilespmem:s20+$0xD4E0];
	v15 =	vadd.f32 v24, v15;
	[tilespmem:s20+$0x4F0] =	vst v18  }
0xfa: {  	[tilespmem:s20+$0x4B0] =	vst v14;
	v14 =	vld [tilespmem:s20+$0x8A0];
	v17 =	vadd.f32 v26, v17  }
0xfb: {  	v12 =	vadd.f32 v25, v12;
	[tilespmem:s20+$0x4C0] =	vst v15;
	v15 =	vld [tilespmem:s20+$0x8B0]  }
0xfc: {  	v18 =	vld [tilespmem:s20+$0x8F0];
	[tilespmem:s20+$0x4E0] =	vst v17;
	v13 =	vadd.f32 v28, v13  }
0xfd: {  	v16 =	vadd.f32 v29, v16;
	[tilespmem:s20+$0x4D0] =	vst v12;
	v12 =	vld [tilespmem:s20+$0x8C0]  }
0xfe: {  	v17 =	vld [tilespmem:s20+$0x8D0];
	[tilespmem:s20+$0x880] =	vst v13  }
0xff: {  	[tilespmem:s20+$0x890] =	vst v16;
	v16 =	vld [tilespmem:s20+$0x8E0];
	v13 =	vadd.f32 v30, v14  }
0x100: {  	v14 =	vld [tilespmem:s20+$0xC80];
	v15 =	vadd.f32 v31, v15  }
0x101: {  	[tilespmem:s20+$0x8A0] =	vst v13;
	v13 =	vld [tilespmem:s20+$0xC90]  }
0x102: {  	v12 =	vadd.f32 v32, v12;
	[tilespmem:s20+$0x8B0] =	vst v15;
	v15 =	vld [tilespmem:s20+$0xCA0]  }
0x103: {  	v3 =	vld [tilespmem:s20+$0xD4F0];
	v17 =	vadd.f32 v33, v17  }
0x104: {  	v16 =	vadd.f32 v34, v16;
	[tilespmem:s20+$0x8C0] =	vst v12;
	v12 =	vld [tilespmem:s20+$0xCB0]  }
0x105: {  	[tilespmem:s20+$0x8D0] =	vst v17;
	v17 =	vld [tilespmem:s20+$0xCC0];
	v14 =	vadd.f32 v36, v14  }
0x106: {  	v18 =	vadd.f32 v35, v18;
	[tilespmem:s20+$0x8E0] =	vst v16;
	v16 =	vld [tilespmem:s20+$0xCD0]  }
0x107: {  	v13 =	vadd.f32 v37, v13;
	[tilespmem:s20+$0xC80] =	vst v14;
	v14 =	vadd.f32 v38, v15;
	v15 =	vld [tilespmem:s20+$0xCE0]  }
0x108: {  	[tilespmem:s20+$0x8F0] =	vst v18;
	v18 =	vld [tilespmem:s20+$0xCF0]  }
0x109: {  	[tilespmem:s20+$0xC90] =	vst v13;
	v13 =	vld [tilespmem:s20+$0x1080];
	v12 =	vadd.f32 v39, v12  }
0x10a: {  	v17 =	vadd.f32 v40, v17;
	[tilespmem:s20+$0xCA0] =	vst v14;
	v14 =	vld [tilespmem:s20+$0x1090]  }
0x10b: {  	v16 =	vadd.f32 v41, v16;
	[tilespmem:s20+$0xCB0] =	vst v12;
	v12 =	vld [tilespmem:s20+$0x10A0]  }
0x10c: {  	[tilespmem:s20+$0xCC0] =	vst v17;
	v17 =	vld [tilespmem:s20+$0x10B0];
	v15 =	vadd.f32 v42, v15  }
0x10d: {  	v19 =	vld [tilespmem:s20+$0x10C0];
	[tilespmem:s20+$0xCD0] =	vst v16;
	v16 =	vadd.f32 v43, v18  }
0x10e: {  	v18 =	vld [tilespmem:s20+$0x10D0];
	v13 =	vadd.f32 v44, v13;
	[tilespmem:s20+$0xCE0] =	vst v15  }
0x10f: {  	v20 =	vld [tilespmem:s20+$0x10E0];
	[tilespmem:s20+$0xCF0] =	vst v16;
	v14 =	vadd.f32 v45, v14  }
0x110: {  	v16 =	vld [tilespmem:s20+$0x10F0];
	[tilespmem:s20+$0x1080] =	vst v13;
	v12 =	vadd.f32 v46, v12  }
0x111: {  	v15 =	vld [tilespmem:s20+$0x1480];
	v13 =	vadd.f32 v47, v17;
	[tilespmem:s20+$0x1090] =	vst v14  }
0x112: {  	v14 =	vld [tilespmem:s20+$0x1490];
	[tilespmem:s20+$0x10A0] =	vst v12;
	v12 =	vadd.f32 v48, v19  }
0x113: {  	[tilespmem:s20+$0x10B0] =	vst v13;
	v13 =	vld [tilespmem:s20+$0x14A0];
	v18 =	vadd.f32 v49, v18  }
0x114: {  	s21 =	simm.s32 $0x1;
	s22 =	simm.s32 $0x0;
	v17 =	vadd.f32 v50, v20;
	[tilespmem:s20+$0x10C0] =	vst v12;
	v12 =	vld [tilespmem:s20+$0x14B0]  }
.LBB2_2:
0x115: {  	s23 =	sshrl.u32 s21, $0x3;
	p0 =	sne.s32 s21, $0x3F;
	[tilespmem:s20+$0x10D0] =	vst v18;
	v11 =	vadd.f32 v11, v16;
	v16 =	vld [tilespmem:s20+$0x14C0]  }
0x116: {  	s22 =	sadd.s32 $0x80, s22;
	s23 =	smul.u32 $0x1800, s23;
	[tilespmem:s20+$0x10E0] =	vst v17;
	v10 =	vadd.f32 v10, v15;
	v15 =	vld [tilespmem:s20+$0x14D0]  }
0x117: {  	s24 =	sand.u32 $0x380, s22;
	[tilespmem:s20+$0x10F0] =	vst v11;
	v9 =	vadd.f32 v9, v14;
	v11 =	vld [tilespmem:s20+$0x14E0]  }
0x118: {  	s23 =	sor.u32 s24, s23;
	[tilespmem:s20+$0x1480] =	vst v10;
	v8 =	vadd.f32 v8, v13;
	v10 =	vld [tilespmem:s20+$0x14F0]  }
0x119: {  	v39 =	vld [tilespmem:s23+$0xC080];
	[tilespmem:s20+$0x1490] =	vst v9;
	v7 =	vadd.f32 v7, v12  }
0x11a: {  	v40 =	vld [tilespmem:s23+$0xC090];
	[tilespmem:s20+$0x14A0] =	vst v8;
	v6 =	vadd.f32 v6, v16  }
0x11b: {  	v41 =	vld [tilespmem:s23+$0xC0A0];
	[tilespmem:s20+$0x14B0] =	vst v7;
	v5 =	vadd.f32 v5, v15  }
0x11c: {  	v42 =	vld [tilespmem:s23+$0xC0B0];
	[tilespmem:s20+$0x14C0] =	vst v6;
	v4 =	vadd.f32 v4, v11  }
0x11d: {  	v43 =	vld [tilespmem:s23+$0xC0C0];
	[tilespmem:s20+$0x14D0] =	vst v5;
	v3 =	vadd.f32 v3, v10  }
0x11e: {  	v44 =	vld [tilespmem:s23+$0xC0D0];
	[tilespmem:s20+$0x14E0] =	vst v4  }
0x11f: {  	v45 =	vld [tilespmem:s23+$0xC0E0];
	[tilespmem:s20+$0x14F0] =	vst v3;
	s20 =	smov.u32 s23  }
0x120: {  	v46 =	vld [tilespmem:s20+$0xC0F0]  }
0x121: {  	v47 =	vld [tilespmem:s20+$0xC480]  }
0x122: {  	v48 =	vld [tilespmem:s20+$0xC490]  }
0x123: {  	v49 =	vld [tilespmem:s20+$0xC4A0]  }
0x124: {  	v50 =	vld [tilespmem:s20+$0xC4B0]  }
0x125: {  	v38 =	vld [tilespmem:s20+$0xC4C0]  }
0x126: {  	v37 =	vld [tilespmem:s20+$0xC4D0]  }
0x127: {  	v36 =	vld [tilespmem:s20+$0xC4E0]  }
0x128: {  	v35 =	vld [tilespmem:s20+$0xC4F0]  }
0x129: {  	v34 =	vld [tilespmem:s20+$0xC880]  }
0x12a: {  	v33 =	vld [tilespmem:s20+$0xC890]  }
0x12b: {  	v32 =	vld [tilespmem:s20+$0xC8A0]  }
0x12c: {  	v31 =	vld [tilespmem:s20+$0xC8B0]  }
0x12d: {  	v30 =	vld [tilespmem:s20+$0xC8C0]  }
0x12e: {  	v29 =	vld [tilespmem:s20+$0xC8D0]  }
0x12f: {  	v28 =	vld [tilespmem:s20+$0xC8E0]  }
0x130: {  	v27 =	vld [tilespmem:s20+$0xC8F0]  }
0x131: {  	v26 =	vld [tilespmem:s20+$0xCC80]  }
0x132: {  	v25 =	vld [tilespmem:s20+$0xCC90]  }
0x133: {  	v24 =	vld [tilespmem:s20+$0xCCA0]  }
0x134: {  	v23 =	vld [tilespmem:s20+$0xCCB0]  }
0x135: {  	v22 =	vld [tilespmem:s20+$0xCCC0]  }
0x136: {  	v21 =	vld [tilespmem:s20+$0xCCD0]  }
0x137: {  	v20 =	vld [tilespmem:s20+$0xCCE0]  }
0x138: {  	v19 =	vld [tilespmem:s20+$0xCCF0]  }
0x139: {  	v18 =	vld [tilespmem:s20+$0xD080]  }
0x13a: {  	v17 =	vld [tilespmem:s20+$0xD090]  }
0x13b: {  	v16 =	vld [tilespmem:s20+$0xD0A0]  }
0x13c: {  	v15 =	vld [tilespmem:s20+$0xD0B0]  }
0x13d: {  	v14 =	vld [tilespmem:s20+$0xD0C0]  }
0x13e: {  	v13 =	vld [tilespmem:s20+$0xD0D0]  }
0x13f: {  	v12 =	vld [tilespmem:s20+$0xD0E0]  }
0x140: {  	v11 =	vld [tilespmem:s20+$0xD0F0]  }
0x141: {  	v10 =	vld [tilespmem:s20+$0xD480]  }
0x142: {  	v9 =	vld [tilespmem:s20+$0xD490]  }
0x143: {  	v8 =	vld [tilespmem:s20+$0xD4A0]  }
0x144: {  	v7 =	vld [tilespmem:s20+$0xD4B0]  }
0x145: {  	v6 =	vld [tilespmem:s20+$0xD4C0]  }
0x146: {  	v5 =	vld [tilespmem:s20+$0xD4D0]  }
0x147: {  	v4 =	vld [tilespmem:s20+$0xD4E0]  }
0x148: {  	v3 =	vld [tilespmem:s20+$0xD4F0]  }
0x149: {  	v51 =	vld [tilespmem:s20+$0x80]  }
0x14a: {  	v52 =	vld [tilespmem:s20+$0x90]  }
0x14b: {  	v53 =	vld [tilespmem:s20+$0xA0]  }
0x14c: {  	v54 =	vld [tilespmem:s20+$0xB0]  }
0x14d: {  	v55 =	vld [tilespmem:s20+$0xC0]  }
0x14e: {  	v39 =	vadd.f32 v39, v51;
	v51 =	vld [tilespmem:s20+$0xD0]  }
0x14f: {  	v40 =	vadd.f32 v40, v52;
	v52 =	vld [tilespmem:s20+$0xE0]  }
0x150: {  	[tilespmem:s20+$0x80] =	vst v39;
	v39 =	vadd.f32 v41, v53;
	v41 =	vld [tilespmem:s20+$0xF0]  }
0x151: {  	[tilespmem:s20+$0x90] =	vst v40;
	v40 =	vadd.f32 v42, v54;
	v42 =	vld [tilespmem:s20+$0x480]  }
0x152: {  	[tilespmem:s20+$0xA0] =	vst v39;
	v39 =	vadd.f32 v43, v55;
	v43 =	vld [tilespmem:s20+$0x490]  }
0x153: {  	[tilespmem:s20+$0xB0] =	vst v40;
	v40 =	vadd.f32 v44, v51;
	v44 =	vld [tilespmem:s20+$0x4A0]  }
0x154: {  	[tilespmem:s20+$0xC0] =	vst v39;
	v39 =	vadd.f32 v45, v52;
	v45 =	vld [tilespmem:s20+$0x4B0]  }
0x155: {  	[tilespmem:s20+$0xD0] =	vst v40;
	v40 =	vadd.f32 v46, v41;
	v41 =	vld [tilespmem:s20+$0x4C0]  }
0x156: {  	[tilespmem:s20+$0xE0] =	vst v39;
	v39 =	vadd.f32 v47, v42;
	v42 =	vld [tilespmem:s20+$0x4D0]  }
0x157: {  	[tilespmem:s20+$0xF0] =	vst v40;
	v40 =	vadd.f32 v48, v43;
	v43 =	vld [tilespmem:s20+$0x4E0]  }
0x158: {  	[tilespmem:s20+$0x480] =	vst v39;
	v39 =	vadd.f32 v49, v44;
	v44 =	vld [tilespmem:s20+$0x4F0]  }
0x159: {  	[tilespmem:s20+$0x490] =	vst v40;
	v40 =	vadd.f32 v50, v45;
	v45 =	vld [tilespmem:s20+$0x880]  }
0x15a: {  	[tilespmem:s20+$0x4A0] =	vst v39;
	v38 =	vadd.f32 v38, v41;
	v39 =	vld [tilespmem:s20+$0x890]  }
0x15b: {  	[tilespmem:s20+$0x4B0] =	vst v40;
	v37 =	vadd.f32 v37, v42;
	v40 =	vld [tilespmem:s20+$0x8A0]  }
0x15c: {  	[tilespmem:s20+$0x4C0] =	vst v38;
	v36 =	vadd.f32 v36, v43;
	v38 =	vld [tilespmem:s20+$0x8B0]  }
0x15d: {  	[tilespmem:s20+$0x4D0] =	vst v37;
	v35 =	vadd.f32 v35, v44;
	v37 =	vld [tilespmem:s20+$0x8C0]  }
0x15e: {  	[tilespmem:s20+$0x4E0] =	vst v36;
	v34 =	vadd.f32 v34, v45;
	v36 =	vld [tilespmem:s20+$0x8D0]  }
0x15f: {  	[tilespmem:s20+$0x4F0] =	vst v35;
	v33 =	vadd.f32 v33, v39;
	v35 =	vld [tilespmem:s20+$0x8E0]  }
0x160: {  	[tilespmem:s20+$0x880] =	vst v34;
	v32 =	vadd.f32 v32, v40;
	v34 =	vld [tilespmem:s20+$0x8F0]  }
0x161: {  	[tilespmem:s20+$0x890] =	vst v33;
	v31 =	vadd.f32 v31, v38;
	v33 =	vld [tilespmem:s20+$0xC80]  }
0x162: {  	[tilespmem:s20+$0x8A0] =	vst v32;
	v30 =	vadd.f32 v30, v37;
	v32 =	vld [tilespmem:s20+$0xC90]  }
0x163: {  	[tilespmem:s20+$0x8B0] =	vst v31;
	v29 =	vadd.f32 v29, v36;
	v31 =	vld [tilespmem:s20+$0xCA0]  }
0x164: {  	[tilespmem:s20+$0x8C0] =	vst v30;
	v28 =	vadd.f32 v28, v35;
	v30 =	vld [tilespmem:s20+$0xCB0]  }
0x165: {  	[tilespmem:s20+$0x8D0] =	vst v29;
	v27 =	vadd.f32 v27, v34;
	v29 =	vld [tilespmem:s20+$0xCC0]  }
0x166: {  	[tilespmem:s20+$0x8E0] =	vst v28;
	v26 =	vadd.f32 v26, v33;
	v28 =	vld [tilespmem:s20+$0xCD0]  }
0x167: {  	[tilespmem:s20+$0x8F0] =	vst v27;
	v25 =	vadd.f32 v25, v32;
	v27 =	vld [tilespmem:s20+$0xCE0]  }
0x168: {  	[tilespmem:s20+$0xC80] =	vst v26;
	v24 =	vadd.f32 v24, v31;
	v26 =	vld [tilespmem:s20+$0xCF0]  }
0x169: {  	[tilespmem:s20+$0xC90] =	vst v25;
	v23 =	vadd.f32 v23, v30;
	v25 =	vld [tilespmem:s20+$0x1080]  }
0x16a: {  	[tilespmem:s20+$0xCA0] =	vst v24;
	v22 =	vadd.f32 v22, v29;
	v24 =	vld [tilespmem:s20+$0x1090]  }
0x16b: {  	[tilespmem:s20+$0xCB0] =	vst v23;
	v21 =	vadd.f32 v21, v28;
	v23 =	vld [tilespmem:s20+$0x10A0]  }
0x16c: {  	[tilespmem:s20+$0xCC0] =	vst v22;
	v20 =	vadd.f32 v20, v27;
	v22 =	vld [tilespmem:s20+$0x10B0]  }
0x16d: {  	[tilespmem:s20+$0xCD0] =	vst v21;
	v19 =	vadd.f32 v19, v26;
	v21 =	vld [tilespmem:s20+$0x10C0]  }
0x16e: {  	[tilespmem:s20+$0xCE0] =	vst v20;
	v18 =	vadd.f32 v18, v25;
	v20 =	vld [tilespmem:s20+$0x10D0]  }
0x16f: {  	[tilespmem:s20+$0xCF0] =	vst v19;
	v17 =	vadd.f32 v17, v24;
	v19 =	vld [tilespmem:s20+$0x10E0]  }
.Ltmp0:
0x170: {  	[tilespmem:s20+$0x1080] =	vst v18;
	v18 =	vadd.f32 v16, v23;
	v16 =	vld [tilespmem:s20+$0x10F0];
	(pc) =	sbr.rel @p0 .LBB2_2-.Ltmp0, $4  }
0x171: {  	[tilespmem:s20+$0x1090] =	vst v17;
	v17 =	vadd.f32 v15, v22;
	v15 =	vld [tilespmem:s20+$0x1480]  }
0x172: {  	[tilespmem:s20+$0x10A0] =	vst v18;
	v21 =	vadd.f32 v14, v21;
	v14 =	vld [tilespmem:s20+$0x1490]  }
0x173: {  	[tilespmem:s20+$0x10B0] =	vst v17;
	v18 =	vadd.f32 v13, v20;
	v13 =	vld [tilespmem:s20+$0x14A0]  }
0x174: {  	s21 =	sadd.s32 $0x1, s21;
	[tilespmem:s20+$0x10C0] =	vst v21;
	v17 =	vadd.f32 v12, v19;
	v12 =	vld [tilespmem:s20+$0x14B0]  }
0x175: {  	[tilespmem:s20+$0x10D0] =	vst v18;
	v60 =	vld [tilespmem:s20+$0x14C0];
	v11 =	vadd.f32 v11, v16  }
0x176: {  	v61 =	vld [tilespmem:s20+$0x14D0];
	[tilespmem:s20+$0x10E0] =	vst v17;
	v10 =	vadd.f32 v10, v15  }
0x177: {  	v62 =	vld [tilespmem:s20+$0x14E0];
	[tilespmem:s20+$0x10F0] =	vst v11;
	v9 =	vadd.f32 v9, v14  }
0x178: {  	v63 =	vld [tilespmem:s20+$0x14F0];
	[tilespmem:s20+$0x1480] =	vst v10;
	v8 =	vadd.f32 v8, v13  }
0x179: {  	[tilespmem:s20+$0x1490] =	vst v9;
	v7 =	vadd.f32 v7, v12  }
0x17a: {  	[tilespmem:s20+$0x14A0] =	vst v8;
	v6 =	vadd.f32 v6, v60  }
0x17b: {  	v5 =	vadd.f32 v5, v61;
	[tilespmem:s20+$0x14B0] =	vst v7  }
0x17c: {  	v4 =	vadd.f32 v4, v62;
	[tilespmem:s20+$0x14C0] =	vst v6  }
0x17d: {  	s19 =	sadd.s32 $0x1, s19;
	v3 =	vadd.f32 v3, v63;
	[tilespmem:s20+$0x14D0] =	vst v5  }
0x17e: {  	p0 =	sne.s32 s19, s9;
	[tilespmem:s20+$0x14E0] =	vst v4  }
.Ltmp1:
0x17f: {  	[tilespmem:s20+$0x14F0] =	vst v3;
	(pc) =	sbr.rel @p0 .LBB2_1-.Ltmp1, $4  }
0x180: {  	[hbm4b:s8+s2] =	stream.linear.scatter [tilespmem:s11], [sflag:$0x2], $0xC000, $0x38;
	[tilespmem:$0x18080] =	vst v63  }
0x181: {  	_ =	swait.ge [sflag:s10], $0xC000  }
0x182: {  	[sflag:s10] =	ssyncset.done $0x0  }
0x183: {  	[sflag:s10] =	ssyncadd.s32 $0xFFFF4000  }
0x184: {  	_ =	sfence.sel $0x180000  }
0x185: {  	[bflag:$0x0] =	sbarrier.arrive $0xFFFF  }
0x186: {  	_ =	strace $0x9000004D  }
0x187: {  	s0 =	stileid.u32;
	[bflag:$0x2] =	sbarrier.arrive $0xFFFF  }
0x188: {  	p0 =	sne.s32 s0, $0x0;
	s0 =	rddreg [dreg:$0x2]  }
0x189: {  	s0 =	sadd.s32 @!p0 $0x100000, s0  }
0x18a: {  	[sflag:s0] =	ssyncadd.tile.s32 @!p0 $0x1;
	_ =	shalt  }
.Lfunc_end2:
_tile_overlayer_lowered:
.L_overlay_start_2:
0x18b: {  	(tag) =	ssettag $0x2  }
0x18c: {  	s0 =	rddreg [dreg:$0x0];
	s2 =	stileid.u32  }
0x18d: {  	s1 =	rddreg [dreg:$0x1];
	p0 =	sne.s32 s2, $0x0  }
0x18e: {  	s3 =	rddreg [dreg:$0x2];
	[bflag:$0x3] =	sbarrier.arrive $0xFFFF;
	s2 =	simm.s32 @!p0 $0x1C02  }
0x18f: {  	[timem:s3], [sflag:s2] =	dma.local @!p0 [hbm:s0], s1  }
0x190: {  	s0 =	simm.s32 @!p0 $0x2  }
0x191: {  	_ =	swait.ge @!p0 [sflag:s0], s1  }
0x192: {  	s1 =	ssub.s32 @!p0 $0x0, s1;
	[sflag:s0] =	ssyncset.done @!p0 $0x0  }
0x193: {  	[sflag:s0] =	ssyncadd.s32 @!p0 s1  }
0x194: {  	[bflag:$0x3] =	sbarrier.arrive $0xFFFF  }
0x195: {  	_ =	shalt  }

// kernel: kernel.6.cloned.1.call-start
scs
__scs_entry_jumppad:
0x0: {  	(pc) =	sbr.rel $0x88, $3  }
0x1: {  	(tag) =	ssettag $0x0;
	lr =	simm.s32 $0x1  }
0x2: {  	[smem:$0x3F9D] =	sst lr;
	_ =	strace $0xD0000000  }
0x3: {  	_ = 	snop  }
0x4: {  	_ = 	snop  }
0x5: {  	_ = 	snop  }
0x6: {  	_ = 	snop  }
0x7: {  	_ = 	snop  }
__scs_overlays_trampoline_lowered:
0x8: {  	[smem:$0x3FAC] =	sst s0  }
0x9: {  	[smem:$0x3FAD] =	sst s1  }
0xa: {  	[smem:$0x3FAE] =	sst s2  }
0xb: {  	[smem:$0x3FAF] =	sst s3  }
0xc: {  	[smem:$0x3FB0] =	sst s4  }
0xd: {  	[smem:$0x3FB1] =	sst s5  }
0xe: {  	[smem:$0x3FB2] =	sst s6  }
0xf: {  	[smem:$0x3FB3] =	sst s7  }
0x10: {  	[smem:$0x3FB4] =	sst s8  }
0x11: {  	[smem:$0x3FB5] =	sst s9;
	s0 =	simm.s32 @!p0 $0x0  }
0x12: {  	s1 =	sld [smem:$0x3F9B];
	s0 =	simm.s32 @p0 $0x1  }
0x13: {  	[smem:$0x3FB6] =	sst s0;
	s0 =	simm.s32 @!p1 $0x0  }
0x14: {  	s2 =	sld [smem:$0x3F9A];
	s0 =	simm.s32 @p1 $0x1  }
0x15: {  	[smem:$0x3FB7] =	sst s0;
	s0 =	simm.s32 @!p2 $0x0  }
0x16: {  	s3 =	sld [smem:$0x3FDB];
	s0 =	simm.s32 @p2 $0x1  }
0x17: {  	s4 =	simm.s32 $0x1BF5;
	[smem:$0x3FB9] =	sst s0  }
0x18: {  	s0 =	sld [smem:$0x3F9C];
	_ =	swait.ge [sflag:s4], $0x0  }
0x19: {  	s7 =	sld [smem:$0x3F9D]  }
0x1a: {  	s8 =	sadd.s32 $0xFFFFE003, lr  }
0x1b: {  	s9 =	sadd.s32 $0xFFFFFEF7, lr;
	s5 =	simm.s32 $0xFFFFFFFF;
	p2 =	slt.u32 s8, $0xFFFFF086  }
0x1c: {  	p1 =	slt.u32 s9, $0xF7A;
	s5 =	simm.s32 @!p2 $0x0  }
0x1d: {  	s5 =	simm.s32 @p1 $0x1;
	p0 =	seq.s32 s7, s2  }
0x1e: {  	s7 =	smul.u32 @!p0 $0xF7A, s2;
	p2 =	seq.s32 @!p0 s5, $0x0  }
0x1f: {  	s9 =	smul.u32 $0xF7A, s1;
	s8 =	simm.s32 @!p0 $0x1BF5;
	p2 =	por !p2, p0  }
0x20: {  	[sflag:s8] =	ssyncset.s32 @!p0 $0xFFFFF086;
	s6 =	sadd.s32 @!p0 s3, s7;
	s7 =	simm.s32 @!p0 $0x108  }
0x21: {  	s3 =	sadd.s32 s3, s9;
	s6 =	sadd.s32 @!p0 $0x88, s6;
	s7 =	simm.s32 @p2 $0x1082  }
0x22: {  	[simem:s7], [sflag:s8] =	dma.local @!p0 [hbm:s6], $0xF7A  }
0x23: {  	s9 =	sor.u32 $0xD0000000, s2;
	s6 =	simm.s32 $0x108;
	_ =	swait.ge @!p0 [sflag:s8], $0x0  }
0x24: {  	s3 =	sadd.s32 $0x88, s3;
	s6 =	simm.s32 @!p1 $0x1082;
	[sflag:s4] =	ssyncset.s32 $0xFFFFF086  }
0x25: {  	[simem:s6], [sflag:s4] =	dma.local [hbm:s3], $0xF7A  }
0x26: {  	[smem:$0x3F9D] =	sst s1;
	(tag) =	ssettag s2;
	_ =	strace s9  }
0x27: {  	s1 =	sld [smem:$0x3FAD]  }
0x28: {  	s2 =	sld [smem:$0x3FAE]  }
0x29: {  	s4 =	sld [smem:$0x3FB0]  }
0x2a: {  	p0 =	seq.s32 s5, $0x0;
	s5 =	sld [smem:$0x3FB1]  }
0x2b: {  	s6 =	sld [smem:$0x3FB2]  }
0x2c: {  	s7 =	sld [smem:$0x3FB3]  }
0x2d: {  	s3 =	simm.s32 $0x108;
	s8 =	sld [smem:$0x3FB4]  }
0x2e: {  	s3 =	simm.s32 @!p0 $0x1082;
	s9 =	sld [smem:$0x3FB5]  }
0x2f: {  	lr =	sadd.s32 s0, s3;
	s0 =	sld [smem:$0x3FAC]  }
0x30: {  	s3 =	sld [smem:$0x3FAF]  }
0x31: {  	[smem:$0x3FB8] =	sst s10  }
0x32: {  	s10 =	sld [smem:$0x3FB6];
	_ =	sdelay $0x3  }
0x33: {  	p0 =	seq.s32 s10, $0x1;
	s10 =	sld [smem:$0x3FB8];
	_ =	sdelay $0x3  }
0x34: {  	[smem:$0x3FB8] =	sst s10  }
0x35: {  	s10 =	sld [smem:$0x3FB7];
	_ =	sdelay $0x3  }
0x36: {  	p1 =	seq.s32 s10, $0x1;
	s10 =	sld [smem:$0x3FB8];
	_ =	sdelay $0x3  }
0x37: {  	[smem:$0x3FB8] =	sst s10  }
0x38: {  	s10 =	sld [smem:$0x3FB9]  }
0x39: {  	_ = 	snop;
	(pc) =	sbr.ind lr, $3  }
0x3a: {  	_ = 	snop  }
0x3b: {  	_ = 	snop  }
0x3c: {  	p2 =	seq.s32 s10, $0x1;
	s10 =	sld [smem:$0x3FB8]  }
0x3d: {  	_ =	shalt  }
0x3e: {  	_ =	shalt  }
0x3f: {  	_ =	shalt  }
0x40: {  	_ =	shalt  }
0x41: {  	_ =	shalt  }
0x42: {  	_ =	shalt  }
0x43: {  	_ =	shalt  }
0x44: {  	_ =	shalt  }
0x45: {  	_ =	shalt  }
0x46: {  	_ =	shalt  }
0x47: {  	_ =	shalt  }
0x48: {  	_ =	shalt  }
0x49: {  	_ =	shalt  }
0x4a: {  	_ =	shalt  }
0x4b: {  	_ =	shalt  }
0x4c: {  	_ =	shalt  }
0x4d: {  	_ =	shalt  }
0x4e: {  	_ =	shalt  }
0x4f: {  	_ =	shalt  }
0x50: {  	_ =	shalt  }
0x51: {  	_ =	shalt  }
0x52: {  	_ =	shalt  }
0x53: {  	_ =	shalt  }
0x54: {  	_ =	shalt  }
0x55: {  	_ =	shalt  }
0x56: {  	_ =	shalt  }
0x57: {  	_ =	shalt  }
0x58: {  	_ =	shalt  }
0x59: {  	_ =	shalt  }
0x5a: {  	_ =	shalt  }
0x5b: {  	_ =	shalt  }
0x5c: {  	_ =	shalt  }
0x5d: {  	_ =	shalt  }
0x5e: {  	_ =	shalt  }
0x5f: {  	_ =	shalt  }
0x60: {  	_ =	shalt  }
0x61: {  	_ =	shalt  }
0x62: {  	_ =	shalt  }
0x63: {  	_ =	shalt  }
0x64: {  	_ =	shalt  }
0x65: {  	_ =	shalt  }
0x66: {  	_ =	shalt  }
0x67: {  	_ =	shalt  }
0x68: {  	_ =	shalt  }
0x69: {  	_ =	shalt  }
0x6a: {  	_ =	shalt  }
0x6b: {  	_ =	shalt  }
0x6c: {  	_ =	shalt  }
0x6d: {  	_ =	shalt  }
0x6e: {  	_ =	shalt  }
0x6f: {  	_ =	shalt  }
0x70: {  	_ =	shalt  }
0x71: {  	_ =	shalt  }
0x72: {  	_ =	shalt  }
0x73: {  	_ =	shalt  }
0x74: {  	_ =	shalt  }
0x75: {  	_ =	shalt  }
0x76: {  	_ =	shalt  }
0x77: {  	_ =	shalt  }
0x78: {  	_ =	shalt  }
0x79: {  	_ =	shalt  }
0x7a: {  	_ =	shalt  }
0x7b: {  	_ =	shalt  }
0x7c: {  	_ =	shalt  }
0x7d: {  	_ =	shalt  }
0x7e: {  	_ =	shalt  }
0x7f: {  	_ =	shalt  }
0x80: {  	_ =	shalt  }
0x81: {  	_ =	shalt  }
0x82: {  	_ =	shalt  }
0x83: {  	_ =	shalt  }
0x84: {  	_ =	shalt  }
0x85: {  	_ =	shalt  }
0x86: {  	_ =	shalt  }
0x87: {  	_ =	shalt  }
.Lfunc_end0:
.L_simem_size_0:
called_computation_lowered:
.L_overlay_start_0:
0x88: {  	s2 =	sld [smem:$0x3FD9]  }
0x89: {  	s3 =	sld [smem:$0x3FFE];
	_ =	sdelay $0x1  }
0x8a: {  	s1 =	srdreg.scid  }
0x8b: {  	s0 =	sand.u32 $0x1, s1  }
0x8c: {  	s17 =	sshll.u32 s0, $0xA;
	s2 =	sadd.s32 s3, s2  }
0x8d: {  	s2 =	sadd.s32 s2, s17  }
0x8e: {  	[smem:$0x3FC4] =	sst s2  }
0x8f: {  	_ = 	snop  }
0x90: {  	s2 =	sld [smem:$0x3FC6]  }
0x91: {  	s18 =	sld [smem:$0x3FD0];
	(tm) =	ssettm $0x1  }
0x92: {  	s4 =	sld [smem:$0x3FFB];
	_ =	sdelay $0x3  }
0x93: {  	_ =	strace s4  }
0x94: {  	s4 =	sld [smem:$0x3FFC];
	_ =	sdelay $0x3  }
0x95: {  	_ =	strace s4  }
0x96: {  	s4 =	sld [smem:$0x3FFD];
	_ =	sdelay $0x3  }
0x97: {  	_ =	strace s4  }
0x98: {  	_ =	strace $0x8FFFFFFF  }
0x99: {  	s19 =	sld [smem:$0x3FDB];
	_ =	sdelay $0x1  }
0x9a: {  	s5 =	simm.s32 $_scs_section_size  }
0x9b: {  	s6 =	simm.s32 $_size__tile_overlayer_lowered;
	s7 =	simm.s32 $_tile_overlayer_lowered  }
0x9c: {  	s22 =	simm.s32 $0x1BFF;
	s21 =	sshll.u32 s7, $0x1;
	s4 =	sadd.s32 s5, s19  }
0x9d: {  	s8 =	simm.s32 $0x0;
	s20 =	sshll.u32 s6, $0x1;
	s6 =	sadd.s32 s21, s4  }
0x9e: {  	[timem:s8], [sflag:s22] =	dma.local [hbm:s6], s20  }
0x9f: {  	_ =	swait.ge [sflag:s22], s20  }
0xa0: {  	s5 =	ssub.s32 $0x0, s20;
	[sflag:s22] =	ssyncset.done $0x0  }
0xa1: {  	[sflag:s22] =	ssyncadd.s32 s5;
	_ =	sdelay $0x1  }
0xa2: {  	s23 =	simm.s32 $0x1B8B  }
0xa3: {  	_ =	swait.ge [sflag:s23], $0x1  }
0xa4: {  	[sflag:s23] =	ssyncset.done $0x0  }
0xa5: {  	s25 =	simm.s32 $0x1B8E;
	s24 =	sld [smem:$0x3FFE];
	[sflag:s23] =	ssyncadd.s32 $0xFFFFFFFF  }
0xa6: {  	s26 =	simm.s32 $execute0_lowered;
	[smem:$0x3FD2] =	sst s25  }
0xa7: {  	s6 =	sshll.u32 s26, $0x1;
	_ =	strace $0x80000046;
	[dreg:$0x1] =	wrdreg $0xFFFFFFFF  }
0xa8: {  	s28 =	simm.s32 $_size_execute0_lowered;
	s4 =	sadd.s32 s4, s6;
	[dreg:$0x0] =	wrdreg $0x0  }
0xa9: {  	s6 =	sshll.u32 s28, $0x1;
	[dreg:$0x2] =	wrdreg s4  }
0xaa: {  	[dreg:$0x3] =	wrdreg s6  }
0xab: {  	[dreg:$0x4] =	wrdreg $0xC0  }
0xac: {  	_ =	task [dreg:s8], $0x5FFFF  }
0xad: {  	[dreg:$0x1] =	wrdreg $0xFFFFFFFF  }
0xae: {  	[dreg:$0x0] =	wrdreg $0x60  }
0xaf: {  	[dreg:$0x2] =	wrdreg s2  }
0xb0: {  	[dreg:$0x3] =	wrdreg s18  }
0xb1: {  	[dreg:$0x4] =	wrdreg s24  }
0xb2: {  	[dreg:$0x5] =	wrdreg $0x9  }
0xb3: {  	_ =	task.clear_ibuf [dreg:s8], $0x6FFFF;
	_ =	strace $0x90000046  }
0xb4: {  	s29 =	simm.s32 $0x9;
	_ =	strace $0x80000048  }
0xb5: {  	_ =	swait.ge [sflag:s29], $0x1  }
0xb6: {  	[sflag:s29] =	ssyncadd.s32 $0xFFFFFFFF  }
0xb7: {  	_ =	strace $0x90000048  }
0xb8: {  	_ =	sfence  }
0xb9: {  	s30 =	sld [smem:$0x0];
	_ =	sdelay $0x2  }
0xba: {  	s31 =	sshll.u32 s1, $0xD;
	s1 =	sshrl.u32 s1, $0x2  }
0xbb: {  	s3 =	sand.u32 $0x4000, s31;
	s1 =	sadd.s32 s1, s30  }
0xbc: {  	s0 =	sor.u32 s3, s0;
	s1 =	sshll.u32 s1, $0x11  }
0xbd: {  	s0 =	sor.u32 s1, s0  }
0xbe: {  	s0 =	sadd.s32 $0x8F2B, s0  }
0xbf: {  	[sflag:s0] =	ssyncadd.remote.s32 $0x1  }
0xc0: {  	_ =	sfence.sel $0xFFFF  }
0xc1: {  	[dreg:$0x0] =	wrdreg $0xFFFFFFFF;
	(pc) =	sbr.abs _section_cstart, $3  }
0xc2: {  	[dreg:$0x1] =	wrdreg $0xFFFFFFFF  }
0xc3: {  	_ =	task.clear_ibuf [dreg:s8], $0x2FFFF;
	_ =	strace $0x9FFFFFFF  }
0xc4: {  	(tm) =	ssettm $0x7FFFFFFF  }
0xc5: {  	_ =	shalt  }
tec
execute0_lowered:
.L_overlay_start_1:
0x0: {  	(tag) =	ssettag $0x1  }
0x1: {  	s10 =	rddreg [dreg:$0x1];
	s23 =	stileid.u32  }
0x2: {  	s0 =	rddreg [dreg:$0x2];
	v4 =	vmov s23  }
0x3: {  	s1 =	simm.s32 $0x0;
	s2 =	srdreg.scid;
	s16 =	simm.s32 $0x7;
	v5 =	vimm.s32 $0x0;
	vm0 =	veq.s32 v4, $0xF  }
0x4: {  	s17 =	simm.s32 $0x4380;
	s20 =	simm.s32 $0x1;
	[smem:$0x7FF] =	sst s1;
	v5 =	vsel vm0, $0xFFFFFFFF, v5  }
0x5: {  	s21 =	simm.s32 $0x2;
	s22 =	simm.s32 $0x5;
	_ =	strace $0x80000047;
	vm0 =	vgt.u32 v4, $0xD;
	[tilespmem:$0x1FF90] =	vst v5;
	v5 =	vimm.s32 $0x0  }
0x6: {  	s24 =	simm.s32 $0x4500;
	s28 =	simm.s32 $0x4300;
	s29 =	simm.s32 $0x4280;
	v5 =	vsel vm0, $0xFFFFFFFF, v5  }
0x7: {  	s18 =	simm.s32 $0x6;
	s19 =	simm.s32 $0x0;
	s3 =	sshll.u32 s23, $0x5;
	vm0 =	vgt.u32 v4, $0xC;
	[tilespmem:$0x1FFA0] =	vst v5;
	v5 =	vimm.s32 $0x0  }
0x8: {  	s2 =	sand.u32 $0x1, s2;
	s4 =	sadd.s32 $0x1800, s0;
	s6 =	sadd.s32 $0x1C00, s0;
	v5 =	vsel vm0, $0xFFFFFFFF, v5  }
0x9: {  	s26 =	sshll.u32 s23, $0x1;
	s8 =	smul.u32 $0x30, s23;
	s7 =	sshll.u32 s23, $0x7;
	vm0 =	vgt.u32 v4, $0xB;
	[tilespmem:$0x1FFB0] =	vst v5;
	v5 =	vimm.s32 $0x0  }
0xa: {  	s9 =	smul.u32 $0x180, s23;
	s15 =	sshll.u32 s23, $0xA;
	p1 =	sne.s32 s23, $0x0;
	v5 =	vsel vm0, $0xFFFFFFFF, v5  }
0xb: {  	v0 =	vimm.s32 $0x0;
	s1 =	simm.s32 $0x4;
	s3 =	sadd.s32 s3, s0;
	s5 =	ssub.s32 $0x2, s2;
	vm0 =	vgt.u32 v4, $0xA;
	[tilespmem:$0x1FFC0] =	vst v5;
	v5 =	vimm.s32 $0x0  }
0xc: {  	v1 =	vimm.s32 $0x1;
	v2 =	vlaneseq.u32;
	[dreg:$0x4] =	wrdreg s6;
	s6 =	sadd.s32 $0x1600, s0;
	p0 =	sne.s32 s2, $0x0;
	v5 =	vsel vm0, $0xFFFFFFFF, v5  }
.Ltmp0:
0xd: {  	v3 =	vimm.f32 $0.0e+00;
	s25 =	sshrl.u32 s5, $0x1;
	s30 =	sadd.s32 s10, s8;
	vm0 =	vgt.u32 v4, $0x9;
	[tilespmem:$0x1FFD0] =	vst v5;
	v5 =	vimm.s32 $0x0;
	(pc) =	sbr.rel .LBB2_1-.Ltmp0, $4  }
0xe: {  	vm7 =	vgt.u32 v4, $0x7;
	vm8 =	vgt.u32 v4, $0x6;
	s31 =	sadd.s32 s4, s8;
	s12 =	sadd.s32 $0x1E00, s3;
	s13 =	sadd.s32 $0x1E10, s3;
	v5 =	vsel vm0, $0xFFFFFFFF, v5  }
0xf: {  	vm9 =	vgt.u32 v4, $0x5;
	s0 =	ssub.s32 s5, s25;
	s5 =	sadd.s32 s6, s26;
	[dreg:$0x6] =	wrdreg s30;
	vm0 =	vgt.u32 v4, $0x8;
	[tilespmem:$0x1FFE0] =	vst v5;
	v5 =	vimm.s32 $0x0  }
0x10: {  	vm10 =	vgt.u32 v4, $0x4;
	vm11 =	vgt.u32 v4, $0x3;
	[dreg:$0x7] =	wrdreg s31;
	s25 =	simm.s32 $0x80;
	s26 =	simm.s32 $0x4200;
	v5 =	vsel vm0, $0xFFFFFFFF, v5  }
0x11: {  	vm12 =	vgt.u32 v4, $0x2;
	vm13 =	vgt.u32 v4, $0x1;
	vm14 =	veq.s32 v4, $0x0;
	[dreg:$0x5] =	wrdreg s5;
	s14 =	smax.u32 s0, $0x1;
	s0 =	simm.s32 $0x3;
	[tilespmem:$0x1FFF0] =	vst v5  }
.LBB2_11:
0x12: {  	[bflag:$0x0] =	sbarrier.arrive $0xFFFF  }
.LBB2_12:
0x13: {  	s19 =	sadd.s32 $0x1, s19  }
0x14: {  	p2 =	sne.s32 s19, s14  }
.Ltmp1:
0x15: {  	_ = 	snop;
	(pc) =	sbr.rel @!p2 .LBB2_13-.Ltmp1, $1  }
0x16: {  	_ =	sdelay $0x3  }
.LBB2_1:
.Ltmp2:
0x17: {  	(pc) =	sbr.rel @p0 .LBB2_11-.Ltmp2, $1  }
0x18: {  	_ =	sdelay $0x3  }
0x19: {  	s2 =	simm.s32 $0x0;
	s3 =	rddreg [dreg:$0x0]  }
0x1a: {  	[tilespmem:s2], [sflag:$0x7] =	stream.linear.gather [hbm4b:s3+s2], $0x4000, $0x38;
	[tilespmem:$0x4900] =	vst v63  }
0x1b: {  	_ =	swait.ge [sflag:s16], $0x4000  }
0x1c: {  	[sflag:s16] =	ssyncset.done $0x0  }
0x1d: {  	s11 =	sand.u32 $0x3FFFFC00, s15;
	[sflag:s16] =	ssyncadd.s32 $0xFFFFC000  }
0x1e: {  	s3 =	sadd.s32 $0x0, s11;
	[tilespmem:$0x4380] =	vst v0  }
0x1f: {  	v5 =	vld [tilespmem:s3+$0x0]  }
0x20: {  	v6 =	vld [tilespmem:s3+$0x80];
	_ =	sdelay $0x1  }
0x21: {  	v7 =	vld [tilespmem:s3+$0x100];
	_ =	sdelay $0x1  }
0x22: {  	v8 =	vld [tilespmem:s3+$0x180]  }
0x23: {  	vm0 =	vgt.f32 v6, v5  }
0x24: {  	v9 =	vld [tilespmem:s3+$0x200];
	v4 =	vsel vm0, v6, v5  }
0x25: {  	vm1 =	vgt.f32 v7, v4  }
0x26: {  	v10 =	vld [tilespmem:s3+$0x280];
	v4 =	vsel vm1, v7, v4  }
0x27: {  	vm2 =	vgt.f32 v8, v4  }
0x28: {  	s2 =	sor.u32 s15, s2;
	v11 =	vld [tilespmem:s3+$0x300];
	v4 =	vsel vm2, v8, v4  }
0x29: {  	s2 =	sor.u32 $0x380, s2;
	vm3 =	vgt.f32 v9, v4  }
0x2a: {  	v12 =	vld [tilespmem:s2+$0x0];
	v4 =	vsel vm3, v9, v4  }
0x2b: {  	v13 =	vsel vm0, $0x1, v0;
	vm0 =	vgt.f32 v10, v4  }
0x2c: {  	v13 =	vsel vm1, $0x2, v13;
	v4 =	vsel vm0, v10, v4  }
0x2d: {  	v13 =	vsel vm2, $0x3, v13;
	vm1 =	vgt.f32 v11, v4  }
0x2e: {  	v13 =	vsel vm3, $0x4, v13;
	v14 =	vsel vm1, v11, v4  }
0x2f: {  	v4 =	vsel vm0, $0x5, v13;
	vm0 =	vgt.f32 v12, v14  }
0x30: {  	v4 =	vsel vm1, $0x6, v4;
	vm0 =	vmneg vm0  }
0x31: {  	vm2 =	vgt.f32 v5, $-Inf;
	vm1 =	vlt.f32 v5, $-Inf;
	v4 =	vnsel vm0, $0x7, v4  }
0x32: {  	vm1 =	vmor vm2, vm1;
	vm2 =	vne.s32 v4, $0x0  }
0x33: {  	vm1 =	vmand vm1, vm2  }
0x34: {  	v5 =	vnsel vm1, $0xFF800000, v5  }
0x35: {  	vm1 =	vne.s32 v4, $0x1;
	vm2 =	vgt.f32 v6, v5  }
0x36: {  	vm1 =	vmand vm1, vm2  }
0x37: {  	v5 =	vsel vm1, v6, v5  }
0x38: {  	vm2 =	vne.s32 v4, $0x2;
	vm3 =	vgt.f32 v7, v5  }
0x39: {  	vm2 =	vmand vm2, vm3  }
0x3a: {  	v5 =	vsel vm2, v7, v5  }
0x3b: {  	vm3 =	vne.s32 v4, $0x3;
	vm4 =	vgt.f32 v8, v5  }
0x3c: {  	vm3 =	vmand vm3, vm4  }
0x3d: {  	v5 =	vsel vm3, v8, v5  }
0x3e: {  	vm4 =	vne.s32 v4, $0x4;
	vm5 =	vgt.f32 v9, v5  }
0x3f: {  	vm4 =	vmand vm4, vm5  }
0x40: {  	v5 =	vsel vm4, v9, v5  }
0x41: {  	vm5 =	vne.s32 v4, $0x5;
	vm6 =	vgt.f32 v10, v5  }
0x42: {  	vm5 =	vmand vm5, vm6  }
0x43: {  	v5 =	vsel vm5, v10, v5  }
0x44: {  	vm6 =	vne.s32 v4, $0x6;
	vm15 =	vgt.f32 v11, v5  }
0x45: {  	vm6 =	vmand vm6, vm15  }
0x46: {  	v5 =	vsel vm6, v11, v5  }
0x47: {  	vm15 =	vgt.f32 v12, v5  }
0x48: {  	vm15 =	vmand vm0, vm15  }
0x49: {  	v6 =	vsel vm0, v14, v12;
	v5 =	vsel vm15, v12, v5  }
0x4a: {  	v5 =	vsub.f32 v5, v6;
	_ =	sdelay $0x1  }
0x4b: {  	v5 =	vmul.f32 $1.442695020e+00, v5;
	_ =	sdelay $0x1  }
0x4c: {  	(erf) = vpow2.f32 v5;
	_ =	sdelay $0x8  }
0x4d: {  	v5 =	vpop (erf)  }
0x4e: {  	v5 =	vadd.f32 $1.000000000e+00, v5;
	_ =	sdelay $0x1  }
0x4f: {  	(erf) = vrcp.f32 v5;
	_ =	sdelay $0x2  }
0x50: {  	v5 =	vsel vm1, $0x1, v0  }
0x51: {  	v5 =	vsel vm2, $0x2, v5  }
0x52: {  	s23 =	sadd.s32 $0x0, s7;
	v5 =	vsel vm3, $0x3, v5  }
0x53: {  	v6 =	vor.u32 s23, v2;
	v5 =	vsel vm4, $0x4, v5  }
0x54: {  	s5 =	simm.s32 $0x0;
	v5 =	vsel vm5, $0x5, v5  }
0x55: {  	[tilespmem:s5+$0x4000] =	vst v4;
	v5 =	vsel vm6, $0x6, v5  }
0x56: {  	[tilespmem:s5+$0x4300] =	vst v6;
	v5 =	vsel vm15, $0x7, v5;
	v6 =	vpop (erf)  }
0x57: {  	s30 =	sadd.s32 $0x80, s15;
	[tilespmem:s5+$0x4080] =	vst v5;
	v7 =	vsub.f32 $1.000000000e+00, v6  }
0x58: {  	s8 =	simm.s32 $0x80;
	s31 =	sand.u32 $0x3FFFFC00, s30;
	[tilespmem:s5+$0x4100] =	vst v6  }
0x59: {  	s2 =	simm.s32 $0x40;
	s3 =	sadd.s32 $0x80, s30;
	s23 =	simm.s32 $0x10;
	[tilespmem:s5+$0x4180] =	vst v7  }
.LBB2_3:
0x5a: {  	s11 =	sand.u32 $0x3FFFFC00, s3  }
0x5b: {  	s5 =	sshra.s32 s2, $0x2;
	[tilespmem:v4+s17+$0x0] =	vst.idx.add.s32.msk $0xffff, v1;
	s2 =	smov.u32 s8;
	s10 =	sadd.s32 $0x40, s8  }
0x5c: {  	p2 =	sne.s32 s8, $0x1C0;
	s8 =	sadd.s32 s5, s31;
	[tilespmem:v5+s17+$0x0] =	vst.idx.add.s32.msk $0xffff, v1;
	s31 =	smov.u32 s11  }
0x5d: {  	v5 =	vld [tilespmem:s8+$0x0]  }
0x5e: {  	v6 =	vld [tilespmem:s8+$0x80]  }
0x5f: {  	v7 =	vld [tilespmem:s8+$0x100];
	_ =	sdelay $0x1  }
0x60: {  	v8 =	vld [tilespmem:s8+$0x180]  }
0x61: {  	vm0 =	vlt.f32 v5, $-Inf;
	vm1 =	vgt.f32 v5, $-Inf  }
0x62: {  	v9 =	vld [tilespmem:s8+$0x200];
	vm2 =	vgt.f32 v6, v5;
	vm0 =	vmor vm1, vm0  }
0x63: {  	v4 =	vsel vm2, v6, v5  }
0x64: {  	v10 =	vld [tilespmem:s8+$0x280];
	vm1 =	vgt.f32 v7, v4  }
0x65: {  	v4 =	vsel vm1, v7, v4  }
0x66: {  	v11 =	vld [tilespmem:s8+$0x300];
	s8 =	sor.u32 s30, s23;
	vm3 =	vgt.f32 v8, v4;
	s30 =	smov.u32 s3  }
0x67: {  	s11 =	sadd.s32 s23, s7;
	s8 =	sor.u32 $0x380, s8;
	v4 =	vsel vm3, v8, v4  }
0x68: {  	v13 =	vor.u32 s11, v2;
	v12 =	vld [tilespmem:s8+$0x0];
	vm4 =	vgt.f32 v9, v4  }
0x69: {  	v14 =	vsel vm2, $0x1, v0;
	v4 =	vsel vm4, v9, v4;
	[tilespmem:s5+$0x4300] =	vst v13  }
0x6a: {  	v13 =	vsel vm1, $0x2, v14;
	vm1 =	vgt.f32 v10, v4  }
0x6b: {  	v13 =	vsel vm3, $0x3, v13;
	v4 =	vsel vm1, v10, v4  }
0x6c: {  	v13 =	vsel vm4, $0x4, v13;
	vm2 =	vgt.f32 v11, v4  }
0x6d: {  	v13 =	vsel vm1, $0x5, v13;
	v4 =	vsel vm2, v11, v4  }
0x6e: {  	v13 =	vsel vm2, $0x6, v13;
	vm1 =	vgt.f32 v12, v4  }
0x6f: {  	vm2 =	vmneg vm1  }
0x70: {  	v14 =	vsel vm2, v4, v12;
	v4 =	vnsel vm2, $0x7, v13  }
0x71: {  	vm1 =	vne.s32 v4, $0x0;
	[tilespmem:s5+$0x4000] =	vst v4  }
0x72: {  	vm0 =	vmand vm0, vm1  }
0x73: {  	v5 =	vnsel vm0, $0xFF800000, v5;
	vm0 =	vne.s32 v4, $0x1  }
0x74: {  	vm1 =	vgt.f32 v6, v5  }
0x75: {  	vm15 =	vmand vm0, vm1  }
0x76: {  	vm0 =	vne.s32 v4, $0x2;
	v5 =	vsel vm15, v6, v5  }
0x77: {  	vm1 =	vgt.f32 v7, v5  }
0x78: {  	vm0 =	vmand vm0, vm1  }
0x79: {  	vm1 =	vne.s32 v4, $0x3;
	v5 =	vsel vm0, v7, v5  }
0x7a: {  	vm3 =	vgt.f32 v8, v5  }
0x7b: {  	vm1 =	vmand vm1, vm3  }
0x7c: {  	vm3 =	vne.s32 v4, $0x4;
	v5 =	vsel vm1, v8, v5  }
0x7d: {  	vm4 =	vgt.f32 v9, v5  }
0x7e: {  	vm3 =	vmand vm3, vm4  }
0x7f: {  	vm4 =	vne.s32 v4, $0x5;
	v5 =	vsel vm3, v9, v5  }
0x80: {  	vm5 =	vgt.f32 v10, v5  }
0x81: {  	vm4 =	vmand vm4, vm5  }
0x82: {  	vm5 =	vne.s32 v4, $0x6;
	v5 =	vsel vm4, v10, v5  }
0x83: {  	vm6 =	vgt.f32 v11, v5  }
0x84: {  	vm5 =	vmand vm5, vm6  }
0x85: {  	v5 =	vsel vm5, v11, v5  }
0x86: {  	vm6 =	vgt.f32 v12, v5  }
0x87: {  	vm2 =	vmand vm2, vm6  }
0x88: {  	v5 =	vsel vm2, v12, v5  }
0x89: {  	v5 =	vsub.f32 v5, v14;
	_ =	sdelay $0x1  }
0x8a: {  	v5 =	vmul.f32 $1.442695020e+00, v5;
	_ =	sdelay $0x1  }
0x8b: {  	(erf) = vpow2.f32 v5;
	_ =	sdelay $0x8  }
0x8c: {  	v5 =	vpop (erf)  }
0x8d: {  	v5 =	vadd.f32 $1.000000000e+00, v5;
	_ =	sdelay $0x1  }
0x8e: {  	(erf) = vrcp.f32 v5;
	_ =	sdelay $0x1  }
0x8f: {  	v5 =	vsel vm15, $0x1, v0  }
0x90: {  	v5 =	vsel vm0, $0x2, v5  }
0x91: {  	v5 =	vsel vm1, $0x3, v5  }
0x92: {  	v5 =	vsel vm3, $0x4, v5  }
0x93: {  	v5 =	vsel vm4, $0x5, v5  }
0x94: {  	v5 =	vsel vm5, $0x6, v5  }
.Ltmp3:
0x95: {  	v5 =	vsel vm2, $0x7, v5;
	(pc) =	sbr.rel @p2 .LBB2_3-.Ltmp3, $3  }
0x96: {  	[tilespmem:s5+$0x4080] =	vst v5;
	v6 =	vpop (erf)  }
0x97: {  	[tilespmem:s5+$0x4100] =	vst v6;
	v6 =	vsub.f32 $1.000000000e+00, v6;
	_ =	sdelay $0x1  }
0x98: {  	s3 =	sadd.s32 $0x80, s3;
	s23 =	sadd.s32 $0x10, s23;
	s8 =	smov.u32 s10;
	[tilespmem:s5+$0x4180] =	vst v6  }
0x99: {  	_ =	sdelay $0x3  }
0x9a: {  	s2 =	sshra.s32 s2, $0x2;
	[tilespmem:v4+s17+$0x0] =	vst.idx.add.s32.msk $0xffff, v1  }
0x9b: {  	s3 =	sadd.s32 s2, s31;
	[tilespmem:v5+s17+$0x0] =	vst.idx.add.s32.msk $0xffff, v1  }
0x9c: {  	v4 =	vld [tilespmem:s3+$0x0]  }
0x9d: {  	v5 =	vld [tilespmem:s3+$0x80];
	_ =	sdelay $0x1  }
0x9e: {  	v6 =	vld [tilespmem:s3+$0x100];
	_ =	sdelay $0x1  }
0x9f: {  	v7 =	vld [tilespmem:s3+$0x180]  }
0xa0: {  	vm0 =	vgt.f32 v5, v4  }
0xa1: {  	v8 =	vld [tilespmem:s3+$0x200];
	v9 =	vsel vm0, v5, v4  }
0xa2: {  	vm1 =	vgt.f32 v6, v9  }
0xa3: {  	v10 =	vld [tilespmem:s3+$0x280];
	v9 =	vsel vm1, v6, v9  }
0xa4: {  	vm2 =	vgt.f32 v7, v9  }
0xa5: {  	s11 =	sor.u32 s30, s23;
	v11 =	vld [tilespmem:s3+$0x300];
	v9 =	vsel vm2, v7, v9  }
0xa6: {  	s3 =	sor.u32 $0x380, s11;
	vm3 =	vgt.f32 v8, v9  }
0xa7: {  	v12 =	vld [tilespmem:s3+$0x0];
	v9 =	vsel vm3, v8, v9  }
0xa8: {  	v13 =	vsel vm0, $0x1, v0;
	vm0 =	vgt.f32 v10, v9  }
0xa9: {  	v13 =	vsel vm1, $0x2, v13;
	v9 =	vsel vm0, v10, v9  }
0xaa: {  	v13 =	vsel vm2, $0x3, v13;
	vm1 =	vgt.f32 v11, v9  }
0xab: {  	v13 =	vsel vm3, $0x4, v13;
	v9 =	vsel vm1, v11, v9  }
0xac: {  	v13 =	vsel vm0, $0x5, v13;
	vm0 =	vgt.f32 v12, v9  }
0xad: {  	v13 =	vsel vm1, $0x6, v13;
	vm0 =	vmneg vm0  }
0xae: {  	vm2 =	vgt.f32 v4, $-Inf;
	vm1 =	vlt.f32 v4, $-Inf;
	v13 =	vnsel vm0, $0x7, v13  }
0xaf: {  	vm1 =	vmor vm2, vm1;
	vm2 =	vne.s32 v13, $0x0  }
0xb0: {  	vm1 =	vmand vm1, vm2  }
0xb1: {  	v4 =	vnsel vm1, $0xFF800000, v4  }
0xb2: {  	vm1 =	vne.s32 v13, $0x1;
	vm2 =	vgt.f32 v5, v4  }
0xb3: {  	vm1 =	vmand vm1, vm2  }
0xb4: {  	v4 =	vsel vm1, v5, v4  }
0xb5: {  	vm2 =	vne.s32 v13, $0x2;
	vm3 =	vgt.f32 v6, v4  }
0xb6: {  	vm2 =	vmand vm2, vm3  }
0xb7: {  	v4 =	vsel vm2, v6, v4  }
0xb8: {  	vm3 =	vne.s32 v13, $0x3;
	vm4 =	vgt.f32 v7, v4  }
0xb9: {  	vm3 =	vmand vm3, vm4  }
0xba: {  	v4 =	vsel vm3, v7, v4  }
0xbb: {  	vm4 =	vne.s32 v13, $0x4;
	vm5 =	vgt.f32 v8, v4  }
0xbc: {  	vm4 =	vmand vm4, vm5  }
0xbd: {  	v4 =	vsel vm4, v8, v4  }
0xbe: {  	vm5 =	vne.s32 v13, $0x5;
	vm6 =	vgt.f32 v10, v4  }
0xbf: {  	vm5 =	vmand vm5, vm6  }
0xc0: {  	v4 =	vsel vm5, v10, v4  }
0xc1: {  	vm6 =	vne.s32 v13, $0x6;
	vm15 =	vgt.f32 v11, v4  }
0xc2: {  	vm6 =	vmand vm6, vm15  }
0xc3: {  	v4 =	vsel vm6, v11, v4  }
0xc4: {  	vm15 =	vgt.f32 v12, v4  }
0xc5: {  	vm15 =	vmand vm0, vm15  }
0xc6: {  	v5 =	vsel vm0, v9, v12;
	v4 =	vsel vm15, v12, v4  }
0xc7: {  	v4 =	vsub.f32 v4, v5;
	_ =	sdelay $0x1  }
0xc8: {  	v4 =	vmul.f32 $1.442695020e+00, v4;
	_ =	sdelay $0x1  }
0xc9: {  	(erf) = vpow2.f32 v4;
	_ =	sdelay $0x8  }
0xca: {  	v4 =	vpop (erf)  }
0xcb: {  	v4 =	vadd.f32 $1.000000000e+00, v4;
	_ =	sdelay $0x1  }
0xcc: {  	(erf) = vrcp.f32 v4;
	_ =	sdelay $0x2  }
0xcd: {  	v4 =	vsel vm1, $0x1, v0  }
0xce: {  	v4 =	vsel vm2, $0x2, v4  }
0xcf: {  	s23 =	sadd.s32 s23, s7;
	v4 =	vsel vm3, $0x3, v4  }
0xd0: {  	v5 =	vor.u32 s23, v2;
	v4 =	vsel vm4, $0x4, v4  }
0xd1: {  	v4 =	vsel vm5, $0x5, v4  }
0xd2: {  	[tilespmem:s2+$0x4000] =	vst v13;
	v4 =	vsel vm6, $0x6, v4  }
0xd3: {  	[tilespmem:s2+$0x4300] =	vst v5;
	v4 =	vsel vm15, $0x7, v4;
	v5 =	vpop (erf)  }
0xd4: {  	[tilespmem:s2+$0x4080] =	vst v4;
	v6 =	vsub.f32 $1.000000000e+00, v5  }
0xd5: {  	[tilespmem:s2+$0x4100] =	vst v5  }
0xd6: {  	[tilespmem:s2+$0x4180] =	vst v6  }
0xd7: {  	s30 =	simm.s32 $0x0;
	s5 =	simm.s32 $0x0;
	[tilespmem:v13+s17+$0x0] =	vst.idx.add.s32.msk $0xffff, v1  }
0xd8: {  	s31 =	rddreg [dreg:$0x5];
	s3 =	smov.u32 s9;
	s2 =	simm.s32 $0x40;
	[tilespmem:v4+s17+$0x0] =	vst.idx.add.s32.msk $0xffff, v1;
	v4 =	vor.u32 s9, v2  }
0xd9: {  	[hbm4b:s31+s30] =	stream.linear.scatter [tilespmem:s17], [sflag:$0x5], $0x10, $0x38;
	v4 =	vand.u32 $0x7FF, v4;
	[tilespmem:$0x4900] =	vst v63  }
.LBB2_5:
0xda: {  	p2 =	sne.s32 s2, $0x5C0  }
0xdb: {  	[tilespmem:s5+$0x4600] =	vst v4;
	s3 =	sadd.s32 $0x10, s3;
	s8 =	smov.u32 s2;
	s2 =	sadd.s32 $0x40, s2  }
.Ltmp4:
0xdc: {  	[tilespmem:s5+$0x4780] =	vst v3;
	(pc) =	sbr.rel @p2 .LBB2_5-.Ltmp4, $3  }
0xdd: {  	_ =	sdelay $0x1  }
0xde: {  	v4 =	vor.u32 s3, v2  }
0xdf: {  	s5 =	sshra.s32 s8, $0x2;
	v4 =	vand.u32 $0x7FF, v4  }
0xe0: {  	[tilespmem:s5+$0x4600] =	vst v4  }
0xe1: {  	[tilespmem:s5+$0x4780] =	vst v3;
	s2 =	simm.s32 $0x0;
	s3 =	rddreg [dreg:$0x6];
	s11 =	simm.s32 $0x4600  }
0xe2: {  	[hbm4b:s3+s2] =	stream.linear.scatter [tilespmem:s11], [sflag:$0x1], $0x180, $0x38;
	[tilespmem:$0x4900] =	vst v63  }
0xe3: {  	s23 =	rddreg [dreg:$0x7];
	s30 =	simm.s32 $0x4780  }
0xe4: {  	[hbm4b:s23+s2] =	stream.linear.scatter [tilespmem:s30], [sflag:$0x2], $0x180, $0x38;
	[tilespmem:$0x4900] =	vst v63  }
0xe5: {  	_ =	swait.ge [sflag:s20], $0x180  }
0xe6: {  	[sflag:s20] =	ssyncset.done $0x0  }
0xe7: {  	[sflag:s20] =	ssyncadd.s32 $0xFFFFFE80  }
0xe8: {  	_ =	swait.ge [sflag:s21], $0x180  }
0xe9: {  	[sflag:s21] =	ssyncset.done $0x0  }
0xea: {  	[sflag:s21] =	ssyncadd.s32 $0xFFFFFE80  }
0xeb: {  	_ =	swait.ge [sflag:s22], $0x10  }
0xec: {  	[sflag:s22] =	ssyncset.done $0x0  }
0xed: {  	[sflag:s22] =	ssyncadd.s32 $0xFFFFFFF0  }
0xee: {  	s31 =	simm.s32 $0x4400;
	[bflag:$0x0] =	sbarrier.arrive $0xFFFF  }
0xef: {  	[tilespmem:s31], [sflag:$0x7] =	stream.linear.gather [hbm4b:s6+s2], $0x100, $0x38;
	[tilespmem:$0x4900] =	vst v63  }
0xf0: {  	_ =	swait.ge [sflag:s16], $0x100  }
0xf1: {  	[sflag:s16] =	ssyncset.done $0x0  }
0xf2: {  	[sflag:s16] =	ssyncadd.s32 $0xFFFFFF00  }
0xf3: {  	v4 =	vld [tilespmem:$0x4400]  }
0xf4: {  	v5 =	vld [tilespmem:$0x4410]  }
0xf5: {  	v6 =	vld [tilespmem:$0x4420]  }
0xf6: {  	v7 =	vld [tilespmem:$0x4430]  }
0xf7: {  	v8 =	vld [tilespmem:$0x4440]  }
0xf8: {  	v9 =	vld [tilespmem:$0x4450]  }
0xf9: {  	v10 =	vld [tilespmem:$0x4460];
	v11 =	vadd.s32 v5, v4;
	v4 =	vsel vm14, $0x0, v4;
	v5 =	vnsel vm13, $0x0, v5  }
0xfa: {  	v11 =	vadd.s32 v6, v11;
	v6 =	vnsel vm12, $0x0, v6;
	v4 =	vadd.s32 v4, v5  }
0xfb: {  	v5 =	vnsel vm11, $0x0, v7;
	v4 =	vadd.s32 v6, v4  }
0xfc: {  	v6 =	vnsel vm10, $0x0, v8;
	v4 =	vadd.s32 v5, v4  }
0xfd: {  	v5 =	vnsel vm9, $0x0, v9;
	v4 =	vadd.s32 v6, v4  }
0xfe: {  	v12 =	vld [tilespmem:$0x4470];
	v6 =	vnsel vm8, $0x0, v10;
	v4 =	vadd.s32 v5, v4  }
0xff: {  	v4 =	vadd.s32 v6, v4;
	v6 =	vld [tilespmem:$0x1FFF0]  }
0x100: {  	v13 =	vld [tilespmem:$0x4480];
	_ =	sdelay $0x3  }
0x101: {  	v14 =	vld [tilespmem:$0x4490];
	v5 =	vnsel vm7, $0x0, v12;
	vm0 =	vnez.u8 v6  }
0x102: {  	v4 =	vadd.s32 v5, v4;
	v5 =	vld [tilespmem:$0x1FFE0];
	v6 =	vnsel vm0, $0x0, v13  }
0x103: {  	v4 =	vadd.s32 v6, v4;
	v6 =	vld [tilespmem:$0x1FFD0]  }
0x104: {  	v15 =	vld [tilespmem:$0x44A0];
	v11 =	vadd.s32 v7, v11  }
0x105: {  	v16 =	vld [tilespmem:$0x44B0];
	v11 =	vadd.s32 v8, v11  }
0x106: {  	v17 =	vld [tilespmem:$0x44C0];
	v11 =	vadd.s32 v9, v11  }
0x107: {  	v18 =	vld [tilespmem:$0x44D0];
	v11 =	vadd.s32 v10, v11;
	vm0 =	vnez.u8 v5  }
0x108: {  	v19 =	vld [tilespmem:$0x44E0];
	v11 =	vadd.s32 v12, v11;
	v5 =	vnsel vm0, $0x0, v14;
	vm0 =	vnez.u8 v6  }
0x109: {  	v11 =	vadd.s32 v13, v11;
	v4 =	vadd.s32 v5, v4;
	v5 =	vld [tilespmem:$0x1FFC0];
	v6 =	vnsel vm0, $0x0, v15  }
0x10a: {  	v11 =	vadd.s32 v14, v11;
	v4 =	vadd.s32 v6, v4;
	v6 =	vld [tilespmem:$0x1FFB0]  }
0x10b: {  	v20 =	vld [tilespmem:$0x44F0];
	v11 =	vadd.s32 v15, v11  }
0x10c: {  	v7 =	vadd.s32 v16, v11  }
0x10d: {  	v7 =	vadd.s32 v17, v7  }
0x10e: {  	v7 =	vadd.s32 v18, v7;
	vm0 =	vnez.u8 v5  }
0x10f: {  	v7 =	vadd.s32 v19, v7;
	v5 =	vnsel vm0, $0x0, v16;
	vm0 =	vnez.u8 v6  }
0x110: {  	v7 =	vadd.s32 v20, v7;
	v4 =	vadd.s32 v5, v4;
	v5 =	vld [tilespmem:$0x1FFA0];
	v6 =	vnsel vm0, $0x0, v17  }
0x111: {  	v7 =	vadd.s32 $0xFF, v7;
	v4 =	vadd.s32 v6, v4;
	v6 =	vld [tilespmem:$0x1FF90]  }
0x112: {  	v7 =	vand.u32 $0xFFFFFF00, v7  }
0x113: {  	(xrf0) =	vadd.scan.msk.s32 $0xffff, v7;
	_ =	sdelay $0x1  }
0x114: {  	vm0 =	vnez.u8 v5  }
0x115: {  	v5 =	vnsel vm0, $0x0, v18;
	vm0 =	vnez.u8 v6  }
0x116: {  	v4 =	vadd.s32 v5, v4;
	v6 =	vnsel vm0, $0x0, v19  }
0x117: {  	v4 =	vadd.s32 v6, v4  }
0x118: {  	v5, _, _ =	vpop (xrf0);
	v4 =	vsub.s32 v4, v7  }
0x119: {  	[tilespmem:$0x4580] =	vst v5;
	v4 =	vadd.s32 v5, v4  }
0x11a: {  	s2 =	simm.s32 $0x0;
	[tilespmem:$0x4500] =	vst v4  }
0x11b: {  	s3 =	simm.s32 $0x40;
	v4 =	vld [tilespmem:s2+$0x4000]  }
.LBB2_7:
0x11c: {  	p2 =	sne.s32 s3, $0x1C0;
	_ =	sdelay $0x3  }
0x11d: {  	vm15 =	veq.s32 v4, $0x0  }
0x11e: {  	vm2 =	veq.s32 v4, $0x1;
	v5 =	vsel vm15, $0x1, v0  }
0x11f: {  	vm0 =	veq.s32 v4, $0x2;
	v6 =	vsel vm2, $0x1, v0;
	(xrf0) =	vadd.scan.msk.s32 $0xffff, v5  }
0x120: {  	vm1 =	veq.s32 v4, $0x3;
	v5 =	vsel vm0, $0x1, v0;
	v7 =	vld.idx.msk [tilespmem:v4+s24+$0x0], $0xffff;
	(xrf0) =	vadd.scan.msk.s32 $0xffff, v6  }
0x121: {  	vm3 =	veq.s32 v4, $0x4;
	v6 =	vsel vm1, $0x1, v0;
	(xrf0) =	vadd.scan.msk.s32 $0xffff, v5  }
0x122: {  	vm4 =	veq.s32 v4, $0x5;
	v5 =	vsel vm3, $0x1, v0;
	(xrf0) =	vadd.scan.msk.s32 $0xffff, v6  }
0x123: {  	vm5 =	veq.s32 v4, $0x6;
	v6 =	vsel vm4, $0x1, v0;
	(xrf0) =	vadd.scan.msk.s32 $0xffff, v5  }
0x124: {  	vm6 =	veq.s32 v4, $0x7;
	v5 =	vsel vm5, $0x1, v0;
	(xrf0) =	vadd.scan.msk.s32 $0xffff, v6  }
0x125: {  	v6 =	vsel vm6, $0x1, v0;
	v8, _, _ =	vpop (xrf0);
	(xrf0) =	vadd.scan.msk.s32 $0xffff, v5  }
0x126: {  	v5 =	vadd.s32 $0xFFFFFFFF, v8;
	v8, _, _ =	vpop (xrf0);
	(xrf0) =	vadd.scan.msk.s32 $0xffff, v6  }
0x127: {  	v5 =	vnsel vm15, $0x0, v5;
	v6 =	vadd.s32 $0xFFFFFFFF, v8;
	v8, _, _ =	vpop (xrf0)  }
0x128: {  	v5 =	vsel vm2, v6, v5;
	v6 =	vadd.s32 $0xFFFFFFFF, v8;
	v8, _, _ =	vpop (xrf0)  }
0x129: {  	v5 =	vsel vm0, v6, v5;
	v6 =	vadd.s32 $0xFFFFFFFF, v8;
	v8, _, _ =	vpop (xrf0)  }
0x12a: {  	v5 =	vsel vm1, v6, v5;
	v6 =	vadd.s32 $0xFFFFFFFF, v8;
	v8, _, _ =	vpop (xrf0)  }
0x12b: {  	v5 =	vsel vm3, v6, v5;
	v6 =	vadd.s32 $0xFFFFFFFF, v8;
	v8, _, _ =	vpop (xrf0)  }
0x12c: {  	v5 =	vsel vm4, v6, v5;
	v6 =	vadd.s32 $0xFFFFFFFF, v8;
	v8, _, _ =	vpop (xrf0)  }
0x12d: {  	v5 =	vsel vm5, v6, v5;
	v6 =	vadd.s32 $0xFFFFFFFF, v8  }
.Ltmp5:
0x12e: {  	v5 =	vsel vm6, v6, v5;
	(pc) =	sbr.rel @p2 .LBB2_7-.Ltmp5, $4  }
0x12f: {  	v5 =	vadd.s32 v7, v5  }
0x130: {  	[tilespmem:s2+$0x4200] =	vst v5  }
0x131: {  	s2 =	sshra.s32 s3, $0x2;
	[tilespmem:v4+s24+$0x0] =	vst.idx.add.s32.msk $0xffff, v1  }
0x132: {  	s3 =	sadd.s32 $0x40, s3;
	v4 =	vld [tilespmem:s2+$0x4000]  }
0x133: {  	_ =	sdelay $0x3  }
0x134: {  	vm0 =	veq.s32 v4, $0x0  }
0x135: {  	vm1 =	veq.s32 v4, $0x1;
	v5 =	vsel vm0, $0x1, v0  }
0x136: {  	vm2 =	veq.s32 v4, $0x2;
	v6 =	vsel vm1, $0x1, v0;
	(xrf0) =	vadd.scan.msk.s32 $0xffff, v5  }
0x137: {  	vm3 =	veq.s32 v4, $0x3;
	v5 =	vsel vm2, $0x1, v0;
	(xrf0) =	vadd.scan.msk.s32 $0xffff, v6  }
0x138: {  	vm4 =	veq.s32 v4, $0x4;
	v6 =	vsel vm3, $0x1, v0;
	(xrf0) =	vadd.scan.msk.s32 $0xffff, v5  }
0x139: {  	vm5 =	veq.s32 v4, $0x5;
	v5 =	vsel vm4, $0x1, v0;
	(xrf0) =	vadd.scan.msk.s32 $0xffff, v6  }
0x13a: {  	vm6 =	veq.s32 v4, $0x6;
	v6 =	vsel vm5, $0x1, v0;
	(xrf0) =	vadd.scan.msk.s32 $0xffff, v5  }
0x13b: {  	vm15 =	veq.s32 v4, $0x7;
	v5 =	vsel vm6, $0x1, v0;
	(xrf0) =	vadd.scan.msk.s32 $0xffff, v6  }
0x13c: {  	v6 =	vsel vm15, $0x1, v0;
	v7, _, _ =	vpop (xrf0);
	(xrf0) =	vadd.scan.msk.s32 $0xffff, v5  }
0x13d: {  	v5 =	vadd.s32 $0xFFFFFFFF, v7;
	v7, _, _ =	vpop (xrf0);
	(xrf0) =	vadd.scan.msk.s32 $0xffff, v6  }
0x13e: {  	v5 =	vnsel vm0, $0x0, v5;
	v6 =	vadd.s32 $0xFFFFFFFF, v7;
	v7, _, _ =	vpop (xrf0)  }
0x13f: {  	v5 =	vsel vm1, v6, v5;
	v6 =	vadd.s32 $0xFFFFFFFF, v7;
	v7, _, _ =	vpop (xrf0)  }
0x140: {  	v5 =	vsel vm2, v6, v5;
	v6 =	vadd.s32 $0xFFFFFFFF, v7;
	v7, _, _ =	vpop (xrf0)  }
0x141: {  	v8 =	vld.idx.msk [tilespmem:v4+s24+$0x0], $0xffff;
	v5 =	vsel vm3, v6, v5;
	v6 =	vadd.s32 $0xFFFFFFFF, v7;
	v7, _, _ =	vpop (xrf0)  }
0x142: {  	v5 =	vsel vm4, v6, v5;
	v6 =	vadd.s32 $0xFFFFFFFF, v7;
	v7, _, _ =	vpop (xrf0)  }
0x143: {  	v5 =	vsel vm5, v6, v5;
	v6 =	vadd.s32 $0xFFFFFFFF, v7;
	v7, _, _ =	vpop (xrf0)  }
0x144: {  	v5 =	vsel vm6, v6, v5;
	v6 =	vadd.s32 $0xFFFFFFFF, v7  }
0x145: {  	v5 =	vsel vm15, v6, v5  }
0x146: {  	v5 =	vadd.s32 v8, v5  }
0x147: {  	[tilespmem:s2+$0x4200] =	vst v5  }
0x148: {  	s2 =	simm.s32 $0x0;
	[tilespmem:v4+s24+$0x0] =	vst.idx.add.s32.msk $0xffff, v1  }
0x149: {  	s3 =	simm.s32 $0x40;
	v4 =	vld [tilespmem:s2+$0x4080]  }
.LBB2_9:
0x14a: {  	p2 =	sne.s32 s3, $0x1C0;
	_ =	sdelay $0x3  }
0x14b: {  	vm6 =	veq.s32 v4, $0x0  }
0x14c: {  	vm2 =	veq.s32 v4, $0x1;
	v5 =	vsel vm6, $0x1, v0  }
0x14d: {  	vm0 =	veq.s32 v4, $0x2;
	v6 =	vsel vm2, $0x1, v0;
	(xrf0) =	vadd.scan.msk.s32 $0xffff, v5  }
0x14e: {  	vm1 =	veq.s32 v4, $0x3;
	v5 =	vsel vm0, $0x1, v0;
	v7 =	vld.idx.msk [tilespmem:v4+s24+$0x0], $0xffff;
	(xrf0) =	vadd.scan.msk.s32 $0xffff, v6  }
0x14f: {  	vm3 =	veq.s32 v4, $0x4;
	v6 =	vsel vm1, $0x1, v0;
	(xrf0) =	vadd.scan.msk.s32 $0xffff, v5  }
0x150: {  	vm4 =	veq.s32 v4, $0x5;
	v5 =	vsel vm3, $0x1, v0;
	(xrf0) =	vadd.scan.msk.s32 $0xffff, v6  }
0x151: {  	vm5 =	veq.s32 v4, $0x6;
	v6 =	vsel vm4, $0x1, v0;
	(xrf0) =	vadd.scan.msk.s32 $0xffff, v5  }
0x152: {  	vm15 =	veq.s32 v4, $0x7;
	v5 =	vsel vm5, $0x1, v0;
	(xrf0) =	vadd.scan.msk.s32 $0xffff, v6  }
0x153: {  	v6 =	vsel vm15, $0x1, v0;
	v8, _, _ =	vpop (xrf0);
	(xrf0) =	vadd.scan.msk.s32 $0xffff, v5  }
0x154: {  	v5 =	vadd.s32 $0xFFFFFFFF, v8;
	v8, _, _ =	vpop (xrf0);
	(xrf0) =	vadd.scan.msk.s32 $0xffff, v6  }
0x155: {  	v5 =	vnsel vm6, $0x0, v5;
	v6 =	vadd.s32 $0xFFFFFFFF, v8;
	v8, _, _ =	vpop (xrf0)  }
0x156: {  	v5 =	vsel vm2, v6, v5;
	v6 =	vadd.s32 $0xFFFFFFFF, v8;
	v8, _, _ =	vpop (xrf0)  }
0x157: {  	v5 =	vsel vm0, v6, v5;
	v6 =	vadd.s32 $0xFFFFFFFF, v8;
	v8, _, _ =	vpop (xrf0)  }
0x158: {  	v5 =	vsel vm1, v6, v5;
	v6 =	vadd.s32 $0xFFFFFFFF, v8;
	v8, _, _ =	vpop (xrf0)  }
0x159: {  	v5 =	vsel vm3, v6, v5;
	v6 =	vadd.s32 $0xFFFFFFFF, v8;
	v8, _, _ =	vpop (xrf0)  }
0x15a: {  	v5 =	vsel vm4, v6, v5;
	v6 =	vadd.s32 $0xFFFFFFFF, v8;
	v8, _, _ =	vpop (xrf0)  }
0x15b: {  	v5 =	vsel vm5, v6, v5;
	v6 =	vadd.s32 $0xFFFFFFFF, v8  }
.Ltmp6:
0x15c: {  	v5 =	vsel vm15, v6, v5;
	(pc) =	sbr.rel @p2 .LBB2_9-.Ltmp6, $4  }
0x15d: {  	v5 =	vadd.s32 v7, v5  }
0x15e: {  	[tilespmem:s2+$0x4280] =	vst v5  }
0x15f: {  	s2 =	sshra.s32 s3, $0x2;
	[tilespmem:v4+s24+$0x0] =	vst.idx.add.s32.msk $0xffff, v1  }
0x160: {  	s3 =	sadd.s32 $0x40, s3;
	v4 =	vld [tilespmem:s2+$0x4080]  }
0x161: {  	_ =	sdelay $0x3  }
0x162: {  	vm0 =	veq.s32 v4, $0x0  }
0x163: {  	vm1 =	veq.s32 v4, $0x1;
	v5 =	vsel vm0, $0x1, v0  }
0x164: {  	vm2 =	veq.s32 v4, $0x2;
	v6 =	vsel vm1, $0x1, v0;
	(xrf0) =	vadd.scan.msk.s32 $0xffff, v5  }
0x165: {  	vm3 =	veq.s32 v4, $0x3;
	v5 =	vsel vm2, $0x1, v0;
	(xrf0) =	vadd.scan.msk.s32 $0xffff, v6  }
0x166: {  	vm4 =	veq.s32 v4, $0x4;
	v47 =	vsel vm3, $0x1, v0;
	(xrf0) =	vadd.scan.msk.s32 $0xffff, v5  }
0x167: {  	vm5 =	veq.s32 v4, $0x5;
	v5 =	vsel vm4, $0x1, v0;
	(xrf0) =	vadd.scan.msk.s32 $0xffff, v47  }
0x168: {  	vm6 =	veq.s32 v4, $0x6;
	v48 =	vsel vm5, $0x1, v0;
	(xrf0) =	vadd.scan.msk.s32 $0xffff, v5  }
0x169: {  	vm15 =	veq.s32 v4, $0x7;
	v5 =	vsel vm6, $0x1, v0;
	(xrf0) =	vadd.scan.msk.s32 $0xffff, v48  }
0x16a: {  	v49 =	vsel vm15, $0x1, v0;
	v7, _, _ =	vpop (xrf0);
	(xrf0) =	vadd.scan.msk.s32 $0xffff, v5  }
0x16b: {  	v5 =	vadd.s32 $0xFFFFFFFF, v7;
	v50, _, _ =	vpop (xrf0);
	(xrf0) =	vadd.scan.msk.s32 $0xffff, v49  }
0x16c: {  	v5 =	vnsel vm0, $0x0, v5;
	v51 =	vadd.s32 $0xFFFFFFFF, v50;
	v52, _, _ =	vpop (xrf0)  }
0x16d: {  	v5 =	vsel vm1, v51, v5;
	v53 =	vadd.s32 $0xFFFFFFFF, v52;
	v54, _, _ =	vpop (xrf0)  }
0x16e: {  	v5 =	vsel vm2, v53, v5;
	v55 =	vadd.s32 $0xFFFFFFFF, v54;
	v56, _, _ =	vpop (xrf0)  }
0x16f: {  	v8 =	vld.idx.msk [tilespmem:v4+s24+$0x0], $0xffff;
	v5 =	vsel vm3, v55, v5;
	v57 =	vadd.s32 $0xFFFFFFFF, v56;
	v58, _, _ =	vpop (xrf0)  }
0x170: {  	v5 =	vsel vm4, v57, v5;
	v59 =	vadd.s32 $0xFFFFFFFF, v58;
	v60, _, _ =	vpop (xrf0)  }
0x171: {  	v5 =	vsel vm5, v59, v5;
	v61 =	vadd.s32 $0xFFFFFFFF, v60;
	v62, _, _ =	vpop (xrf0)  }
0x172: {  	v5 =	vsel vm6, v61, v5;
	v63 =	vadd.s32 $0xFFFFFFFF, v62  }
0x173: {  	v5 =	vsel vm15, v63, v5  }
0x174: {  	v5 =	vadd.s32 v8, v5  }
0x175: {  	[tilespmem:s2+$0x4280] =	vst v5  }
0x176: {  	s11 =	rddreg [dreg:$0x1];
	[tilespmem:v4+s24+$0x0] =	vst.idx.add.s32.msk $0xffff, v1  }
0x177: {  	[hbm4b:s11+s25] =	stream.indirect.scatter [tilespmem:s28], [sflag:$0x1], $0x1, s26, s25, $0xb8;
	[tilespmem:$0x4900] =	vst v63  }
0x178: {  	_ = 	snop  }
0x179: {  	[hbm4b:s11+s25] =	stream.indirect.scatter [tilespmem:s28], [sflag:$0x2], $0x1, s29, s25, $0xb8;
	[tilespmem:$0x4900] =	vst v63  }
0x17a: {  	s23 =	simm.s32 $0x4100  }
0x17b: {  	[hbm4b:s4+s25] =	stream.indirect.scatter [tilespmem:s23], [sflag:$0x3], $0x1, s26, s25, $0xb8;
	[tilespmem:$0x4900] =	vst v63  }
0x17c: {  	s30 =	simm.s32 $0x4180  }
0x17d: {  	[hbm4b:s4+s25] =	stream.indirect.scatter [tilespmem:s30], [sflag:$0x4], $0x1, s29, s25, $0xb8;
	[tilespmem:$0x4900] =	vst v63  }
0x17e: {  	s31 =	simm.s32 $0x0  }
0x17f: {  	[hbm4b:s12+s31] =	stream.linear.scatter [tilespmem:s26], [sflag:$0x5], $0x80, $0x38;
	[tilespmem:$0x4900] =	vst v63  }
0x180: {  	_ = 	snop  }
0x181: {  	[hbm4b:s13+s31] =	stream.linear.scatter [tilespmem:s29], [sflag:$0x6], $0x80, $0x38;
	[tilespmem:$0x4900] =	vst v63  }
0x182: {  	_ =	swait.ge [sflag:s20], $0x80  }
0x183: {  	[sflag:s20] =	ssyncset.done $0x0  }
0x184: {  	[sflag:s20] =	ssyncadd.s32 $0xFFFFFF80  }
0x185: {  	_ =	swait.ge [sflag:s21], $0x80  }
0x186: {  	[sflag:s21] =	ssyncset.done $0x0  }
0x187: {  	[sflag:s21] =	ssyncadd.s32 $0xFFFFFF80  }
0x188: {  	_ =	swait.ge [sflag:s0], $0x80  }
0x189: {  	[sflag:s0] =	ssyncset.done $0x0  }
0x18a: {  	[sflag:s0] =	ssyncadd.s32 $0xFFFFFF80  }
0x18b: {  	_ =	swait.ge [sflag:s1], $0x80  }
0x18c: {  	[sflag:s1] =	ssyncset.done $0x0  }
0x18d: {  	[sflag:s1] =	ssyncadd.s32 $0xFFFFFF80  }
0x18e: {  	_ =	swait.ge [sflag:s22], $0x80  }
0x18f: {  	[sflag:s22] =	ssyncset.done $0x0  }
0x190: {  	[sflag:s22] =	ssyncadd.s32 $0xFFFFFF80  }
0x191: {  	_ =	swait.ge [sflag:s18], $0x80  }
0x192: {  	s3 =	simm.s32 @!p1 $0x4580;
	[sflag:s18] =	ssyncset.done $0x0  }
0x193: {  	s2 =	simm.s32 @!p1 $0x0;
	s5 =	rddreg [dreg:$0x4];
	[sflag:s18] =	ssyncadd.s32 $0xFFFFFF80  }
0x194: {  	[hbm4b:s5+s2] =	stream.linear.scatter @!p1 [tilespmem:s3], [sflag:$0x7], $0x80, $0x38;
	[tilespmem:$0x4900] =	vst v63  }
.Ltmp7:
0x195: {  	_ = 	snop;
	(pc) =	sbr.rel .LBB2_12-.Ltmp7, $4  }
0x196: {  	s2 =	simm.s32 @!p1 $0x7  }
0x197: {  	_ =	swait.ge @!p1 [sflag:s2], $0x80  }
0x198: {  	[sflag:s2] =	ssyncset.done @!p1 $0x0  }
0x199: {  	[sflag:s2] =	ssyncadd.s32 @!p1 $0xFFFFFF80  }
.LBB2_13:
0x19a: {  	_ =	sfence.sel $0x180000  }
0x19b: {  	[bflag:$0x0] =	sbarrier.arrive $0xFFFF  }
0x19c: {  	_ =	strace $0x90000047  }
0x19d: {  	[bflag:$0x2] =	sbarrier.arrive $0xFFFF  }
0x19e: {  	s0 =	rddreg [dreg:$0x3]  }
0x19f: {  	s0 =	sadd.s32 @!p1 $0x100000, s0  }
0x1a0: {  	[sflag:s0] =	ssyncadd.tile.s32 @!p1 $0x1;
	_ =	shalt  }
.Lfunc_end2:
_tile_overlayer_lowered:
.L_overlay_start_2:
0x1a1: {  	(tag) =	ssettag $0x2  }
0x1a2: {  	s0 =	rddreg [dreg:$0x0];
	s2 =	stileid.u32  }
0x1a3: {  	s1 =	rddreg [dreg:$0x1];
	p0 =	sne.s32 s2, $0x0  }
0x1a4: {  	s3 =	rddreg [dreg:$0x2];
	[bflag:$0x3] =	sbarrier.arrive $0xFFFF;
	s2 =	simm.s32 @!p0 $0x1C07  }
0x1a5: {  	[timem:s3], [sflag:s2] =	dma.local @!p0 [hbm:s0], s1  }
0x1a6: {  	s0 =	simm.s32 @!p0 $0x7  }
0x1a7: {  	_ =	swait.ge @!p0 [sflag:s0], s1  }
0x1a8: {  	s1 =	ssub.s32 @!p0 $0x0, s1;
	[sflag:s0] =	ssyncset.done @!p0 $0x0  }
0x1a9: {  	[sflag:s0] =	ssyncadd.s32 @!p0 s1  }
0x1aa: {  	[bflag:$0x3] =	sbarrier.arrive $0xFFFF  }
0x1ab: {  	_ =	shalt  }

// kernel: kernel.9.cloned.1.call-start
scs
__scs_entry_jumppad:
0x0: {  	(pc) =	sbr.rel $0x88, $3  }
0x1: {  	(tag) =	ssettag $0x0;
	lr =	simm.s32 $0x1  }
0x2: {  	[smem:$0x3F9D] =	sst lr;
	_ =	strace $0xD0000000  }
0x3: {  	_ = 	snop  }
0x4: {  	_ = 	snop  }
0x5: {  	_ = 	snop  }
0x6: {  	_ = 	snop  }
0x7: {  	_ = 	snop  }
__scs_overlays_trampoline_lowered:
0x8: {  	[smem:$0x3FAC] =	sst s0  }
0x9: {  	[smem:$0x3FAD] =	sst s1  }
0xa: {  	[smem:$0x3FAE] =	sst s2  }
0xb: {  	[smem:$0x3FAF] =	sst s3  }
0xc: {  	[smem:$0x3FB0] =	sst s4  }
0xd: {  	[smem:$0x3FB1] =	sst s5  }
0xe: {  	[smem:$0x3FB2] =	sst s6  }
0xf: {  	[smem:$0x3FB3] =	sst s7  }
0x10: {  	[smem:$0x3FB4] =	sst s8  }
0x11: {  	[smem:$0x3FB5] =	sst s9;
	s0 =	simm.s32 @!p0 $0x0  }
0x12: {  	s1 =	sld [smem:$0x3F9B];
	s0 =	simm.s32 @p0 $0x1  }
0x13: {  	[smem:$0x3FB6] =	sst s0;
	s0 =	simm.s32 @!p1 $0x0  }
0x14: {  	s2 =	sld [smem:$0x3F9A];
	s0 =	simm.s32 @p1 $0x1  }
0x15: {  	[smem:$0x3FB7] =	sst s0;
	s0 =	simm.s32 @!p2 $0x0  }
0x16: {  	s3 =	sld [smem:$0x3FDB];
	s0 =	simm.s32 @p2 $0x1  }
0x17: {  	s4 =	simm.s32 $0x1BF5;
	[smem:$0x3FB9] =	sst s0  }
0x18: {  	s0 =	sld [smem:$0x3F9C];
	_ =	swait.ge [sflag:s4], $0x0  }
0x19: {  	s7 =	sld [smem:$0x3F9D]  }
0x1a: {  	s8 =	sadd.s32 $0xFFFFE003, lr  }
0x1b: {  	s9 =	sadd.s32 $0xFFFFFEF7, lr;
	s5 =	simm.s32 $0xFFFFFFFF;
	p2 =	slt.u32 s8, $0xFFFFF086  }
0x1c: {  	p1 =	slt.u32 s9, $0xF7A;
	s5 =	simm.s32 @!p2 $0x0  }
0x1d: {  	s5 =	simm.s32 @p1 $0x1;
	p0 =	seq.s32 s7, s2  }
0x1e: {  	s7 =	smul.u32 @!p0 $0xF7A, s2;
	p2 =	seq.s32 @!p0 s5, $0x0  }
0x1f: {  	s9 =	smul.u32 $0xF7A, s1;
	s8 =	simm.s32 @!p0 $0x1BF5;
	p2 =	por !p2, p0  }
0x20: {  	[sflag:s8] =	ssyncset.s32 @!p0 $0xFFFFF086;
	s6 =	sadd.s32 @!p0 s3, s7;
	s7 =	simm.s32 @!p0 $0x108  }
0x21: {  	s3 =	sadd.s32 s3, s9;
	s6 =	sadd.s32 @!p0 $0x88, s6;
	s7 =	simm.s32 @p2 $0x1082  }
0x22: {  	[simem:s7], [sflag:s8] =	dma.local @!p0 [hbm:s6], $0xF7A  }
0x23: {  	s9 =	sor.u32 $0xD0000000, s2;
	s6 =	simm.s32 $0x108;
	_ =	swait.ge @!p0 [sflag:s8], $0x0  }
0x24: {  	s3 =	sadd.s32 $0x88, s3;
	s6 =	simm.s32 @!p1 $0x1082;
	[sflag:s4] =	ssyncset.s32 $0xFFFFF086  }
0x25: {  	[simem:s6], [sflag:s4] =	dma.local [hbm:s3], $0xF7A  }
0x26: {  	[smem:$0x3F9D] =	sst s1;
	(tag) =	ssettag s2;
	_ =	strace s9  }
0x27: {  	s1 =	sld [smem:$0x3FAD]  }
0x28: {  	s2 =	sld [smem:$0x3FAE]  }
0x29: {  	s4 =	sld [smem:$0x3FB0]  }
0x2a: {  	p0 =	seq.s32 s5, $0x0;
	s5 =	sld [smem:$0x3FB1]  }
0x2b: {  	s6 =	sld [smem:$0x3FB2]  }
0x2c: {  	s7 =	sld [smem:$0x3FB3]  }
0x2d: {  	s3 =	simm.s32 $0x108;
	s8 =	sld [smem:$0x3FB4]  }
0x2e: {  	s3 =	simm.s32 @!p0 $0x1082;
	s9 =	sld [smem:$0x3FB5]  }
0x2f: {  	lr =	sadd.s32 s0, s3;
	s0 =	sld [smem:$0x3FAC]  }
0x30: {  	s3 =	sld [smem:$0x3FAF]  }
0x31: {  	[smem:$0x3FB8] =	sst s10  }
0x32: {  	s10 =	sld [smem:$0x3FB6];
	_ =	sdelay $0x3  }
0x33: {  	p0 =	seq.s32 s10, $0x1;
	s10 =	sld [smem:$0x3FB8];
	_ =	sdelay $0x3  }
0x34: {  	[smem:$0x3FB8] =	sst s10  }
0x35: {  	s10 =	sld [smem:$0x3FB7];
	_ =	sdelay $0x3  }
0x36: {  	p1 =	seq.s32 s10, $0x1;
	s10 =	sld [smem:$0x3FB8];
	_ =	sdelay $0x3  }
0x37: {  	[smem:$0x3FB8] =	sst s10  }
0x38: {  	s10 =	sld [smem:$0x3FB9]  }
0x39: {  	_ = 	snop;
	(pc) =	sbr.ind lr, $3  }
0x3a: {  	_ = 	snop  }
0x3b: {  	_ = 	snop  }
0x3c: {  	p2 =	seq.s32 s10, $0x1;
	s10 =	sld [smem:$0x3FB8]  }
0x3d: {  	_ =	shalt  }
0x3e: {  	_ =	shalt  }
0x3f: {  	_ =	shalt  }
0x40: {  	_ =	shalt  }
0x41: {  	_ =	shalt  }
0x42: {  	_ =	shalt  }
0x43: {  	_ =	shalt  }
0x44: {  	_ =	shalt  }
0x45: {  	_ =	shalt  }
0x46: {  	_ =	shalt  }
0x47: {  	_ =	shalt  }
0x48: {  	_ =	shalt  }
0x49: {  	_ =	shalt  }
0x4a: {  	_ =	shalt  }
0x4b: {  	_ =	shalt  }
0x4c: {  	_ =	shalt  }
0x4d: {  	_ =	shalt  }
0x4e: {  	_ =	shalt  }
0x4f: {  	_ =	shalt  }
0x50: {  	_ =	shalt  }
0x51: {  	_ =	shalt  }
0x52: {  	_ =	shalt  }
0x53: {  	_ =	shalt  }
0x54: {  	_ =	shalt  }
0x55: {  	_ =	shalt  }
0x56: {  	_ =	shalt  }
0x57: {  	_ =	shalt  }
0x58: {  	_ =	shalt  }
0x59: {  	_ =	shalt  }
0x5a: {  	_ =	shalt  }
0x5b: {  	_ =	shalt  }
0x5c: {  	_ =	shalt  }
0x5d: {  	_ =	shalt  }
0x5e: {  	_ =	shalt  }
0x5f: {  	_ =	shalt  }
0x60: {  	_ =	shalt  }
0x61: {  	_ =	shalt  }
0x62: {  	_ =	shalt  }
0x63: {  	_ =	shalt  }
0x64: {  	_ =	shalt  }
0x65: {  	_ =	shalt  }
0x66: {  	_ =	shalt  }
0x67: {  	_ =	shalt  }
0x68: {  	_ =	shalt  }
0x69: {  	_ =	shalt  }
0x6a: {  	_ =	shalt  }
0x6b: {  	_ =	shalt  }
0x6c: {  	_ =	shalt  }
0x6d: {  	_ =	shalt  }
0x6e: {  	_ =	shalt  }
0x6f: {  	_ =	shalt  }
0x70: {  	_ =	shalt  }
0x71: {  	_ =	shalt  }
0x72: {  	_ =	shalt  }
0x73: {  	_ =	shalt  }
0x74: {  	_ =	shalt  }
0x75: {  	_ =	shalt  }
0x76: {  	_ =	shalt  }
0x77: {  	_ =	shalt  }
0x78: {  	_ =	shalt  }
0x79: {  	_ =	shalt  }
0x7a: {  	_ =	shalt  }
0x7b: {  	_ =	shalt  }
0x7c: {  	_ =	shalt  }
0x7d: {  	_ =	shalt  }
0x7e: {  	_ =	shalt  }
0x7f: {  	_ =	shalt  }
0x80: {  	_ =	shalt  }
0x81: {  	_ =	shalt  }
0x82: {  	_ =	shalt  }
0x83: {  	_ =	shalt  }
0x84: {  	_ =	shalt  }
0x85: {  	_ =	shalt  }
0x86: {  	_ =	shalt  }
0x87: {  	_ =	shalt  }
.Lfunc_end0:
.L_simem_size_0:
called_computation.1_lowered:
.L_overlay_start_0:
0x88: {  	s2 =	sld [smem:$0x3FD9]  }
0x89: {  	s3 =	sld [smem:$0x3FFE];
	_ =	sdelay $0x1  }
0x8a: {  	s1 =	srdreg.scid  }
0x8b: {  	s0 =	sand.u32 $0x1, s1  }
0x8c: {  	s17 =	sshll.u32 s0, $0xA;
	s2 =	sadd.s32 s3, s2  }
0x8d: {  	s2 =	sadd.s32 s2, s17  }
0x8e: {  	[smem:$0x3FC4] =	sst s2  }
0x8f: {  	_ = 	snop  }
0x90: {  	s2 =	sld [smem:$0x3FC9]  }
0x91: {  	s18 =	sld [smem:$0x3FD0];
	(tm) =	ssettm $0x1  }
0x92: {  	s4 =	sld [smem:$0x3FFB];
	_ =	sdelay $0x3  }
0x93: {  	_ =	strace s4  }
0x94: {  	s4 =	sld [smem:$0x3FFC];
	_ =	sdelay $0x3  }
0x95: {  	_ =	strace s4  }
0x96: {  	s4 =	sld [smem:$0x3FFD];
	_ =	sdelay $0x3  }
0x97: {  	_ =	strace s4  }
0x98: {  	_ =	strace $0x8FFFFFFF  }
0x99: {  	s19 =	sld [smem:$0x3FDB];
	_ =	sdelay $0x1  }
0x9a: {  	s5 =	simm.s32 $_scs_section_size  }
0x9b: {  	s6 =	simm.s32 $_size__tile_overlayer_lowered;
	s7 =	simm.s32 $_tile_overlayer_lowered  }
0x9c: {  	s22 =	simm.s32 $0x1BFF;
	s21 =	sshll.u32 s7, $0x1;
	s4 =	sadd.s32 s5, s19  }
0x9d: {  	s8 =	simm.s32 $0x0;
	s20 =	sshll.u32 s6, $0x1;
	s6 =	sadd.s32 s21, s4  }
0x9e: {  	[timem:s8], [sflag:s22] =	dma.local [hbm:s6], s20  }
0x9f: {  	_ =	swait.ge [sflag:s22], s20  }
0xa0: {  	s5 =	ssub.s32 $0x0, s20;
	[sflag:s22] =	ssyncset.done $0x0  }
0xa1: {  	[sflag:s22] =	ssyncadd.s32 s5;
	_ =	sdelay $0x1  }
0xa2: {  	s23 =	simm.s32 $0x1B8B  }
0xa3: {  	_ =	swait.ge [sflag:s23], $0x1  }
0xa4: {  	[sflag:s23] =	ssyncset.done $0x0  }
0xa5: {  	s25 =	simm.s32 $0x1B8E;
	s24 =	sld [smem:$0x3FFE];
	[sflag:s23] =	ssyncadd.s32 $0xFFFFFFFF  }
0xa6: {  	s26 =	simm.s32 $execute0_lowered;
	[smem:$0x3FD2] =	sst s25  }
0xa7: {  	s6 =	sshll.u32 s26, $0x1;
	_ =	strace $0x80000049;
	[dreg:$0x1] =	wrdreg $0xFFFFFFFF  }
0xa8: {  	s28 =	simm.s32 $_size_execute0_lowered;
	s4 =	sadd.s32 s4, s6;
	[dreg:$0x0] =	wrdreg $0x0  }
0xa9: {  	s6 =	sshll.u32 s28, $0x1;
	[dreg:$0x2] =	wrdreg s4  }
0xaa: {  	[dreg:$0x3] =	wrdreg s6  }
0xab: {  	[dreg:$0x4] =	wrdreg $0xC0  }
0xac: {  	_ =	task [dreg:s8], $0x5FFFF  }
0xad: {  	[dreg:$0x1] =	wrdreg $0xFFFFFFFF  }
0xae: {  	[dreg:$0x0] =	wrdreg $0x60  }
0xaf: {  	[dreg:$0x2] =	wrdreg s2  }
0xb0: {  	[dreg:$0x3] =	wrdreg s18  }
0xb1: {  	[dreg:$0x4] =	wrdreg s24  }
0xb2: {  	[dreg:$0x5] =	wrdreg $0x9  }
0xb3: {  	_ =	task.clear_ibuf [dreg:s8], $0x6FFFF;
	_ =	strace $0x90000049  }
0xb4: {  	s29 =	simm.s32 $0x9;
	_ =	strace $0x8000004B  }
0xb5: {  	_ =	swait.ge [sflag:s29], $0x1  }
0xb6: {  	[sflag:s29] =	ssyncadd.s32 $0xFFFFFFFF  }
0xb7: {  	_ =	strace $0x9000004B  }
0xb8: {  	_ =	sfence  }
0xb9: {  	s30 =	sld [smem:$0x0];
	_ =	sdelay $0x2  }
0xba: {  	s31 =	sshll.u32 s1, $0xD;
	s1 =	sshrl.u32 s1, $0x2  }
0xbb: {  	s3 =	sand.u32 $0x4000, s31;
	s1 =	sadd.s32 s1, s30  }
0xbc: {  	s0 =	sor.u32 s3, s0;
	s1 =	sshll.u32 s1, $0x11  }
0xbd: {  	s0 =	sor.u32 s1, s0  }
0xbe: {  	s0 =	sadd.s32 $0x8F2B, s0  }
0xbf: {  	[sflag:s0] =	ssyncadd.remote.s32 $0x1  }
0xc0: {  	_ =	sfence.sel $0xFFFF  }
0xc1: {  	[dreg:$0x0] =	wrdreg $0xFFFFFFFF;
	(pc) =	sbr.abs _section_cstart, $3  }
0xc2: {  	[dreg:$0x1] =	wrdreg $0xFFFFFFFF  }
0xc3: {  	_ =	task.clear_ibuf [dreg:s8], $0x2FFFF;
	_ =	strace $0x9FFFFFFF  }
0xc4: {  	(tm) =	ssettm $0x7FFFFFFF  }
0xc5: {  	_ =	shalt  }
tec
execute0_lowered:
.L_overlay_start_1:
0x0: {  	(tag) =	ssettag $0x1  }
0x1: {  	s2 =	rddreg [dreg:$0x0]  }
0x2: {  	s4 =	rddreg [dreg:$0x1]  }
0x3: {  	s5 =	rddreg [dreg:$0x2];
	s3 =	simm.s32 $0x0  }
0x4: {  	s26 =	simm.s32 $0xC900;
	[smem:$0x7FF] =	sst s3  }
0x5: {  	s7 =	simm.s32 $0xE100;
	_ =	strace $0x8000004A;
	[dreg:$0x8] =	wrdreg s26  }
0x6: {  	s8 =	simm.s32 $0xE900;
	[dreg:$0xb] =	wrdreg s7  }
0x7: {  	s9 =	simm.s32 $0xF100;
	[dreg:$0xc] =	wrdreg s8  }
0x8: {  	s10 =	simm.s32 $0xF900;
	[dreg:$0xd] =	wrdreg s9  }
0x9: {  	s11 =	simm.s32 $0x10100;
	[dreg:$0xe] =	wrdreg s10  }
0xa: {  	s12 =	simm.s32 $0x10900;
	[dreg:$0xf] =	wrdreg s11  }
0xb: {  	s13 =	simm.s32 $0x11100;
	[dreg:$0x10] =	wrdreg s12  }
0xc: {  	s14 =	simm.s32 $0x11900;
	[dreg:$0x11] =	wrdreg s13  }
0xd: {  	s0 =	srdreg.scid;
	s15 =	simm.s32 $0x12100;
	[dreg:$0x12] =	wrdreg s14  }
0xe: {  	s1 =	stileid.u32;
	s16 =	simm.s32 $0x12900;
	[dreg:$0x13] =	wrdreg s15  }
0xf: {  	s17 =	simm.s32 $0x13100;
	s18 =	simm.s32 $0x13900;
	[dreg:$0x14] =	wrdreg s16  }
0x10: {  	s19 =	simm.s32 $0x14100;
	s20 =	simm.s32 $0x14900;
	[dreg:$0x15] =	wrdreg s17  }
0x11: {  	s21 =	simm.s32 $0x15100;
	s22 =	simm.s32 $0x15900;
	[dreg:$0x16] =	wrdreg s18  }
0x12: {  	s28 =	simm.s32 $0x6900;
	s29 =	simm.s32 $0x7100;
	[dreg:$0x17] =	wrdreg s19  }
0x13: {  	s30 =	simm.s32 $0x7900;
	s31 =	simm.s32 $0x8100;
	[dreg:$0x18] =	wrdreg s20  }
0x14: {  	s0 =	sand.u32 $0x1, s0;
	s1 =	sshll.u32 s1, $0x1;
	[dreg:$0x19] =	wrdreg s21  }
0x15: {  	s1 =	sor.u32 s0, s1;
	s0 =	ssub.s32 $0x2, s0;
	[dreg:$0x1a] =	wrdreg s22  }
0x16: {  	s26 =	simm.s32 $0x17900;
	s9 =	simm.s32 $0x1;
	s11 =	simm.s32 $0x3  }
0x17: {  	s15 =	simm.s32 $0x900;
	s16 =	simm.s32 $0x1100;
	s17 =	simm.s32 $0x1900  }
0x18: {  	s18 =	simm.s32 $0x2100;
	s19 =	simm.s32 $0x2900;
	s1 =	smul.u32 $0xC0, s1  }
0x19: {  	s20 =	simm.s32 $0x3100;
	s21 =	simm.s32 $0x3900;
	s22 =	simm.s32 $0x4100  }
0x1a: {  	s7 =	simm.s32 $0x9900;
	s10 =	simm.s32 $0xA100;
	s1 =	sshrl.u32 s1, $0x3  }
0x1b: {  	[dreg:$0x1e] =	wrdreg s26;
	s6 =	smul.u32 $0x300, s1;
	s1 =	sadd.s32 s4, s1  }
0x1c: {  	s12 =	simm.s32 $0xA900;
	s4 =	simm.s32 $0xD100;
	[dreg:$0x4] =	wrdreg s1  }
0x1d: {  	[dreg:$0x9] =	wrdreg s4;
	s5 =	sadd.s32 s6, s5;
	s6 =	simm.s32 $0xD900  }
0x1e: {  	s8 =	simm.s32 $0xB100;
	s23 =	sadd.s32 $0x2000, s5;
	[dreg:$0xa] =	wrdreg s6  }
0x1f: {  	s26 =	simm.s32 $0x6100;
	s24 =	sadd.s32 $0x3800, s5;
	[dreg:$0x5] =	wrdreg s23  }
0x20: {  	s4 =	sadd.s32 $0x100, s2;
	s25 =	sadd.s32 $0x5000, s5;
	[dreg:$0x6] =	wrdreg s24  }
0x21: {  	s1 =	simm.s32 $0x100;
	[dreg:$0x7] =	wrdreg s25;
	s23 =	simm.s32 $0x16100  }
0x22: {  	s5 =	sshrl.u32 s0, $0x1;
	s24 =	simm.s32 $0x16900;
	[dreg:$0x1b] =	wrdreg s23  }
0x23: {  	v2 =	vlaneseq.u32;
	s0 =	ssub.s32 s0, s5;
	s25 =	simm.s32 $0x17100;
	[dreg:$0x1c] =	wrdreg s24  }
0x24: {  	vm0 =	vmmov $0xffff;
	v1 =	vshrl.u32 v2, $0x3;
	s5 =	sadd.s32 $0x200, s2;
	s6 =	smax.u32 s0, $0x1;
	[dreg:$0x1d] =	wrdreg s25  }
0x25: {  	v0 =	vand.u32 $0x7, v2;
	v2 =	vor.u32 $0x8, v2;
	v1 =	vmul.u32 $0x8, v1;
	s23 =	simm.s32 $0x4900;
	s24 =	simm.s32 $0x5100;
	s25 =	simm.s32 $0x5900  }
.LBB2_1:
0x26: {  	s13 =	rddreg [dreg:$0x4];
	s0 =	simm.s32 $0x5  }
0x27: {  	[tilespmem:s3], [sflag:$0x5] =	stream.linear.gather [hbm4b:s13+s3], $0xC0, $0x38;
	[tilespmem:$0x18100] =	vst v63  }
0x28: {  	_ =	swait.ge [sflag:s0], $0xC0  }
0x29: {  	[sflag:s0] =	ssyncset.done $0x0  }
0x2a: {  	[sflag:s0] =	ssyncadd.s32 $0xFFFFFF40  }
0x2b: {  	v3 =	vld [tilespmem:$0x0];
	_ =	sdelay $0x4  }
0x2c: {  	v4 =	vshrl.u32 v3, $0x3  }
0x2d: {  	v4 =	vmul.u32 $0x30, v4  }
0x2e: {  	v3 =	vand.u32 $0x7, v3  }
0x2f: {  	v3 =	vor.u32 v3, v4  }
0x30: {  	v4 =	vperm.xlane v3, v0;
	_ =	sdelay $0x1  }
0x31: {  	v4 =	vadd.s32 v1, v4;
	_ =	sdelay $0x3  }
0x32: {  	v3 =	vperm.xlane v3, v2  }
0x33: {  	[tilespmem:s1], [sflag:$0x1] =	stream.indirect_vreg.gather [hbm4b:s2+s3], $0x80, v4, vm0, $0xb8;
	[tilespmem:$0x18100] =	vst v63  }
0x34: {  	v3 =	vadd.s32 v1, v3  }
0x35: {  	[tilespmem:s15], [sflag:$0x1] =	stream.indirect_vreg.gather [hbm4b:s4+s3], $0x80, v4, vm0, $0xb8;
	[tilespmem:$0x18100] =	vst v63  }
0x36: {  	_ = 	snop  }
0x37: {  	[tilespmem:s16], [sflag:$0x1] =	stream.indirect_vreg.gather [hbm4b:s5+s3], $0x80, v4, vm0, $0xb8;
	[tilespmem:$0x18100] =	vst v63  }
0x38: {  	_ = 	snop  }
0x39: {  	[tilespmem:s17], [sflag:$0x1] =	stream.indirect_vreg.gather [hbm4b:s2+s3], $0x80, v3, vm0, $0xb8;
	[tilespmem:$0x18100] =	vst v63  }
0x3a: {  	_ = 	snop  }
0x3b: {  	[tilespmem:s18], [sflag:$0x1] =	stream.indirect_vreg.gather [hbm4b:s4+s3], $0x80, v3, vm0, $0xb8;
	[tilespmem:$0x18100] =	vst v63  }
0x3c: {  	_ = 	snop  }
0x3d: {  	[tilespmem:s19], [sflag:$0x1] =	stream.indirect_vreg.gather [hbm4b:s5+s3], $0x80, v3, vm0, $0xb8;
	[tilespmem:$0x18100] =	vst v63  }
0x3e: {  	v3 =	vld [tilespmem:$0x10];
	_ =	sdelay $0x4  }
0x3f: {  	v53 =	vshrl.u32 v3, $0x3  }
0x40: {  	v4 =	vmul.u32 $0x30, v53  }
0x41: {  	v3 =	vand.u32 $0x7, v3  }
0x42: {  	v3 =	vor.u32 v3, v4  }
0x43: {  	v4 =	vperm.xlane v3, v0;
	_ =	sdelay $0x1  }
0x44: {  	v4 =	vadd.s32 v1, v4;
	_ =	sdelay $0x3  }
0x45: {  	v3 =	vperm.xlane v3, v2  }
0x46: {  	[tilespmem:s20], [sflag:$0x1] =	stream.indirect_vreg.gather [hbm4b:s2+s3], $0x80, v4, vm0, $0xb8;
	[tilespmem:$0x18100] =	vst v63  }
0x47: {  	v3 =	vadd.s32 v1, v3  }
0x48: {  	[tilespmem:s21], [sflag:$0x1] =	stream.indirect_vreg.gather [hbm4b:s4+s3], $0x80, v4, vm0, $0xb8;
	[tilespmem:$0x18100] =	vst v63  }
0x49: {  	_ = 	snop  }
0x4a: {  	[tilespmem:s22], [sflag:$0x1] =	stream.indirect_vreg.gather [hbm4b:s5+s3], $0x80, v4, vm0, $0xb8;
	[tilespmem:$0x18100] =	vst v63  }
0x4b: {  	_ = 	snop  }
0x4c: {  	[tilespmem:s23], [sflag:$0x1] =	stream.indirect_vreg.gather [hbm4b:s2+s3], $0x80, v3, vm0, $0xb8;
	[tilespmem:$0x18100] =	vst v63  }
0x4d: {  	_ = 	snop  }
0x4e: {  	[tilespmem:s24], [sflag:$0x1] =	stream.indirect_vreg.gather [hbm4b:s4+s3], $0x80, v3, vm0, $0xb8;
	[tilespmem:$0x18100] =	vst v63  }
0x4f: {  	_ = 	snop  }
0x50: {  	[tilespmem:s25], [sflag:$0x1] =	stream.indirect_vreg.gather [hbm4b:s5+s3], $0x80, v3, vm0, $0xb8;
	[tilespmem:$0x18100] =	vst v63  }
0x51: {  	v3 =	vld [tilespmem:$0x20];
	_ =	sdelay $0x4  }
0x52: {  	v54 =	vshrl.u32 v3, $0x3  }
0x53: {  	v4 =	vmul.u32 $0x30, v54  }
0x54: {  	v3 =	vand.u32 $0x7, v3  }
0x55: {  	v3 =	vor.u32 v3, v4  }
0x56: {  	v4 =	vperm.xlane v3, v0;
	_ =	sdelay $0x1  }
0x57: {  	v4 =	vadd.s32 v1, v4;
	_ =	sdelay $0x3  }
0x58: {  	v3 =	vperm.xlane v3, v2  }
0x59: {  	[tilespmem:s26], [sflag:$0x1] =	stream.indirect_vreg.gather [hbm4b:s2+s3], $0x80, v4, vm0, $0xb8;
	[tilespmem:$0x18100] =	vst v63  }
0x5a: {  	v3 =	vadd.s32 v1, v3  }
0x5b: {  	[tilespmem:s28], [sflag:$0x1] =	stream.indirect_vreg.gather [hbm4b:s4+s3], $0x80, v4, vm0, $0xb8;
	[tilespmem:$0x18100] =	vst v63  }
0x5c: {  	_ = 	snop  }
0x5d: {  	[tilespmem:s29], [sflag:$0x1] =	stream.indirect_vreg.gather [hbm4b:s5+s3], $0x80, v4, vm0, $0xb8;
	[tilespmem:$0x18100] =	vst v63  }
0x5e: {  	_ = 	snop  }
0x5f: {  	[tilespmem:s30], [sflag:$0x1] =	stream.indirect_vreg.gather [hbm4b:s2+s3], $0x80, v3, vm0, $0xb8;
	[tilespmem:$0x18100] =	vst v63  }
0x60: {  	_ = 	snop  }
0x61: {  	[tilespmem:s31], [sflag:$0x1] =	stream.indirect_vreg.gather [hbm4b:s4+s3], $0x80, v3, vm0, $0xb8;
	[tilespmem:$0x18100] =	vst v63  }
0x62: {  	s13 =	simm.s32 $0x8900  }
0x63: {  	[tilespmem:s13], [sflag:$0x1] =	stream.indirect_vreg.gather [hbm4b:s5+s3], $0x80, v3, vm0, $0xb8;
	[tilespmem:$0x18100] =	vst v63  }
0x64: {  	v3 =	vld [tilespmem:$0x30];
	_ =	sdelay $0x4  }
0x65: {  	v55 =	vshrl.u32 v3, $0x3  }
0x66: {  	v4 =	vmul.u32 $0x30, v55  }
0x67: {  	v3 =	vand.u32 $0x7, v3  }
0x68: {  	v3 =	vor.u32 v3, v4  }
0x69: {  	v4 =	vperm.xlane v3, v0;
	_ =	sdelay $0x1  }
0x6a: {  	v4 =	vadd.s32 v1, v4;
	_ =	sdelay $0x3  }
0x6b: {  	s14 =	simm.s32 $0x9100;
	v3 =	vperm.xlane v3, v2  }
0x6c: {  	[tilespmem:s14], [sflag:$0x1] =	stream.indirect_vreg.gather [hbm4b:s2+s3], $0x80, v4, vm0, $0xb8;
	[tilespmem:$0x18100] =	vst v63  }
0x6d: {  	v3 =	vadd.s32 v1, v3  }
0x6e: {  	[tilespmem:s7], [sflag:$0x1] =	stream.indirect_vreg.gather [hbm4b:s4+s3], $0x80, v4, vm0, $0xb8;
	[tilespmem:$0x18100] =	vst v63  }
0x6f: {  	_ = 	snop  }
0x70: {  	[tilespmem:s10], [sflag:$0x1] =	stream.indirect_vreg.gather [hbm4b:s5+s3], $0x80, v4, vm0, $0xb8;
	[tilespmem:$0x18100] =	vst v63  }
0x71: {  	_ = 	snop  }
0x72: {  	[tilespmem:s12], [sflag:$0x1] =	stream.indirect_vreg.gather [hbm4b:s2+s3], $0x80, v3, vm0, $0xb8;
	[tilespmem:$0x18100] =	vst v63  }
0x73: {  	_ = 	snop  }
0x74: {  	[tilespmem:s8], [sflag:$0x1] =	stream.indirect_vreg.gather [hbm4b:s4+s3], $0x80, v3, vm0, $0xb8;
	[tilespmem:$0x18100] =	vst v63  }
0x75: {  	s13 =	simm.s32 $0xB900  }
0x76: {  	[tilespmem:s13], [sflag:$0x1] =	stream.indirect_vreg.gather [hbm4b:s5+s3], $0x80, v3, vm0, $0xb8;
	[tilespmem:$0x18100] =	vst v63  }
0x77: {  	v3 =	vld [tilespmem:$0x40];
	_ =	sdelay $0x4  }
0x78: {  	v56 =	vshrl.u32 v3, $0x3  }
0x79: {  	v4 =	vmul.u32 $0x30, v56  }
0x7a: {  	v3 =	vand.u32 $0x7, v3  }
0x7b: {  	v3 =	vor.u32 v3, v4  }
0x7c: {  	v4 =	vperm.xlane v3, v0;
	_ =	sdelay $0x1  }
0x7d: {  	v4 =	vadd.s32 v1, v4;
	_ =	sdelay $0x3  }
0x7e: {  	s0 =	simm.s32 $0xC100;
	v3 =	vperm.xlane v3, v2  }
0x7f: {  	[tilespmem:s0], [sflag:$0x2] =	stream.indirect_vreg.gather [hbm4b:s2+s3], $0x80, v4, vm0, $0xb8;
	[tilespmem:$0x18100] =	vst v63  }
0x80: {  	s13 =	rddreg [dreg:$0x8];
	v3 =	vadd.s32 v1, v3  }
0x81: {  	[tilespmem:s13], [sflag:$0x2] =	stream.indirect_vreg.gather [hbm4b:s4+s3], $0x80, v4, vm0, $0xb8;
	[tilespmem:$0x18100] =	vst v63  }
0x82: {  	s14 =	rddreg [dreg:$0x9]  }
0x83: {  	[tilespmem:s14], [sflag:$0x2] =	stream.indirect_vreg.gather [hbm4b:s5+s3], $0x80, v4, vm0, $0xb8;
	[tilespmem:$0x18100] =	vst v63  }
0x84: {  	s13 =	rddreg [dreg:$0xa]  }
0x85: {  	[tilespmem:s13], [sflag:$0x2] =	stream.indirect_vreg.gather [hbm4b:s2+s3], $0x80, v3, vm0, $0xb8;
	[tilespmem:$0x18100] =	vst v63  }
0x86: {  	s14 =	rddreg [dreg:$0xb]  }
0x87: {  	[tilespmem:s14], [sflag:$0x2] =	stream.indirect_vreg.gather [hbm4b:s4+s3], $0x80, v3, vm0, $0xb8;
	[tilespmem:$0x18100] =	vst v63  }
0x88: {  	s13 =	rddreg [dreg:$0xc]  }
0x89: {  	[tilespmem:s13], [sflag:$0x2] =	stream.indirect_vreg.gather [hbm4b:s5+s3], $0x80, v3, vm0, $0xb8;
	[tilespmem:$0x18100] =	vst v63  }
0x8a: {  	v3 =	vld [tilespmem:$0x50];
	_ =	sdelay $0x4  }
0x8b: {  	v57 =	vshrl.u32 v3, $0x3  }
0x8c: {  	v4 =	vmul.u32 $0x30, v57  }
0x8d: {  	v3 =	vand.u32 $0x7, v3  }
0x8e: {  	v3 =	vor.u32 v3, v4  }
0x8f: {  	v4 =	vperm.xlane v3, v0;
	_ =	sdelay $0x1  }
0x90: {  	v4 =	vadd.s32 v1, v4;
	_ =	sdelay $0x3  }
0x91: {  	s13 =	rddreg [dreg:$0xd];
	v3 =	vperm.xlane v3, v2  }
0x92: {  	[tilespmem:s13], [sflag:$0x2] =	stream.indirect_vreg.gather [hbm4b:s2+s3], $0x80, v4, vm0, $0xb8;
	[tilespmem:$0x18100] =	vst v63  }
0x93: {  	s14 =	rddreg [dreg:$0xe];
	v3 =	vadd.s32 v1, v3  }
0x94: {  	[tilespmem:s14], [sflag:$0x2] =	stream.indirect_vreg.gather [hbm4b:s4+s3], $0x80, v4, vm0, $0xb8;
	[tilespmem:$0x18100] =	vst v63  }
0x95: {  	s13 =	rddreg [dreg:$0xf]  }
0x96: {  	[tilespmem:s13], [sflag:$0x2] =	stream.indirect_vreg.gather [hbm4b:s5+s3], $0x80, v4, vm0, $0xb8;
	[tilespmem:$0x18100] =	vst v63  }
0x97: {  	s14 =	rddreg [dreg:$0x10]  }
0x98: {  	[tilespmem:s14], [sflag:$0x2] =	stream.indirect_vreg.gather [hbm4b:s2+s3], $0x80, v3, vm0, $0xb8;
	[tilespmem:$0x18100] =	vst v63  }
0x99: {  	s13 =	rddreg [dreg:$0x11]  }
0x9a: {  	[tilespmem:s13], [sflag:$0x2] =	stream.indirect_vreg.gather [hbm4b:s4+s3], $0x80, v3, vm0, $0xb8;
	[tilespmem:$0x18100] =	vst v63  }
0x9b: {  	s14 =	rddreg [dreg:$0x12]  }
0x9c: {  	[tilespmem:s14], [sflag:$0x2] =	stream.indirect_vreg.gather [hbm4b:s5+s3], $0x80, v3, vm0, $0xb8;
	[tilespmem:$0x18100] =	vst v63  }
0x9d: {  	v3 =	vld [tilespmem:$0x60];
	_ =	sdelay $0x4  }
0x9e: {  	v58 =	vshrl.u32 v3, $0x3  }
0x9f: {  	v4 =	vmul.u32 $0x30, v58  }
0xa0: {  	v3 =	vand.u32 $0x7, v3  }
0xa1: {  	v3 =	vor.u32 v3, v4  }
0xa2: {  	v4 =	vperm.xlane v3, v0;
	_ =	sdelay $0x1  }
0xa3: {  	v4 =	vadd.s32 v1, v4;
	_ =	sdelay $0x3  }
0xa4: {  	s13 =	rddreg [dreg:$0x13];
	v3 =	vperm.xlane v3, v2  }
0xa5: {  	[tilespmem:s13], [sflag:$0x2] =	stream.indirect_vreg.gather [hbm4b:s2+s3], $0x80, v4, vm0, $0xb8;
	[tilespmem:$0x18100] =	vst v63  }
0xa6: {  	s14 =	rddreg [dreg:$0x14];
	v3 =	vadd.s32 v1, v3  }
0xa7: {  	[tilespmem:s14], [sflag:$0x2] =	stream.indirect_vreg.gather [hbm4b:s4+s3], $0x80, v4, vm0, $0xb8;
	[tilespmem:$0x18100] =	vst v63  }
0xa8: {  	s13 =	rddreg [dreg:$0x15]  }
0xa9: {  	[tilespmem:s13], [sflag:$0x2] =	stream.indirect_vreg.gather [hbm4b:s5+s3], $0x80, v4, vm0, $0xb8;
	[tilespmem:$0x18100] =	vst v63  }
0xaa: {  	s14 =	rddreg [dreg:$0x16]  }
0xab: {  	[tilespmem:s14], [sflag:$0x2] =	stream.indirect_vreg.gather [hbm4b:s2+s3], $0x80, v3, vm0, $0xb8;
	[tilespmem:$0x18100] =	vst v63  }
0xac: {  	s13 =	rddreg [dreg:$0x17]  }
0xad: {  	[tilespmem:s13], [sflag:$0x2] =	stream.indirect_vreg.gather [hbm4b:s4+s3], $0x80, v3, vm0, $0xb8;
	[tilespmem:$0x18100] =	vst v63  }
0xae: {  	s14 =	rddreg [dreg:$0x18]  }
0xaf: {  	[tilespmem:s14], [sflag:$0x2] =	stream.indirect_vreg.gather [hbm4b:s5+s3], $0x80, v3, vm0, $0xb8;
	[tilespmem:$0x18100] =	vst v63  }
0xb0: {  	v3 =	vld [tilespmem:$0x70];
	_ =	sdelay $0x4  }
0xb1: {  	v59 =	vshrl.u32 v3, $0x3  }
0xb2: {  	v4 =	vmul.u32 $0x30, v59  }
0xb3: {  	v3 =	vand.u32 $0x7, v3  }
0xb4: {  	v3 =	vor.u32 v3, v4  }
0xb5: {  	v4 =	vperm.xlane v3, v0;
	_ =	sdelay $0x1  }
0xb6: {  	v4 =	vadd.s32 v1, v4;
	_ =	sdelay $0x3  }
0xb7: {  	s13 =	rddreg [dreg:$0x19];
	v3 =	vperm.xlane v3, v2  }
0xb8: {  	[tilespmem:s13], [sflag:$0x2] =	stream.indirect_vreg.gather [hbm4b:s2+s3], $0x80, v4, vm0, $0xb8;
	[tilespmem:$0x18100] =	vst v63  }
0xb9: {  	s14 =	rddreg [dreg:$0x1a];
	v3 =	vadd.s32 v1, v3  }
0xba: {  	[tilespmem:s14], [sflag:$0x2] =	stream.indirect_vreg.gather [hbm4b:s4+s3], $0x80, v4, vm0, $0xb8;
	[tilespmem:$0x18100] =	vst v63  }
0xbb: {  	s13 =	rddreg [dreg:$0x1b]  }
0xbc: {  	[tilespmem:s13], [sflag:$0x2] =	stream.indirect_vreg.gather [hbm4b:s5+s3], $0x80, v4, vm0, $0xb8;
	[tilespmem:$0x18100] =	vst v63  }
0xbd: {  	s14 =	rddreg [dreg:$0x1c]  }
0xbe: {  	[tilespmem:s14], [sflag:$0x2] =	stream.indirect_vreg.gather [hbm4b:s2+s3], $0x80, v3, vm0, $0xb8;
	[tilespmem:$0x18100] =	vst v63  }
0xbf: {  	s13 =	rddreg [dreg:$0x1d]  }
0xc0: {  	[tilespmem:s13], [sflag:$0x2] =	stream.indirect_vreg.gather [hbm4b:s4+s3], $0x80, v3, vm0, $0xb8;
	[tilespmem:$0x18100] =	vst v63  }
0xc1: {  	s14 =	rddreg [dreg:$0x1e]  }
0xc2: {  	[tilespmem:s14], [sflag:$0x2] =	stream.indirect_vreg.gather [hbm4b:s5+s3], $0x80, v3, vm0, $0xb8;
	[tilespmem:$0x18100] =	vst v63  }
0xc3: {  	_ =	swait.ge [sflag:s9], $0xC000  }
0xc4: {  	[sflag:s9] =	ssyncset.done $0x0  }
0xc5: {  	s14 =	rddreg [dreg:$0x5];
	[sflag:s9] =	ssyncadd.s32 $0xFFFF4000  }
0xc6: {  	[hbm4b:s14+s3] =	stream.linear.scatter [tilespmem:s1], [sflag:$0x3], $0xC000, $0x38;
	[tilespmem:$0x18100] =	vst v63  }
0xc7: {  	s14 =	simm.s32 $0x2  }
0xc8: {  	_ =	swait.ge [sflag:s14], $0xC000  }
0xc9: {  	[sflag:s14] =	ssyncset.done $0x0  }
0xca: {  	s13 =	rddreg [dreg:$0x6];
	[sflag:s14] =	ssyncadd.s32 $0xFFFF4000  }
0xcb: {  	[hbm4b:s13+s3] =	stream.linear.scatter [tilespmem:s0], [sflag:$0x4], $0xC000, $0x38;
	[tilespmem:$0x18100] =	vst v63  }
0xcc: {  	_ =	swait.ge [sflag:s11], $0xC000  }
0xcd: {  	[sflag:s11] =	ssyncset.done $0x0  }
0xce: {  	[sflag:s11] =	ssyncadd.s32 $0xFFFF4000  }
0xcf: {  	v3 =	vld [tilespmem:$0x80];
	_ =	sdelay $0x4  }
0xd0: {  	v60 =	vshrl.u32 v3, $0x3  }
0xd1: {  	v4 =	vmul.u32 $0x30, v60  }
0xd2: {  	v3 =	vand.u32 $0x7, v3  }
0xd3: {  	v3 =	vor.u32 v3, v4  }
0xd4: {  	v4 =	vperm.xlane v3, v0;
	_ =	sdelay $0x1  }
0xd5: {  	v4 =	vadd.s32 v1, v4;
	_ =	sdelay $0x3  }
0xd6: {  	v3 =	vperm.xlane v3, v2  }
0xd7: {  	[tilespmem:s1], [sflag:$0x1] =	stream.indirect_vreg.gather [hbm4b:s2+s3], $0x80, v4, vm0, $0xb8;
	[tilespmem:$0x18100] =	vst v63  }
0xd8: {  	v3 =	vadd.s32 v1, v3  }
0xd9: {  	[tilespmem:s15], [sflag:$0x1] =	stream.indirect_vreg.gather [hbm4b:s4+s3], $0x80, v4, vm0, $0xb8;
	[tilespmem:$0x18100] =	vst v63  }
0xda: {  	_ = 	snop  }
0xdb: {  	[tilespmem:s16], [sflag:$0x1] =	stream.indirect_vreg.gather [hbm4b:s5+s3], $0x80, v4, vm0, $0xb8;
	[tilespmem:$0x18100] =	vst v63  }
0xdc: {  	_ = 	snop  }
0xdd: {  	[tilespmem:s17], [sflag:$0x1] =	stream.indirect_vreg.gather [hbm4b:s2+s3], $0x80, v3, vm0, $0xb8;
	[tilespmem:$0x18100] =	vst v63  }
0xde: {  	_ = 	snop  }
0xdf: {  	[tilespmem:s18], [sflag:$0x1] =	stream.indirect_vreg.gather [hbm4b:s4+s3], $0x80, v3, vm0, $0xb8;
	[tilespmem:$0x18100] =	vst v63  }
0xe0: {  	_ = 	snop  }
0xe1: {  	[tilespmem:s19], [sflag:$0x1] =	stream.indirect_vreg.gather [hbm4b:s5+s3], $0x80, v3, vm0, $0xb8;
	[tilespmem:$0x18100] =	vst v63  }
0xe2: {  	v3 =	vld [tilespmem:$0x90];
	_ =	sdelay $0x4  }
0xe3: {  	v61 =	vshrl.u32 v3, $0x3  }
0xe4: {  	v4 =	vmul.u32 $0x30, v61  }
0xe5: {  	v3 =	vand.u32 $0x7, v3  }
0xe6: {  	v3 =	vor.u32 v3, v4  }
0xe7: {  	v4 =	vperm.xlane v3, v0;
	_ =	sdelay $0x1  }
0xe8: {  	v4 =	vadd.s32 v1, v4;
	_ =	sdelay $0x3  }
0xe9: {  	v3 =	vperm.xlane v3, v2  }
0xea: {  	[tilespmem:s20], [sflag:$0x1] =	stream.indirect_vreg.gather [hbm4b:s2+s3], $0x80, v4, vm0, $0xb8;
	[tilespmem:$0x18100] =	vst v63  }
0xeb: {  	v3 =	vadd.s32 v1, v3  }
0xec: {  	[tilespmem:s21], [sflag:$0x1] =	stream.indirect_vreg.gather [hbm4b:s4+s3], $0x80, v4, vm0, $0xb8;
	[tilespmem:$0x18100] =	vst v63  }
0xed: {  	_ = 	snop  }
0xee: {  	[tilespmem:s22], [sflag:$0x1] =	stream.indirect_vreg.gather [hbm4b:s5+s3], $0x80, v4, vm0, $0xb8;
	[tilespmem:$0x18100] =	vst v63  }
0xef: {  	_ = 	snop  }
0xf0: {  	[tilespmem:s23], [sflag:$0x1] =	stream.indirect_vreg.gather [hbm4b:s2+s3], $0x80, v3, vm0, $0xb8;
	[tilespmem:$0x18100] =	vst v63  }
0xf1: {  	_ = 	snop  }
0xf2: {  	[tilespmem:s24], [sflag:$0x1] =	stream.indirect_vreg.gather [hbm4b:s4+s3], $0x80, v3, vm0, $0xb8;
	[tilespmem:$0x18100] =	vst v63  }
0xf3: {  	_ = 	snop  }
0xf4: {  	[tilespmem:s25], [sflag:$0x1] =	stream.indirect_vreg.gather [hbm4b:s5+s3], $0x80, v3, vm0, $0xb8;
	[tilespmem:$0x18100] =	vst v63  }
0xf5: {  	v3 =	vld [tilespmem:$0xA0];
	_ =	sdelay $0x4  }
0xf6: {  	v62 =	vshrl.u32 v3, $0x3  }
0xf7: {  	v4 =	vmul.u32 $0x30, v62  }
0xf8: {  	v3 =	vand.u32 $0x7, v3  }
0xf9: {  	v3 =	vor.u32 v3, v4  }
0xfa: {  	v4 =	vperm.xlane v3, v0;
	_ =	sdelay $0x1  }
0xfb: {  	v4 =	vadd.s32 v1, v4;
	_ =	sdelay $0x3  }
0xfc: {  	v3 =	vperm.xlane v3, v2  }
0xfd: {  	[tilespmem:s26], [sflag:$0x1] =	stream.indirect_vreg.gather [hbm4b:s2+s3], $0x80, v4, vm0, $0xb8;
	[tilespmem:$0x18100] =	vst v63  }
0xfe: {  	v3 =	vadd.s32 v1, v3  }
0xff: {  	[tilespmem:s28], [sflag:$0x1] =	stream.indirect_vreg.gather [hbm4b:s4+s3], $0x80, v4, vm0, $0xb8;
	[tilespmem:$0x18100] =	vst v63  }
0x100: {  	_ = 	snop  }
0x101: {  	[tilespmem:s29], [sflag:$0x1] =	stream.indirect_vreg.gather [hbm4b:s5+s3], $0x80, v4, vm0, $0xb8;
	[tilespmem:$0x18100] =	vst v63  }
0x102: {  	_ = 	snop  }
0x103: {  	[tilespmem:s30], [sflag:$0x1] =	stream.indirect_vreg.gather [hbm4b:s2+s3], $0x80, v3, vm0, $0xb8;
	[tilespmem:$0x18100] =	vst v63  }
0x104: {  	_ = 	snop  }
0x105: {  	[tilespmem:s31], [sflag:$0x1] =	stream.indirect_vreg.gather [hbm4b:s4+s3], $0x80, v3, vm0, $0xb8;
	[tilespmem:$0x18100] =	vst v63  }
0x106: {  	s14 =	simm.s32 $0x8900  }
0x107: {  	[tilespmem:s14], [sflag:$0x1] =	stream.indirect_vreg.gather [hbm4b:s5+s3], $0x80, v3, vm0, $0xb8;
	[tilespmem:$0x18100] =	vst v63  }
0x108: {  	v3 =	vld [tilespmem:$0xB0];
	_ =	sdelay $0x4  }
0x109: {  	v63 =	vshrl.u32 v3, $0x3  }
0x10a: {  	v4 =	vmul.u32 $0x30, v63  }
0x10b: {  	v3 =	vand.u32 $0x7, v3  }
0x10c: {  	v3 =	vor.u32 v3, v4  }
0x10d: {  	v4 =	vperm.xlane v3, v0;
	_ =	sdelay $0x1  }
0x10e: {  	v4 =	vadd.s32 v1, v4;
	_ =	sdelay $0x3  }
0x10f: {  	s13 =	simm.s32 $0x9100;
	v3 =	vperm.xlane v3, v2  }
0x110: {  	[tilespmem:s13], [sflag:$0x1] =	stream.indirect_vreg.gather [hbm4b:s2+s3], $0x80, v4, vm0, $0xb8;
	[tilespmem:$0x18100] =	vst v63  }
0x111: {  	v3 =	vadd.s32 v1, v3  }
0x112: {  	[tilespmem:s7], [sflag:$0x1] =	stream.indirect_vreg.gather [hbm4b:s4+s3], $0x80, v4, vm0, $0xb8;
	[tilespmem:$0x18100] =	vst v63  }
0x113: {  	_ = 	snop  }
0x114: {  	[tilespmem:s10], [sflag:$0x1] =	stream.indirect_vreg.gather [hbm4b:s5+s3], $0x80, v4, vm0, $0xb8;
	[tilespmem:$0x18100] =	vst v63  }
0x115: {  	_ = 	snop  }
0x116: {  	[tilespmem:s12], [sflag:$0x1] =	stream.indirect_vreg.gather [hbm4b:s2+s3], $0x80, v3, vm0, $0xb8;
	[tilespmem:$0x18100] =	vst v63  }
0x117: {  	_ = 	snop  }
0x118: {  	[tilespmem:s8], [sflag:$0x1] =	stream.indirect_vreg.gather [hbm4b:s4+s3], $0x80, v3, vm0, $0xb8;
	[tilespmem:$0x18100] =	vst v63  }
0x119: {  	s14 =	simm.s32 $0xB900  }
0x11a: {  	[tilespmem:s14], [sflag:$0x1] =	stream.indirect_vreg.gather [hbm4b:s5+s3], $0x80, v3, vm0, $0xb8;
	[tilespmem:$0x18100] =	vst v63  }
0x11b: {  	_ =	swait.ge [sflag:s9], $0xC000  }
0x11c: {  	[sflag:s9] =	ssyncset.done $0x0  }
0x11d: {  	s14 =	simm.s32 $0x4;
	s0 =	rddreg [dreg:$0x7];
	[sflag:s9] =	ssyncadd.s32 $0xFFFF4000  }
0x11e: {  	[hbm4b:s0+s3] =	stream.linear.scatter [tilespmem:s1], [sflag:$0x3], $0xC000, $0x38;
	[tilespmem:$0x18100] =	vst v63  }
0x11f: {  	p0 =	sne.s32 s6, $0x1;
	_ =	swait.ge [sflag:s14], $0xC000  }
.Ltmp0:
0x120: {  	[sflag:s14] =	ssyncset.done $0x0;
	(pc) =	sbr.rel @p0 .LBB2_1-.Ltmp0, $4  }
0x121: {  	[sflag:s14] =	ssyncadd.s32 $0xFFFF4000  }
0x122: {  	_ =	swait.ge [sflag:s11], $0xC000  }
0x123: {  	[sflag:s11] =	ssyncset.done $0x0  }
0x124: {  	s6 =	sadd.s32 $0xFFFFFFFF, s6;
	[sflag:s11] =	ssyncadd.s32 $0xFFFF4000  }
0x125: {  	_ =	sfence.sel $0x180000  }
0x126: {  	[bflag:$0x0] =	sbarrier.arrive $0xFFFF  }
0x127: {  	_ =	strace $0x9000004A  }
0x128: {  	s0 =	stileid.u32;
	[bflag:$0x2] =	sbarrier.arrive $0xFFFF  }
0x129: {  	p0 =	sne.s32 s0, $0x0;
	s0 =	rddreg [dreg:$0x3]  }
0x12a: {  	s0 =	sadd.s32 @!p0 $0x100000, s0  }
0x12b: {  	[sflag:s0] =	ssyncadd.tile.s32 @!p0 $0x1;
	_ =	shalt  }
.Lfunc_end2:
_tile_overlayer_lowered:
.L_overlay_start_2:
0x12c: {  	(tag) =	ssettag $0x2  }
0x12d: {  	s0 =	rddreg [dreg:$0x0];
	s2 =	stileid.u32  }
0x12e: {  	s1 =	rddreg [dreg:$0x1];
	p0 =	sne.s32 s2, $0x0  }
0x12f: {  	s3 =	rddreg [dreg:$0x2];
	[bflag:$0x3] =	sbarrier.arrive $0xFFFF;
	s2 =	simm.s32 @!p0 $0x1C05  }
0x130: {  	[timem:s3], [sflag:s2] =	dma.local @!p0 [hbm:s0], s1  }
0x131: {  	s0 =	simm.s32 @!p0 $0x5  }
0x132: {  	_ =	swait.ge @!p0 [sflag:s0], s1  }
0x133: {  	s1 =	ssub.s32 @!p0 $0x0, s1;
	[sflag:s0] =	ssyncset.done @!p0 $0x0  }
0x134: {  	[sflag:s0] =	ssyncadd.s32 @!p0 s1  }
0x135: {  	[bflag:$0x3] =	sbarrier.arrive $0xFFFF  }
0x136: {  	_ =	shalt  }

</sc_bundles>
